<compile_context>
chip_gen: v7x
topology: tpu7x:2x2x1
jax: 0.10.2.dev20260603
libtpu: 0.0.44.dev20260713+nightly
codegen_flags: <defaults>
</compile_context>

<pallas_src>
import functools

import jax
import jax.numpy as jnp
from jax import lax
from jax.experimental import pallas as pl
from jax.experimental.pallas import tpu as pltpu
from jax.experimental.pallas import tpu_sc as plsc

N = 10000
D = 128
H = 128
E = 320000


def _tc_prologue_body(x_ref, wt_ref, as_ref, ad_ref, h_ref, a_s_ref, a_d_ref,
                      m_s_ref, m_d_ref):
    xb = jnp.maximum(x_ref[...], 0.0)
    h = jnp.dot(xb, wt_ref[...], preferred_element_type=jnp.float32,
                 precision=lax.Precision.HIGHEST)
    h_ref[...] = h
    a_s = jnp.dot(h, as_ref[...], preferred_element_type=jnp.float32,
                 precision=lax.Precision.HIGHEST)
    a_d = jnp.dot(h, ad_ref[...], preferred_element_type=jnp.float32,
                 precision=lax.Precision.HIGHEST)
    a_s_ref[...] = a_s
    a_d_ref[...] = a_d
    m_s_ref[...] = jnp.max(a_s, keepdims=True)
    m_d_ref[...] = jnp.max(a_d, keepdims=True)


def _tc_prologue(x, w_t, att_s_col, att_d_col):
    return pl.pallas_call(
        _tc_prologue_body,
        out_shape=(
            jax.ShapeDtypeStruct((N, H), jnp.float32),
            jax.ShapeDtypeStruct((N, 1), jnp.float32),
            jax.ShapeDtypeStruct((N, 1), jnp.float32),
            jax.ShapeDtypeStruct((1, 1), jnp.float32),
            jax.ShapeDtypeStruct((1, 1), jnp.float32),
        ),
    )(x, w_t, att_s_col, att_d_col)


def _gru_gates(gi, bhh_row):
    r = jax.nn.sigmoid(gi[:, :H] + bhh_row[:, :H])
    z = jax.nn.sigmoid(gi[:, H:2 * H] + bhh_row[:, H:2 * H])
    n = jnp.tanh(gi[:, 2 * H:] + r * bhh_row[:, 2 * H:])
    return (1.0 - z) * n


def _tc_mid_body(acc_ref, dent_ref, bg_ref, wih0_ref, bih0_ref, bhh0_ref,
                 wih1_ref, bih1_ref, bhh1_ref, wt_ref, as_ref, ad_ref,
                 h_ref, a_s_ref, a_d_ref, m_s_ref, m_d_ref):
    p = acc_ref[0, :N, :] + acc_ref[1, :N, :]
    dsum = jnp.sum(dent_ref[...], axis=1, keepdims=True) + 1e-16
    x2 = p / dsum + bg_ref[...]
    gi0 = jnp.dot(x2, wih0_ref[...], preferred_element_type=jnp.float32,
                 precision=lax.Precision.HIGHEST) \
        + bih0_ref[...]
    x3 = _gru_gates(gi0, bhh0_ref)
    gi1 = jnp.dot(x3, wih1_ref[...], preferred_element_type=jnp.float32,
                 precision=lax.Precision.HIGHEST) \
        + bih1_ref[...]
    x4 = _gru_gates(gi1, bhh1_ref)
    h = jnp.dot(x4, wt_ref[...], preferred_element_type=jnp.float32,
                 precision=lax.Precision.HIGHEST)
    h_ref[...] = h
    a_s = jnp.dot(h, as_ref[...], preferred_element_type=jnp.float32,
                 precision=lax.Precision.HIGHEST)
    a_d = jnp.dot(h, ad_ref[...], preferred_element_type=jnp.float32,
                 precision=lax.Precision.HIGHEST)
    a_s_ref[...] = a_s
    a_d_ref[...] = a_d
    m_s_ref[...] = jnp.max(a_s, keepdims=True)
    m_d_ref[...] = jnp.max(a_d, keepdims=True)


def _tc_mid(acc, dent, bg_row, wih0_t, bih0_row, bhh0_row, wih1_t, bih1_row,
            bhh1_row, w_t, att_s_col, att_d_col):
    return pl.pallas_call(
        _tc_mid_body,
        compiler_params=pltpu.CompilerParams(
            vmem_limit_bytes=100 * 1024 * 1024),
        out_shape=(
            jax.ShapeDtypeStruct((N, H), jnp.float32),
            jax.ShapeDtypeStruct((N, 1), jnp.float32),
            jax.ShapeDtypeStruct((N, 1), jnp.float32),
            jax.ShapeDtypeStruct((1, 1), jnp.float32),
            jax.ShapeDtypeStruct((1, 1), jnp.float32),
        ),
    )(acc, dent, bg_row, wih0_t, bih0_row, bhh0_row, wih1_t, bih1_row,
      bhh1_row, w_t, att_s_col, att_d_col)


def _tc_epilogue_body(acc_ref, dent_ref, bg_ref, wl_ref, bl_ref, y_ref):
    p = acc_ref[0, :N, :] + acc_ref[1, :N, :]
    dsum = jnp.sum(dent_ref[...], axis=1, keepdims=True) + 1e-16
    x2 = p / dsum + bg_ref[...]
    y_ref[...] = jnp.dot(x2, wl_ref[...], preferred_element_type=jnp.float32,
                 precision=lax.Precision.HIGHEST) \
        + bl_ref[...]


def _tc_epilogue(acc, dent, bg_row, wl_col, bl_row):
    return pl.pallas_call(
        _tc_epilogue_body,
        out_shape=jax.ShapeDtypeStruct((N, 1), jnp.float32),
    )(acc, dent, bg_row, wl_col, bl_row)


N_PAD = 10240
NW = 32
E_PER_W = E // NW
SLAB = 128
N_SLABS = -(-E_PER_W // SLAB)
E_W_PAD = N_SLABS * SLAB
GROUPS = SLAB // 16
ROWS_PER_TILE = N_PAD // 16


def _sc_edge_body(srcm_hbm, dstm_hbm, a_s_hbm, a_d_hbm, h_hbm, m_hbm,
                  out_hbm, den_hbm,
                  src_m, dst_m, rows_v, as_buf, ad_buf, ee_buf, zrow, m_v,
                  acc_sp, a_s_sp, a_d_sp, den_sp,
                  sem_r, sem_a, sem_b, sem_w, sem_d):
    cid = lax.axis_index("c")
    sid = lax.axis_index("s")
    wid = cid * 16 + sid
    zero16 = jnp.zeros((16,), jnp.float32)
    iota16 = lax.iota(jnp.int32, 16)

    pltpu.sync_copy(srcm_hbm.at[wid], src_m)
    pltpu.sync_copy(dstm_hbm.at[wid], dst_m)
    pltpu.sync_copy(m_hbm, m_v)
    tchunk = pl.ds(sid * ROWS_PER_TILE, ROWS_PER_TILE)
    pltpu.sync_copy(a_s_hbm.at[tchunk], a_s_sp.at[tchunk])
    pltpu.sync_copy(a_d_hbm.at[tchunk], a_d_sp.at[tchunk])

    for r in range(16):
        for c in range(8):
            rows_v[r, pl.ds(c * 16, 16)] = zero16

    def zr(i, _):
        zrow[pl.ds(i * 16, 16)] = zero16
        return 0
    lax.fori_loop(0, ROWS_PER_TILE // 16, zr, 0)

    def zacc(i, _):
        pltpu.sync_copy(rows_v.at[pl.ds(0, 16), :],
                        acc_sp.at[pl.ds(sid * ROWS_PER_TILE + i * 16, 16), :])
        return 0
    lax.fori_loop(0, ROWS_PER_TILE // 16, zacc, 0)
    pltpu.sync_copy(zrow, den_sp.at[tchunk])

    plsc.subcore_barrier()

    m = m_v[...]

    def slab(s, _):
        ca = pltpu.async_copy(a_s_sp.at[src_m.at[s]], as_buf, sem_a)
        cb = pltpu.async_copy(a_d_sp.at[dst_m.at[s]], ad_buf, sem_b)
        cr = pltpu.async_copy(h_hbm.at[src_m.at[s]], rows_v, sem_r)
        ca.wait()
        cb.wait()
        ees = []
        for g in range(GROUPS):
            sl = pl.ds(g * 16, 16)
            e = as_buf[sl] + ad_buf[sl]
            e = jnp.where(e >= 0.0, e, 0.2 * e)
            ee = jnp.exp(e - m)
            ee_buf[sl] = ee
            ees.append(ee)
        cr.wait()

        def rowscale(g, _):
            ee_g = ee_buf[pl.ds(g * 16, 16)]
            for l in range(16):
                j = g * 16 + l
                ee_s = ee_g[l]
                for k in range(H // 16):
                    sl = pl.ds(k * 16, 16)
                    rows_v[j, sl] = rows_v[j, sl] * ee_s
            return 0
        lax.fori_loop(0, GROUPS, rowscale, 0)

        cw = pltpu.async_copy(rows_v, acc_sp.at[dst_m.at[s]], sem_w, add=True)
        cd = pltpu.async_copy(ee_buf, den_sp.at[dst_m.at[s]], sem_d, add=True)
        cd.wait()
        cw.wait()
        return 0
    lax.fori_loop(0, N_SLABS, slab, 0)

    plsc.subcore_barrier()

    pltpu.sync_copy(den_sp.at[tchunk], den_hbm.at[cid, tchunk])
    pltpu.sync_copy(acc_sp.at[tchunk, :], out_hbm.at[cid, tchunk, :])


@jax.jit
def _edge_stage(src_m, dst_m, a_s_pad, a_d_pad, h, m16):
    fn = pl.kernel(
        _sc_edge_body,
        out_type=(
            jax.ShapeDtypeStruct((2, N_PAD, H), jnp.float32),
            jax.ShapeDtypeStruct((2, N_PAD), jnp.float32),
        ),
        mesh=plsc.VectorSubcoreMesh(core_axis_name="c", subcore_axis_name="s"),
        compiler_params=pltpu.CompilerParams(needs_layout_passes=False),
        scratch_types=[
            pltpu.VMEM((N_SLABS, SLAB), jnp.int32),
            pltpu.VMEM((N_SLABS, SLAB), jnp.int32),
            pltpu.VMEM((SLAB, H), jnp.float32),
            pltpu.VMEM((SLAB,), jnp.float32),
            pltpu.VMEM((SLAB,), jnp.float32),
            pltpu.VMEM((SLAB,), jnp.float32),
            pltpu.VMEM((ROWS_PER_TILE,), jnp.float32),
            pltpu.VMEM((16,), jnp.float32),
            pltpu.VMEM_SHARED((N_PAD, H), jnp.float32),
            pltpu.VMEM_SHARED((N_PAD,), jnp.float32),
            pltpu.VMEM_SHARED((N_PAD,), jnp.float32),
            pltpu.VMEM_SHARED((N_PAD,), jnp.float32),
            pltpu.SemaphoreType.DMA,
            pltpu.SemaphoreType.DMA,
            pltpu.SemaphoreType.DMA,
            pltpu.SemaphoreType.DMA,
            pltpu.SemaphoreType.DMA,
        ],
    )
    return fn(src_m, dst_m, a_s_pad, a_d_pad, h, m16)


def kernel(x, edge_index, edge_attr, W_gat, att_src, att_dst, b_gat,
           Wih0, Whh0, bih0, bhh0, Wih1, Whh1, bih1, bhh1, W_lin, b_lin):
    src = edge_index[0].astype(jnp.int32)
    dst = edge_index[1].astype(jnp.int32)
    src_m = jnp.pad(src.reshape(NW, E_PER_W), ((0, 0), (0, E_W_PAD - E_PER_W)),
                    constant_values=0).reshape(NW, N_SLABS, SLAB)
    dst_m = jnp.pad(dst.reshape(NW, E_PER_W), ((0, 0), (0, E_W_PAD - E_PER_W)),
                    constant_values=N_PAD - 1).reshape(NW, N_SLABS, SLAB)
    w_t = W_gat.T
    att_s_col = att_src.reshape(H, 1)
    att_d_col = att_dst.reshape(H, 1)
    bg_row = b_gat.reshape(1, H)

    def pad_tab(a_col):
        return jnp.pad(a_col[:, 0], (0, N_PAD - N))

    h1, a1s, a1d, m1s, m1d = _tc_prologue(x, w_t, att_s_col, att_d_col)
    M1 = jax.nn.leaky_relu(m1s[0, 0] + m1d[0, 0], 0.2)
    m1v = jnp.full((16,), M1, dtype=jnp.float32)
    acc1, den1 = _edge_stage(src_m, dst_m, pad_tab(a1s), pad_tab(a1d), h1, m1v)
    dent1 = den1[:, :N].T

    h2, a2s, a2d, m2s, m2d = _tc_mid(
        acc1, dent1, bg_row, Wih0.T, bih0.reshape(1, -1), bhh0.reshape(1, -1),
        Wih1.T, bih1.reshape(1, -1), bhh1.reshape(1, -1), w_t,
        att_s_col, att_d_col)
    M2 = jax.nn.leaky_relu(m2s[0, 0] + m2d[0, 0], 0.2)
    m2v = jnp.full((16,), M2, dtype=jnp.float32)
    acc2, den2 = _edge_stage(src_m, dst_m, pad_tab(a2s), pad_tab(a2d), h2, m2v)
    dent2 = den2[:, :N].T

    return _tc_epilogue(acc2, dent2, bg_row, W_lin.T.reshape(H, 1),
                        b_lin.reshape(1, 1))

# --- scband reference (transcript-rebuilt; emitter-appended) ---
"""Pipeline reference for scband-baseline-model-70901320122674 (READ-ONLY COPY).

The authoritative reference and input builder live on the scoring server;
editing this copy changes nothing except your own understanding.
"""

import jax, jax.numpy as jnp
import numpy as np

N_NODES = 10000
N_EDGES = 320000
D = 128
H = 128
TGT = 1

def _gat_conv(x, edge_index, W, att_src, att_dst, bias):
    # PyG GATConv, heads=1, negative_slope=0.2
    h = x @ W.T
    src = edge_index[0]
    dst = edge_index[1]
    alpha_src = (h * att_src).sum(-1)
    alpha_dst = (h * att_dst).sum(-1)
    e = alpha_src[src] + alpha_dst[dst]
    e = jax.nn.leaky_relu(e, 0.2)
    n = x.shape[0]
    emax = jax.ops.segment_max(e, dst, num_segments=n)
    emax = jnp.where(emax <= jnp.finfo(e.dtype).min, 0.0, emax)
    ee = jnp.exp(e - emax[dst])
    denom = jax.ops.segment_sum(ee, dst, num_segments=n)
    alpha = ee / (denom[dst] + 1e-16)
    out = jax.ops.segment_sum(h[src] * alpha[:, None], dst, num_segments=n)
    return out + bias

def _gru_cell(x, h, Wih, Whh, bih, bhh):
    gi = x @ Wih.T + bih
    gh = h @ Whh.T + bhh
    i_r, i_z, i_n = jnp.split(gi, 3, axis=-1)
    h_r, h_z, h_n = jnp.split(gh, 3, axis=-1)
    r = jax.nn.sigmoid(i_r + h_r)
    z = jax.nn.sigmoid(i_z + h_z)
    nn_ = jnp.tanh(i_n + r * h_n)
    return (1.0 - z) * nn_ + z * h

def setup_inputs(seed: int = 0) -> dict:
    key = jax.random.key(seed)
    ks = jax.random.split(key, 20)
    x = jax.random.normal(ks[0], (N_NODES, D), dtype=jnp.float32)
    edge_index = jax.random.randint(ks[1], (2, N_EDGES), 0, N_NODES, dtype=jnp.int64)
    edge_attr = jax.random.normal(ks[2], (N_EDGES, 4), dtype=jnp.float32)
    s = 0.05
    inp = {
        'x': x,
        'edge_index': edge_index,
        'edge_attr': edge_attr,
        'W_gat': jax.random.normal(ks[3], (H, D), dtype=jnp.float32) * s,
        'att_src': jax.random.normal(ks[4], (H,), dtype=jnp.float32) * s,
        'att_dst': jax.random.normal(ks[5], (H,), dtype=jnp.float32) * s,
        'b_gat': jnp.zeros((H,), dtype=jnp.float32),
        'Wih0': jax.random.normal(ks[6], (3 * H, H), dtype=jnp.float32) * s,
        'Whh0': jax.random.normal(ks[7], (3 * H, H), dtype=jnp.float32) * s,
        'bih0': jnp.zeros((3 * H,), dtype=jnp.float32),
        'bhh0': jnp.zeros((3 * H,), dtype=jnp.float32),
        'Wih1': jax.random.normal(ks[8], (3 * H, H), dtype=jnp.float32) * s,
        'Whh1': jax.random.normal(ks[9], (3 * H, H), dtype=jnp.float32) * s,
        'bih1': jnp.zeros((3 * H,), dtype=jnp.float32),
        'bhh1': jnp.zeros((3 * H,), dtype=jnp.float32),
        'W_lin': jax.random.normal(ks[10], (TGT, H), dtype=jnp.float32) * s,
        'b_lin': jnp.zeros((TGT,), dtype=jnp.float32),
    }
    return inp

def reference(x, edge_index, edge_attr, W_gat, att_src, att_dst, b_gat,
              Wih0, Whh0, bih0, bhh0, Wih1, Whh1, bih1, bhh1, W_lin, b_lin):
    # edge_attr is unpacked but unused by the original forward
    x = jax.nn.relu(x)
    x = _gat_conv(x, edge_index, W_gat, att_src, att_dst, b_gat)
    # GRU over seq_len=1, batch=N, h0 = zeros (2 layers)
    h0 = jnp.zeros((x.shape[0], H), dtype=x.dtype)
    out0 = _gru_cell(x, h0, Wih0, Whh0, bih0, bhh0)
    out1 = _gru_cell(out0, h0, Wih1, Whh1, bih1, bhh1)
    x = out1  # x[:, -1, :] with seq_len=1
    x = _gat_conv(x, edge_index, W_gat, att_src, att_dst, b_gat)
    x = x @ W_lin.T + b_lin
    return x

if __name__ == "__main__":
    import jax
    _d = setup_inputs()
    print(jax.jit(kernel)(*tuple(_d.values())))

</pallas_src>

<mosaic_0001>
#map = affine_map<(d0, d1) -> (0, 0, 0)>
#map1 = affine_map<(d0, d1) -> (0)>
#map2 = affine_map<(d0, d1) -> (0, 0)>
module attributes {stable_mosaic.version = 14 : i64} {
  func.func @_sc_edge_body(%arg0: i32, %arg1: i32, %arg2: memref<32x79x128xi32, #tpu.memory_space<hbm>>, %arg3: memref<32x79x128xi32, #tpu.memory_space<hbm>>, %arg4: memref<10240xf32, #tpu.memory_space<hbm>>, %arg5: memref<10240xf32, #tpu.memory_space<hbm>>, %arg6: memref<10000x128xf32, #tpu.memory_space<hbm>>, %arg7: memref<16xf32, #tpu.memory_space<hbm>>, %arg8: memref<2x10240x128xf32, #tpu.memory_space<hbm>>, %arg9: memref<2x10240xf32, #tpu.memory_space<hbm>>, %arg10: memref<79x128xi32, #tpu.memory_space<vmem>>, %arg11: memref<79x128xi32, #tpu.memory_space<vmem>>, %arg12: memref<128x128xf32, #tpu.memory_space<vmem>>, %arg13: memref<128xf32, #tpu.memory_space<vmem>>, %arg14: memref<128xf32, #tpu.memory_space<vmem>>, %arg15: memref<128xf32, #tpu.memory_space<vmem>>, %arg16: memref<640xf32, #tpu.memory_space<vmem>>, %arg17: memref<16xf32, #tpu.memory_space<vmem>>, %arg18: memref<10240x128xf32, #tpu.memory_space<vmem_shared>>, %arg19: memref<10240xf32, #tpu.memory_space<vmem_shared>>, %arg20: memref<10240xf32, #tpu.memory_space<vmem_shared>>, %arg21: memref<10240xf32, #tpu.memory_space<vmem_shared>>, %arg22: memref<!tpu.dma_semaphore, #tpu.memory_space<semaphore_mem>>, %arg23: memref<!tpu.dma_semaphore, #tpu.memory_space<semaphore_mem>>, %arg24: memref<!tpu.dma_semaphore, #tpu.memory_space<semaphore_mem>>, %arg25: memref<!tpu.dma_semaphore, #tpu.memory_space<semaphore_mem>>, %arg26: memref<!tpu.dma_semaphore, #tpu.memory_space<semaphore_mem>>) attributes {dimension_semantics = [#tpu.dimension_semantics<core_parallel>, #tpu.dimension_semantics<subcore_parallel>], iteration_bounds = array<i64: 2, 16>, scalar_prefetch = 0 : i64, scratch_operands = 17 : i64, tpu.core_type = #tpu.core_type<sc_vector_subcore>, window_params = [{transform_indices = #map}, {transform_indices = #map}, {transform_indices = #map1}, {transform_indices = #map1}, {transform_indices = #map2}, {transform_indices = #map1}, {transform_indices = #map}, {transform_indices = #map2}]} {
    %mul3A = arith.constant 16 : i32
    %mul3A_0 = arith.muli %arg0, %mul3A : i32
    %add3A = arith.addi %mul3A_0, %arg1 : i32
    %broadcast_in_dim3A = arith.constant 0.000000e+00 : f32
    %broadcast_in_dim3A_1 = vector.broadcast %broadcast_in_dim3A : f32 to vector<16xf32>
    %iota3A = tpu.iota {dimensions = array<i32: 0>} : vector<16xi32>
    "tpu.region"() ({
      %run_scoped3A = tpu.sem_alloc : memref<!tpu.dma_semaphore, #tpu.memory_space<semaphore_mem>>
      %dma_start3A = arith.constant 0 : i32
      %dma_start3A_537 = arith.constant 0 : i32
      %dma_start3A_538 = tpu.memref_slice %arg2[%add3A, %dma_start3A, %dma_start3A_537] : memref<32x79x128xi32, #tpu.memory_space<hbm>> -> memref<1x79x128xi32, #tpu.memory_space<hbm>>
      %dma_start3A_539 = tpu.memref_squeeze %dma_start3A_538 : memref<1x79x128xi32, #tpu.memory_space<hbm>> -> memref<79x128xi32, #tpu.memory_space<hbm>>
      %dma_start3A_540 = arith.constant 0 : i32
      %dma_start3A_541 = arith.constant 0 : i32
      %dma_start3A_542 = tpu.memref_slice %arg2[%add3A, %dma_start3A_540, %dma_start3A_541] : memref<32x79x128xi32, #tpu.memory_space<hbm>> -> memref<1x79x128xi32, #tpu.memory_space<hbm>>
      %dma_start3A_543 = tpu.memref_squeeze %dma_start3A_542 : memref<1x79x128xi32, #tpu.memory_space<hbm>> -> memref<79x128xi32, #tpu.memory_space<hbm>>
      tpu.enqueue_dma source(%dma_start3A_543 : memref<79x128xi32, #tpu.memory_space<hbm>>) target(%arg10 : memref<79x128xi32, #tpu.memory_space<vmem>>) target_semaphore(%run_scoped3A : memref<!tpu.dma_semaphore, #tpu.memory_space<semaphore_mem>>)
      %dma_wait3A = arith.constant 0 : i32
      %dma_wait3A_544 = arith.constant 0 : i32
      %dma_wait3A_545 = tpu.memref_slice %arg2[%add3A, %dma_wait3A, %dma_wait3A_544] : memref<32x79x128xi32, #tpu.memory_space<hbm>> -> memref<1x79x128xi32, #tpu.memory_space<hbm>>
      %dma_wait3A_546 = tpu.memref_squeeze %dma_wait3A_545 : memref<1x79x128xi32, #tpu.memory_space<hbm>> -> memref<79x128xi32, #tpu.memory_space<hbm>>
      %dma_wait3A_547 = arith.constant 0 : i32
      %dma_wait3A_548 = arith.constant 0 : i32
      %dma_wait3A_549 = tpu.memref_slice %arg2[%add3A, %dma_wait3A_547, %dma_wait3A_548] : memref<32x79x128xi32, #tpu.memory_space<hbm>> -> memref<1x79x128xi32, #tpu.memory_space<hbm>>
      %dma_wait3A_550 = tpu.memref_squeeze %dma_wait3A_549 : memref<1x79x128xi32, #tpu.memory_space<hbm>> -> memref<79x128xi32, #tpu.memory_space<hbm>>
      tpu.wait_dma2 semaphore(%run_scoped3A : memref<!tpu.dma_semaphore, #tpu.memory_space<semaphore_mem>>) src(%dma_wait3A_550 : memref<79x128xi32, #tpu.memory_space<hbm>>) dst(%arg10 : memref<79x128xi32, #tpu.memory_space<vmem>>)
      tpu.yield
    }) : () -> ()
    "tpu.region"() ({
      %run_scoped3A = tpu.sem_alloc : memref<!tpu.dma_semaphore, #tpu.memory_space<semaphore_mem>>
      %dma_start3A = arith.constant 0 : i32
      %dma_start3A_537 = arith.constant 0 : i32
      %dma_start3A_538 = tpu.memref_slice %arg3[%add3A, %dma_start3A, %dma_start3A_537] : memref<32x79x128xi32, #tpu.memory_space<hbm>> -> memref<1x79x128xi32, #tpu.memory_space<hbm>>
      %dma_start3A_539 = tpu.memref_squeeze %dma_start3A_538 : memref<1x79x128xi32, #tpu.memory_space<hbm>> -> memref<79x128xi32, #tpu.memory_space<hbm>>
      %dma_start3A_540 = arith.constant 0 : i32
      %dma_start3A_541 = arith.constant 0 : i32
      %dma_start3A_542 = tpu.memref_slice %arg3[%add3A, %dma_start3A_540, %dma_start3A_541] : memref<32x79x128xi32, #tpu.memory_space<hbm>> -> memref<1x79x128xi32, #tpu.memory_space<hbm>>
      %dma_start3A_543 = tpu.memref_squeeze %dma_start3A_542 : memref<1x79x128xi32, #tpu.memory_space<hbm>> -> memref<79x128xi32, #tpu.memory_space<hbm>>
      tpu.enqueue_dma source(%dma_start3A_543 : memref<79x128xi32, #tpu.memory_space<hbm>>) target(%arg11 : memref<79x128xi32, #tpu.memory_space<vmem>>) target_semaphore(%run_scoped3A : memref<!tpu.dma_semaphore, #tpu.memory_space<semaphore_mem>>)
      %dma_wait3A = arith.constant 0 : i32
      %dma_wait3A_544 = arith.constant 0 : i32
      %dma_wait3A_545 = tpu.memref_slice %arg3[%add3A, %dma_wait3A, %dma_wait3A_544] : memref<32x79x128xi32, #tpu.memory_space<hbm>> -> memref<1x79x128xi32, #tpu.memory_space<hbm>>
      %dma_wait3A_546 = tpu.memref_squeeze %dma_wait3A_545 : memref<1x79x128xi32, #tpu.memory_space<hbm>> -> memref<79x128xi32, #tpu.memory_space<hbm>>
      %dma_wait3A_547 = arith.constant 0 : i32
      %dma_wait3A_548 = arith.constant 0 : i32
      %dma_wait3A_549 = tpu.memref_slice %arg3[%add3A, %dma_wait3A_547, %dma_wait3A_548] : memref<32x79x128xi32, #tpu.memory_space<hbm>> -> memref<1x79x128xi32, #tpu.memory_space<hbm>>
      %dma_wait3A_550 = tpu.memref_squeeze %dma_wait3A_549 : memref<1x79x128xi32, #tpu.memory_space<hbm>> -> memref<79x128xi32, #tpu.memory_space<hbm>>
      tpu.wait_dma2 semaphore(%run_scoped3A : memref<!tpu.dma_semaphore, #tpu.memory_space<semaphore_mem>>) src(%dma_wait3A_550 : memref<79x128xi32, #tpu.memory_space<hbm>>) dst(%arg11 : memref<79x128xi32, #tpu.memory_space<vmem>>)
      tpu.yield
    }) : () -> ()
    "tpu.region"() ({
      %run_scoped3A = tpu.sem_alloc : memref<!tpu.dma_semaphore, #tpu.memory_space<semaphore_mem>>
      tpu.enqueue_dma source(%arg7 : memref<16xf32, #tpu.memory_space<hbm>>) target(%arg17 : memref<16xf32, #tpu.memory_space<vmem>>) target_semaphore(%run_scoped3A : memref<!tpu.dma_semaphore, #tpu.memory_space<semaphore_mem>>)
      tpu.wait_dma2 semaphore(%run_scoped3A : memref<!tpu.dma_semaphore, #tpu.memory_space<semaphore_mem>>) src(%arg7 : memref<16xf32, #tpu.memory_space<hbm>>) dst(%arg17 : memref<16xf32, #tpu.memory_space<vmem>>)
      tpu.yield
    }) : () -> ()
    %mul3A_2 = arith.constant 640 : i32
    %mul3A_3 = arith.muli %arg1, %mul3A_2 : i32
    "tpu.region"() ({
      %run_scoped3A = tpu.sem_alloc : memref<!tpu.dma_semaphore, #tpu.memory_space<semaphore_mem>>
      %dma_start3A = tpu.memref_slice %arg19[%mul3A_3] : memref<10240xf32, #tpu.memory_space<vmem_shared>> -> memref<640xf32, #tpu.memory_space<vmem_shared>>
      %dma_start3A_537 = tpu.memref_slice %arg4[%mul3A_3] : memref<10240xf32, #tpu.memory_space<hbm>> -> memref<640xf32, #tpu.memory_space<hbm>>
      tpu.enqueue_dma source(%dma_start3A_537 : memref<640xf32, #tpu.memory_space<hbm>>) target(%dma_start3A : memref<640xf32, #tpu.memory_space<vmem_shared>>) target_semaphore(%run_scoped3A : memref<!tpu.dma_semaphore, #tpu.memory_space<semaphore_mem>>)
      %dma_wait3A = tpu.memref_slice %arg19[%mul3A_3] : memref<10240xf32, #tpu.memory_space<vmem_shared>> -> memref<640xf32, #tpu.memory_space<vmem_shared>>
      %dma_wait3A_538 = tpu.memref_slice %arg4[%mul3A_3] : memref<10240xf32, #tpu.memory_space<hbm>> -> memref<640xf32, #tpu.memory_space<hbm>>
      tpu.wait_dma2 semaphore(%run_scoped3A : memref<!tpu.dma_semaphore, #tpu.memory_space<semaphore_mem>>) src(%dma_wait3A_538 : memref<640xf32, #tpu.memory_space<hbm>>) dst(%dma_wait3A : memref<640xf32, #tpu.memory_space<vmem_shared>>)
      tpu.yield
    }) : () -> ()
    "tpu.region"() ({
      %run_scoped3A = tpu.sem_alloc : memref<!tpu.dma_semaphore, #tpu.memory_space<semaphore_mem>>
      %dma_start3A = tpu.memref_slice %arg20[%mul3A_3] : memref<10240xf32, #tpu.memory_space<vmem_shared>> -> memref<640xf32, #tpu.memory_space<vmem_shared>>
      %dma_start3A_537 = tpu.memref_slice %arg5[%mul3A_3] : memref<10240xf32, #tpu.memory_space<hbm>> -> memref<640xf32, #tpu.memory_space<hbm>>
      tpu.enqueue_dma source(%dma_start3A_537 : memref<640xf32, #tpu.memory_space<hbm>>) target(%dma_start3A : memref<640xf32, #tpu.memory_space<vmem_shared>>) target_semaphore(%run_scoped3A : memref<!tpu.dma_semaphore, #tpu.memory_space<semaphore_mem>>)
      %dma_wait3A = tpu.memref_slice %arg20[%mul3A_3] : memref<10240xf32, #tpu.memory_space<vmem_shared>> -> memref<640xf32, #tpu.memory_space<vmem_shared>>
      %dma_wait3A_538 = tpu.memref_slice %arg5[%mul3A_3] : memref<10240xf32, #tpu.memory_space<hbm>> -> memref<640xf32, #tpu.memory_space<hbm>>
      tpu.wait_dma2 semaphore(%run_scoped3A : memref<!tpu.dma_semaphore, #tpu.memory_space<semaphore_mem>>) src(%dma_wait3A_538 : memref<640xf32, #tpu.memory_space<hbm>>) dst(%dma_wait3A : memref<640xf32, #tpu.memory_space<vmem_shared>>)
      tpu.yield
    }) : () -> ()
    %swap3A = arith.constant 0 : i32
    %swap3A_4 = arith.index_cast %swap3A : i32 to index
    %swap3A_5 = arith.constant 0 : index
    %swap3A_6 = tpu.vector_load %arg12[%swap3A_4, %swap3A_5] {strides = array<i32>} : memref<128x128xf32, #tpu.memory_space<vmem>>, vector<16xf32>,
    tpu.vector_store %arg12[%swap3A_4, %swap3A_5], %broadcast_in_dim3A_1 {strides = array<i32>} : memref<128x128xf32, #tpu.memory_space<vmem>>, vector<16xf32>,
    %swap3A_7 = arith.constant 0 : i32
    %swap3A_8 = arith.index_cast %swap3A_7 : i32 to index
    %swap3A_9 = arith.constant 16 : index
    %swap3A_10 = tpu.vector_load %arg12[%swap3A_8, %swap3A_9] {strides = array<i32>} : memref<128x128xf32, #tpu.memory_space<vmem>>, vector<16xf32>,
    tpu.vector_store %arg12[%swap3A_8, %swap3A_9], %broadcast_in_dim3A_1 {strides = array<i32>} : memref<128x128xf32, #tpu.memory_space<vmem>>, vector<16xf32>,
    %swap3A_11 = arith.constant 0 : i32
    %swap3A_12 = arith.index_cast %swap3A_11 : i32 to index
    %swap3A_13 = arith.constant 32 : index
    %swap3A_14 = tpu.vector_load %arg12[%swap3A_12, %swap3A_13] {strides = array<i32>} : memref<128x128xf32, #tpu.memory_space<vmem>>, vector<16xf32>,
    tpu.vector_store %arg12[%swap3A_12, %swap3A_13], %broadcast_in_dim3A_1 {strides = array<i32>} : memref<128x128xf32, #tpu.memory_space<vmem>>, vector<16xf32>,
    %swap3A_15 = arith.constant 0 : i32
    %swap3A_16 = arith.index_cast %swap3A_15 : i32 to index
    %swap3A_17 = arith.constant 48 : index
    %swap3A_18 = tpu.vector_load %arg12[%swap3A_16, %swap3A_17] {strides = array<i32>} : memref<128x128xf32, #tpu.memory_space<vmem>>, vector<16xf32>,
    tpu.vector_store %arg12[%swap3A_16, %swap3A_17], %broadcast_in_dim3A_1 {strides = array<i32>} : memref<128x128xf32, #tpu.memory_space<vmem>>, vector<16xf32>,
    %swap3A_19 = arith.constant 0 : i32
    %swap3A_20 = arith.index_cast %swap3A_19 : i32 to index
    %swap3A_21 = arith.constant 64 : index
    %swap3A_22 = tpu.vector_load %arg12[%swap3A_20, %swap3A_21] {strides = array<i32>} : memref<128x128xf32, #tpu.memory_space<vmem>>, vector<16xf32>,
    tpu.vector_store %arg12[%swap3A_20, %swap3A_21], %broadcast_in_dim3A_1 {strides = array<i32>} : memref<128x128xf32, #tpu.memory_space<vmem>>, vector<16xf32>,
    %swap3A_23 = arith.constant 0 : i32
    %swap3A_24 = arith.index_cast %swap3A_23 : i32 to index
    %swap3A_25 = arith.constant 80 : index
    %swap3A_26 = tpu.vector_load %arg12[%swap3A_24, %swap3A_25] {strides = array<i32>} : memref<128x128xf32, #tpu.memory_space<vmem>>, vector<16xf32>,
    tpu.vector_store %arg12[%swap3A_24, %swap3A_25], %broadcast_in_dim3A_1 {strides = array<i32>} : memref<128x128xf32, #tpu.memory_space<vmem>>, vector<16xf32>,
    %swap3A_27 = arith.constant 0 : i32
    %swap3A_28 = arith.index_cast %swap3A_27 : i32 to index
    %swap3A_29 = arith.constant 96 : index
    %swap3A_30 = tpu.vector_load %arg12[%swap3A_28, %swap3A_29] {strides = array<i32>} : memref<128x128xf32, #tpu.memory_space<vmem>>, vector<16xf32>,
    tpu.vector_store %arg12[%swap3A_28, %swap3A_29], %broadcast_in_dim3A_1 {strides = array<i32>} : memref<128x128xf32, #tpu.memory_space<vmem>>, vector<16xf32>,
    %swap3A_31 = arith.constant 0 : i32
    %swap3A_32 = arith.index_cast %swap3A_31 : i32 to index
    %swap3A_33 = arith.constant 112 : index
    %swap3A_34 = tpu.vector_load %arg12[%swap3A_32, %swap3A_33] {strides = array<i32>} : memref<128x128xf32, #tpu.memory_space<vmem>>, vector<16xf32>,
    tpu.vector_store %arg12[%swap3A_32, %swap3A_33], %broadcast_in_dim3A_1 {strides = array<i32>} : memref<128x128xf32, #tpu.memory_space<vmem>>, vector<16xf32>,
    %swap3A_35 = arith.constant 1 : i32
    %swap3A_36 = arith.index_cast %swap3A_35 : i32 to index
    %swap3A_37 = arith.constant 0 : index
    %swap3A_38 = tpu.vector_load %arg12[%swap3A_36, %swap3A_37] {strides = array<i32>} : memref<128x128xf32, #tpu.memory_space<vmem>>, vector<16xf32>,
    tpu.vector_store %arg12[%swap3A_36, %swap3A_37], %broadcast_in_dim3A_1 {strides = array<i32>} : memref<128x128xf32, #tpu.memory_space<vmem>>, vector<16xf32>,
    %swap3A_39 = arith.constant 1 : i32
    %swap3A_40 = arith.index_cast %swap3A_39 : i32 to index
    %swap3A_41 = arith.constant 16 : index
    %swap3A_42 = tpu.vector_load %arg12[%swap3A_40, %swap3A_41] {strides = array<i32>} : memref<128x128xf32, #tpu.memory_space<vmem>>, vector<16xf32>,
    tpu.vector_store %arg12[%swap3A_40, %swap3A_41], %broadcast_in_dim3A_1 {strides = array<i32>} : memref<128x128xf32, #tpu.memory_space<vmem>>, vector<16xf32>,
    %swap3A_43 = arith.constant 1 : i32
    %swap3A_44 = arith.index_cast %swap3A_43 : i32 to index
    %swap3A_45 = arith.constant 32 : index
    %swap3A_46 = tpu.vector_load %arg12[%swap3A_44, %swap3A_45] {strides = array<i32>} : memref<128x128xf32, #tpu.memory_space<vmem>>, vector<16xf32>,
    tpu.vector_store %arg12[%swap3A_44, %swap3A_45], %broadcast_in_dim3A_1 {strides = array<i32>} : memref<128x128xf32, #tpu.memory_space<vmem>>, vector<16xf32>,
    %swap3A_47 = arith.constant 1 : i32
    %swap3A_48 = arith.index_cast %swap3A_47 : i32 to index
    %swap3A_49 = arith.constant 48 : index
    %swap3A_50 = tpu.vector_load %arg12[%swap3A_48, %swap3A_49] {strides = array<i32>} : memref<128x128xf32, #tpu.memory_space<vmem>>, vector<16xf32>,
    tpu.vector_store %arg12[%swap3A_48, %swap3A_49], %broadcast_in_dim3A_1 {strides = array<i32>} : memref<128x128xf32, #tpu.memory_space<vmem>>, vector<16xf32>,
    %swap3A_51 = arith.constant 1 : i32
    %swap3A_52 = arith.index_cast %swap3A_51 : i32 to index
    %swap3A_53 = arith.constant 64 : index
    %swap3A_54 = tpu.vector_load %arg12[%swap3A_52, %swap3A_53] {strides = array<i32>} : memref<128x128xf32, #tpu.memory_space<vmem>>, vector<16xf32>,
    tpu.vector_store %arg12[%swap3A_52, %swap3A_53], %broadcast_in_dim3A_1 {strides = array<i32>} : memref<128x128xf32, #tpu.memory_space<vmem>>, vector<16xf32>,
    %swap3A_55 = arith.constant 1 : i32
    %swap3A_56 = arith.index_cast %swap3A_55 : i32 to index
    %swap3A_57 = arith.constant 80 : index
    %swap3A_58 = tpu.vector_load %arg12[%swap3A_56, %swap3A_57] {strides = array<i32>} : memref<128x128xf32, #tpu.memory_space<vmem>>, vector<16xf32>,
    tpu.vector_store %arg12[%swap3A_56, %swap3A_57], %broadcast_in_dim3A_1 {strides = array<i32>} : memref<128x128xf32, #tpu.memory_space<vmem>>, vector<16xf32>,
    %swap3A_59 = arith.constant 1 : i32
    %swap3A_60 = arith.index_cast %swap3A_59 : i32 to index
    %swap3A_61 = arith.constant 96 : index
    %swap3A_62 = tpu.vector_load %arg12[%swap3A_60, %swap3A_61] {strides = array<i32>} : memref<128x128xf32, #tpu.memory_space<vmem>>, vector<16xf32>,
    tpu.vector_store %arg12[%swap3A_60, %swap3A_61], %broadcast_in_dim3A_1 {strides = array<i32>} : memref<128x128xf32, #tpu.memory_space<vmem>>, vector<16xf32>,
    %swap3A_63 = arith.constant 1 : i32
    %swap3A_64 = arith.index_cast %swap3A_63 : i32 to index
    %swap3A_65 = arith.constant 112 : index
    %swap3A_66 = tpu.vector_load %arg12[%swap3A_64, %swap3A_65] {strides = array<i32>} : memref<128x128xf32, #tpu.memory_space<vmem>>, vector<16xf32>,
    tpu.vector_store %arg12[%swap3A_64, %swap3A_65], %broadcast_in_dim3A_1 {strides = array<i32>} : memref<128x128xf32, #tpu.memory_space<vmem>>, vector<16xf32>,
    %swap3A_67 = arith.constant 2 : i32
    %swap3A_68 = arith.index_cast %swap3A_67 : i32 to index
    %swap3A_69 = arith.constant 0 : index
    %swap3A_70 = tpu.vector_load %arg12[%swap3A_68, %swap3A_69] {strides = array<i32>} : memref<128x128xf32, #tpu.memory_space<vmem>>, vector<16xf32>,
    tpu.vector_store %arg12[%swap3A_68, %swap3A_69], %broadcast_in_dim3A_1 {strides = array<i32>} : memref<128x128xf32, #tpu.memory_space<vmem>>, vector<16xf32>,
    %swap3A_71 = arith.constant 2 : i32
    %swap3A_72 = arith.index_cast %swap3A_71 : i32 to index
    %swap3A_73 = arith.constant 16 : index
    %swap3A_74 = tpu.vector_load %arg12[%swap3A_72, %swap3A_73] {strides = array<i32>} : memref<128x128xf32, #tpu.memory_space<vmem>>, vector<16xf32>,
    tpu.vector_store %arg12[%swap3A_72, %swap3A_73], %broadcast_in_dim3A_1 {strides = array<i32>} : memref<128x128xf32, #tpu.memory_space<vmem>>, vector<16xf32>,
    %swap3A_75 = arith.constant 2 : i32
    %swap3A_76 = arith.index_cast %swap3A_75 : i32 to index
    %swap3A_77 = arith.constant 32 : index
    %swap3A_78 = tpu.vector_load %arg12[%swap3A_76, %swap3A_77] {strides = array<i32>} : memref<128x128xf32, #tpu.memory_space<vmem>>, vector<16xf32>,
    tpu.vector_store %arg12[%swap3A_76, %swap3A_77], %broadcast_in_dim3A_1 {strides = array<i32>} : memref<128x128xf32, #tpu.memory_space<vmem>>, vector<16xf32>,
    %swap3A_79 = arith.constant 2 : i32
    %swap3A_80 = arith.index_cast %swap3A_79 : i32 to index
    %swap3A_81 = arith.constant 48 : index
    %swap3A_82 = tpu.vector_load %arg12[%swap3A_80, %swap3A_81] {strides = array<i32>} : memref<128x128xf32, #tpu.memory_space<vmem>>, vector<16xf32>,
    tpu.vector_store %arg12[%swap3A_80, %swap3A_81], %broadcast_in_dim3A_1 {strides = array<i32>} : memref<128x128xf32, #tpu.memory_space<vmem>>, vector<16xf32>,
    %swap3A_83 = arith.constant 2 : i32
    %swap3A_84 = arith.index_cast %swap3A_83 : i32 to index
    %swap3A_85 = arith.constant 64 : index
    %swap3A_86 = tpu.vector_load %arg12[%swap3A_84, %swap3A_85] {strides = array<i32>} : memref<128x128xf32, #tpu.memory_space<vmem>>, vector<16xf32>,
    tpu.vector_store %arg12[%swap3A_84, %swap3A_85], %broadcast_in_dim3A_1 {strides = array<i32>} : memref<128x128xf32, #tpu.memory_space<vmem>>, vector<16xf32>,
    %swap3A_87 = arith.constant 2 : i32
    %swap3A_88 = arith.index_cast %swap3A_87 : i32 to index
    %swap3A_89 = arith.constant 80 : index
    %swap3A_90 = tpu.vector_load %arg12[%swap3A_88, %swap3A_89] {strides = array<i32>} : memref<128x128xf32, #tpu.memory_space<vmem>>, vector<16xf32>,
    tpu.vector_store %arg12[%swap3A_88, %swap3A_89], %broadcast_in_dim3A_1 {strides = array<i32>} : memref<128x128xf32, #tpu.memory_space<vmem>>, vector<16xf32>,
    %swap3A_91 = arith.constant 2 : i32
    %swap3A_92 = arith.index_cast %swap3A_91 : i32 to index
    %swap3A_93 = arith.constant 96 : index
    %swap3A_94 = tpu.vector_load %arg12[%swap3A_92, %swap3A_93] {strides = array<i32>} : memref<128x128xf32, #tpu.memory_space<vmem>>, vector<16xf32>,
    tpu.vector_store %arg12[%swap3A_92, %swap3A_93], %broadcast_in_dim3A_1 {strides = array<i32>} : memref<128x128xf32, #tpu.memory_space<vmem>>, vector<16xf32>,
    %swap3A_95 = arith.constant 2 : i32
    %swap3A_96 = arith.index_cast %swap3A_95 : i32 to index
    %swap3A_97 = arith.constant 112 : index
    %swap3A_98 = tpu.vector_load %arg12[%swap3A_96, %swap3A_97] {strides = array<i32>} : memref<128x128xf32, #tpu.memory_space<vmem>>, vector<16xf32>,
    tpu.vector_store %arg12[%swap3A_96, %swap3A_97], %broadcast_in_dim3A_1 {strides = array<i32>} : memref<128x128xf32, #tpu.memory_space<vmem>>, vector<16xf32>,
    %swap3A_99 = arith.constant 3 : i32
    %swap3A_100 = arith.index_cast %swap3A_99 : i32 to index
    %swap3A_101 = arith.constant 0 : index
    %swap3A_102 = tpu.vector_load %arg12[%swap3A_100, %swap3A_101] {strides = array<i32>} : memref<128x128xf32, #tpu.memory_space<vmem>>, vector<16xf32>,
    tpu.vector_store %arg12[%swap3A_100, %swap3A_101], %broadcast_in_dim3A_1 {strides = array<i32>} : memref<128x128xf32, #tpu.memory_space<vmem>>, vector<16xf32>,
    %swap3A_103 = arith.constant 3 : i32
    %swap3A_104 = arith.index_cast %swap3A_103 : i32 to index
    %swap3A_105 = arith.constant 16 : index
    %swap3A_106 = tpu.vector_load %arg12[%swap3A_104, %swap3A_105] {strides = array<i32>} : memref<128x128xf32, #tpu.memory_space<vmem>>, vector<16xf32>,
    tpu.vector_store %arg12[%swap3A_104, %swap3A_105], %broadcast_in_dim3A_1 {strides = array<i32>} : memref<128x128xf32, #tpu.memory_space<vmem>>, vector<16xf32>,
    %swap3A_107 = arith.constant 3 : i32
    %swap3A_108 = arith.index_cast %swap3A_107 : i32 to index
    %swap3A_109 = arith.constant 32 : index
    %swap3A_110 = tpu.vector_load %arg12[%swap3A_108, %swap3A_109] {strides = array<i32>} : memref<128x128xf32, #tpu.memory_space<vmem>>, vector<16xf32>,
    tpu.vector_store %arg12[%swap3A_108, %swap3A_109], %broadcast_in_dim3A_1 {strides = array<i32>} : memref<128x128xf32, #tpu.memory_space<vmem>>, vector<16xf32>,
    %swap3A_111 = arith.constant 3 : i32
    %swap3A_112 = arith.index_cast %swap3A_111 : i32 to index
    %swap3A_113 = arith.constant 48 : index
    %swap3A_114 = tpu.vector_load %arg12[%swap3A_112, %swap3A_113] {strides = array<i32>} : memref<128x128xf32, #tpu.memory_space<vmem>>, vector<16xf32>,
    tpu.vector_store %arg12[%swap3A_112, %swap3A_113], %broadcast_in_dim3A_1 {strides = array<i32>} : memref<128x128xf32, #tpu.memory_space<vmem>>, vector<16xf32>,
    %swap3A_115 = arith.constant 3 : i32
    %swap3A_116 = arith.index_cast %swap3A_115 : i32 to index
    %swap3A_117 = arith.constant 64 : index
    %swap3A_118 = tpu.vector_load %arg12[%swap3A_116, %swap3A_117] {strides = array<i32>} : memref<128x128xf32, #tpu.memory_space<vmem>>, vector<16xf32>,
    tpu.vector_store %arg12[%swap3A_116, %swap3A_117], %broadcast_in_dim3A_1 {strides = array<i32>} : memref<128x128xf32, #tpu.memory_space<vmem>>, vector<16xf32>,
    %swap3A_119 = arith.constant 3 : i32
    %swap3A_120 = arith.index_cast %swap3A_119 : i32 to index
    %swap3A_121 = arith.constant 80 : index
    %swap3A_122 = tpu.vector_load %arg12[%swap3A_120, %swap3A_121] {strides = array<i32>} : memref<128x128xf32, #tpu.memory_space<vmem>>, vector<16xf32>,
    tpu.vector_store %arg12[%swap3A_120, %swap3A_121], %broadcast_in_dim3A_1 {strides = array<i32>} : memref<128x128xf32, #tpu.memory_space<vmem>>, vector<16xf32>,
    %swap3A_123 = arith.constant 3 : i32
    %swap3A_124 = arith.index_cast %swap3A_123 : i32 to index
    %swap3A_125 = arith.constant 96 : index
    %swap3A_126 = tpu.vector_load %arg12[%swap3A_124, %swap3A_125] {strides = array<i32>} : memref<128x128xf32, #tpu.memory_space<vmem>>, vector<16xf32>,
    tpu.vector_store %arg12[%swap3A_124, %swap3A_125], %broadcast_in_dim3A_1 {strides = array<i32>} : memref<128x128xf32, #tpu.memory_space<vmem>>, vector<16xf32>,
    %swap3A_127 = arith.constant 3 : i32
    %swap3A_128 = arith.index_cast %swap3A_127 : i32 to index
    %swap3A_129 = arith.constant 112 : index
    %swap3A_130 = tpu.vector_load %arg12[%swap3A_128, %swap3A_129] {strides = array<i32>} : memref<128x128xf32, #tpu.memory_space<vmem>>, vector<16xf32>,
    tpu.vector_store %arg12[%swap3A_128, %swap3A_129], %broadcast_in_dim3A_1 {strides = array<i32>} : memref<128x128xf32, #tpu.memory_space<vmem>>, vector<16xf32>,
    %swap3A_131 = arith.constant 4 : i32
    %swap3A_132 = arith.index_cast %swap3A_131 : i32 to index
    %swap3A_133 = arith.constant 0 : index
    %swap3A_134 = tpu.vector_load %arg12[%swap3A_132, %swap3A_133] {strides = array<i32>} : memref<128x128xf32, #tpu.memory_space<vmem>>, vector<16xf32>,
    tpu.vector_store %arg12[%swap3A_132, %swap3A_133], %broadcast_in_dim3A_1 {strides = array<i32>} : memref<128x128xf32, #tpu.memory_space<vmem>>, vector<16xf32>,
    %swap3A_135 = arith.constant 4 : i32
    %swap3A_136 = arith.index_cast %swap3A_135 : i32 to index
    %swap3A_137 = arith.constant 16 : index
    %swap3A_138 = tpu.vector_load %arg12[%swap3A_136, %swap3A_137] {strides = array<i32>} : memref<128x128xf32, #tpu.memory_space<vmem>>, vector<16xf32>,
    tpu.vector_store %arg12[%swap3A_136, %swap3A_137], %broadcast_in_dim3A_1 {strides = array<i32>} : memref<128x128xf32, #tpu.memory_space<vmem>>, vector<16xf32>,
    %swap3A_139 = arith.constant 4 : i32
    %swap3A_140 = arith.index_cast %swap3A_139 : i32 to index
    %swap3A_141 = arith.constant 32 : index
    %swap3A_142 = tpu.vector_load %arg12[%swap3A_140, %swap3A_141] {strides = array<i32>} : memref<128x128xf32, #tpu.memory_space<vmem>>, vector<16xf32>,
    tpu.vector_store %arg12[%swap3A_140, %swap3A_141], %broadcast_in_dim3A_1 {strides = array<i32>} : memref<128x128xf32, #tpu.memory_space<vmem>>, vector<16xf32>,
    %swap3A_143 = arith.constant 4 : i32
    %swap3A_144 = arith.index_cast %swap3A_143 : i32 to index
    %swap3A_145 = arith.constant 48 : index
    %swap3A_146 = tpu.vector_load %arg12[%swap3A_144, %swap3A_145] {strides = array<i32>} : memref<128x128xf32, #tpu.memory_space<vmem>>, vector<16xf32>,
    tpu.vector_store %arg12[%swap3A_144, %swap3A_145], %broadcast_in_dim3A_1 {strides = array<i32>} : memref<128x128xf32, #tpu.memory_space<vmem>>, vector<16xf32>,
    %swap3A_147 = arith.constant 4 : i32
    %swap3A_148 = arith.index_cast %swap3A_147 : i32 to index
    %swap3A_149 = arith.constant 64 : index
    %swap3A_150 = tpu.vector_load %arg12[%swap3A_148, %swap3A_149] {strides = array<i32>} : memref<128x128xf32, #tpu.memory_space<vmem>>, vector<16xf32>,
    tpu.vector_store %arg12[%swap3A_148, %swap3A_149], %broadcast_in_dim3A_1 {strides = array<i32>} : memref<128x128xf32, #tpu.memory_space<vmem>>, vector<16xf32>,
    %swap3A_151 = arith.constant 4 : i32
    %swap3A_152 = arith.index_cast %swap3A_151 : i32 to index
    %swap3A_153 = arith.constant 80 : index
    %swap3A_154 = tpu.vector_load %arg12[%swap3A_152, %swap3A_153] {strides = array<i32>} : memref<128x128xf32, #tpu.memory_space<vmem>>, vector<16xf32>,
    tpu.vector_store %arg12[%swap3A_152, %swap3A_153], %broadcast_in_dim3A_1 {strides = array<i32>} : memref<128x128xf32, #tpu.memory_space<vmem>>, vector<16xf32>,
    %swap3A_155 = arith.constant 4 : i32
    %swap3A_156 = arith.index_cast %swap3A_155 : i32 to index
    %swap3A_157 = arith.constant 96 : index
    %swap3A_158 = tpu.vector_load %arg12[%swap3A_156, %swap3A_157] {strides = array<i32>} : memref<128x128xf32, #tpu.memory_space<vmem>>, vector<16xf32>,
    tpu.vector_store %arg12[%swap3A_156, %swap3A_157], %broadcast_in_dim3A_1 {strides = array<i32>} : memref<128x128xf32, #tpu.memory_space<vmem>>, vector<16xf32>,
    %swap3A_159 = arith.constant 4 : i32
    %swap3A_160 = arith.index_cast %swap3A_159 : i32 to index
    %swap3A_161 = arith.constant 112 : index
    %swap3A_162 = tpu.vector_load %arg12[%swap3A_160, %swap3A_161] {strides = array<i32>} : memref<128x128xf32, #tpu.memory_space<vmem>>, vector<16xf32>,
    tpu.vector_store %arg12[%swap3A_160, %swap3A_161], %broadcast_in_dim3A_1 {strides = array<i32>} : memref<128x128xf32, #tpu.memory_space<vmem>>, vector<16xf32>,
    %swap3A_163 = arith.constant 5 : i32
    %swap3A_164 = arith.index_cast %swap3A_163 : i32 to index
    %swap3A_165 = arith.constant 0 : index
    %swap3A_166 = tpu.vector_load %arg12[%swap3A_164, %swap3A_165] {strides = array<i32>} : memref<128x128xf32, #tpu.memory_space<vmem>>, vector<16xf32>,
    tpu.vector_store %arg12[%swap3A_164, %swap3A_165], %broadcast_in_dim3A_1 {strides = array<i32>} : memref<128x128xf32, #tpu.memory_space<vmem>>, vector<16xf32>,
    %swap3A_167 = arith.constant 5 : i32
    %swap3A_168 = arith.index_cast %swap3A_167 : i32 to index
    %swap3A_169 = arith.constant 16 : index
    %swap3A_170 = tpu.vector_load %arg12[%swap3A_168, %swap3A_169] {strides = array<i32>} : memref<128x128xf32, #tpu.memory_space<vmem>>, vector<16xf32>,
    tpu.vector_store %arg12[%swap3A_168, %swap3A_169], %broadcast_in_dim3A_1 {strides = array<i32>} : memref<128x128xf32, #tpu.memory_space<vmem>>, vector<16xf32>,
    %swap3A_171 = arith.constant 5 : i32
    %swap3A_172 = arith.index_cast %swap3A_171 : i32 to index
    %swap3A_173 = arith.constant 32 : index
    %swap3A_174 = tpu.vector_load %arg12[%swap3A_172, %swap3A_173] {strides = array<i32>} : memref<128x128xf32, #tpu.memory_space<vmem>>, vector<16xf32>,
    tpu.vector_store %arg12[%swap3A_172, %swap3A_173], %broadcast_in_dim3A_1 {strides = array<i32>} : memref<128x128xf32, #tpu.memory_space<vmem>>, vector<16xf32>,
    %swap3A_175 = arith.constant 5 : i32
    %swap3A_176 = arith.index_cast %swap3A_175 : i32 to index
    %swap3A_177 = arith.constant 48 : index
    %swap3A_178 = tpu.vector_load %arg12[%swap3A_176, %swap3A_177] {strides = array<i32>} : memref<128x128xf32, #tpu.memory_space<vmem>>, vector<16xf32>,
    tpu.vector_store %arg12[%swap3A_176, %swap3A_177], %broadcast_in_dim3A_1 {strides = array<i32>} : memref<128x128xf32, #tpu.memory_space<vmem>>, vector<16xf32>,
    %swap3A_179 = arith.constant 5 : i32
    %swap3A_180 = arith.index_cast %swap3A_179 : i32 to index
    %swap3A_181 = arith.constant 64 : index
    %swap3A_182 = tpu.vector_load %arg12[%swap3A_180, %swap3A_181] {strides = array<i32>} : memref<128x128xf32, #tpu.memory_space<vmem>>, vector<16xf32>,
    tpu.vector_store %arg12[%swap3A_180, %swap3A_181], %broadcast_in_dim3A_1 {strides = array<i32>} : memref<128x128xf32, #tpu.memory_space<vmem>>, vector<16xf32>,
    %swap3A_183 = arith.constant 5 : i32
    %swap3A_184 = arith.index_cast %swap3A_183 : i32 to index
    %swap3A_185 = arith.constant 80 : index
    %swap3A_186 = tpu.vector_load %arg12[%swap3A_184, %swap3A_185] {strides = array<i32>} : memref<128x128xf32, #tpu.memory_space<vmem>>, vector<16xf32>,
    tpu.vector_store %arg12[%swap3A_184, %swap3A_185], %broadcast_in_dim3A_1 {strides = array<i32>} : memref<128x128xf32, #tpu.memory_space<vmem>>, vector<16xf32>,
    %swap3A_187 = arith.constant 5 : i32
    %swap3A_188 = arith.index_cast %swap3A_187 : i32 to index
    %swap3A_189 = arith.constant 96 : index
    %swap3A_190 = tpu.vector_load %arg12[%swap3A_188, %swap3A_189] {strides = array<i32>} : memref<128x128xf32, #tpu.memory_space<vmem>>, vector<16xf32>,
    tpu.vector_store %arg12[%swap3A_188, %swap3A_189], %broadcast_in_dim3A_1 {strides = array<i32>} : memref<128x128xf32, #tpu.memory_space<vmem>>, vector<16xf32>,
    %swap3A_191 = arith.constant 5 : i32
    %swap3A_192 = arith.index_cast %swap3A_191 : i32 to index
    %swap3A_193 = arith.constant 112 : index
    %swap3A_194 = tpu.vector_load %arg12[%swap3A_192, %swap3A_193] {strides = array<i32>} : memref<128x128xf32, #tpu.memory_space<vmem>>, vector<16xf32>,
    tpu.vector_store %arg12[%swap3A_192, %swap3A_193], %broadcast_in_dim3A_1 {strides = array<i32>} : memref<128x128xf32, #tpu.memory_space<vmem>>, vector<16xf32>,
    %swap3A_195 = arith.constant 6 : i32
    %swap3A_196 = arith.index_cast %swap3A_195 : i32 to index
    %swap3A_197 = arith.constant 0 : index
    %swap3A_198 = tpu.vector_load %arg12[%swap3A_196, %swap3A_197] {strides = array<i32>} : memref<128x128xf32, #tpu.memory_space<vmem>>, vector<16xf32>,
    tpu.vector_store %arg12[%swap3A_196, %swap3A_197], %broadcast_in_dim3A_1 {strides = array<i32>} : memref<128x128xf32, #tpu.memory_space<vmem>>, vector<16xf32>,
    %swap3A_199 = arith.constant 6 : i32
    %swap3A_200 = arith.index_cast %swap3A_199 : i32 to index
    %swap3A_201 = arith.constant 16 : index
    %swap3A_202 = tpu.vector_load %arg12[%swap3A_200, %swap3A_201] {strides = array<i32>} : memref<128x128xf32, #tpu.memory_space<vmem>>, vector<16xf32>,
    tpu.vector_store %arg12[%swap3A_200, %swap3A_201], %broadcast_in_dim3A_1 {strides = array<i32>} : memref<128x128xf32, #tpu.memory_space<vmem>>, vector<16xf32>,
    %swap3A_203 = arith.constant 6 : i32
    %swap3A_204 = arith.index_cast %swap3A_203 : i32 to index
    %swap3A_205 = arith.constant 32 : index
    %swap3A_206 = tpu.vector_load %arg12[%swap3A_204, %swap3A_205] {strides = array<i32>} : memref<128x128xf32, #tpu.memory_space<vmem>>, vector<16xf32>,
    tpu.vector_store %arg12[%swap3A_204, %swap3A_205], %broadcast_in_dim3A_1 {strides = array<i32>} : memref<128x128xf32, #tpu.memory_space<vmem>>, vector<16xf32>,
    %swap3A_207 = arith.constant 6 : i32
    %swap3A_208 = arith.index_cast %swap3A_207 : i32 to index
    %swap3A_209 = arith.constant 48 : index
    %swap3A_210 = tpu.vector_load %arg12[%swap3A_208, %swap3A_209] {strides = array<i32>} : memref<128x128xf32, #tpu.memory_space<vmem>>, vector<16xf32>,
    tpu.vector_store %arg12[%swap3A_208, %swap3A_209], %broadcast_in_dim3A_1 {strides = array<i32>} : memref<128x128xf32, #tpu.memory_space<vmem>>, vector<16xf32>,
    %swap3A_211 = arith.constant 6 : i32
    %swap3A_212 = arith.index_cast %swap3A_211 : i32 to index
    %swap3A_213 = arith.constant 64 : index
    %swap3A_214 = tpu.vector_load %arg12[%swap3A_212, %swap3A_213] {strides = array<i32>} : memref<128x128xf32, #tpu.memory_space<vmem>>, vector<16xf32>,
    tpu.vector_store %arg12[%swap3A_212, %swap3A_213], %broadcast_in_dim3A_1 {strides = array<i32>} : memref<128x128xf32, #tpu.memory_space<vmem>>, vector<16xf32>,
    %swap3A_215 = arith.constant 6 : i32
    %swap3A_216 = arith.index_cast %swap3A_215 : i32 to index
    %swap3A_217 = arith.constant 80 : index
    %swap3A_218 = tpu.vector_load %arg12[%swap3A_216, %swap3A_217] {strides = array<i32>} : memref<128x128xf32, #tpu.memory_space<vmem>>, vector<16xf32>,
    tpu.vector_store %arg12[%swap3A_216, %swap3A_217], %broadcast_in_dim3A_1 {strides = array<i32>} : memref<128x128xf32, #tpu.memory_space<vmem>>, vector<16xf32>,
    %swap3A_219 = arith.constant 6 : i32
    %swap3A_220 = arith.index_cast %swap3A_219 : i32 to index
    %swap3A_221 = arith.constant 96 : index
    %swap3A_222 = tpu.vector_load %arg12[%swap3A_220, %swap3A_221] {strides = array<i32>} : memref<128x128xf32, #tpu.memory_space<vmem>>, vector<16xf32>,
    tpu.vector_store %arg12[%swap3A_220, %swap3A_221], %broadcast_in_dim3A_1 {strides = array<i32>} : memref<128x128xf32, #tpu.memory_space<vmem>>, vector<16xf32>,
    %swap3A_223 = arith.constant 6 : i32
    %swap3A_224 = arith.index_cast %swap3A_223 : i32 to index
    %swap3A_225 = arith.constant 112 : index
    %swap3A_226 = tpu.vector_load %arg12[%swap3A_224, %swap3A_225] {strides = array<i32>} : memref<128x128xf32, #tpu.memory_space<vmem>>, vector<16xf32>,
    tpu.vector_store %arg12[%swap3A_224, %swap3A_225], %broadcast_in_dim3A_1 {strides = array<i32>} : memref<128x128xf32, #tpu.memory_space<vmem>>, vector<16xf32>,
    %swap3A_227 = arith.constant 7 : i32
    %swap3A_228 = arith.index_cast %swap3A_227 : i32 to index
    %swap3A_229 = arith.constant 0 : index
    %swap3A_230 = tpu.vector_load %arg12[%swap3A_228, %swap3A_229] {strides = array<i32>} : memref<128x128xf32, #tpu.memory_space<vmem>>, vector<16xf32>,
    tpu.vector_store %arg12[%swap3A_228, %swap3A_229], %broadcast_in_dim3A_1 {strides = array<i32>} : memref<128x128xf32, #tpu.memory_space<vmem>>, vector<16xf32>,
    %swap3A_231 = arith.constant 7 : i32
    %swap3A_232 = arith.index_cast %swap3A_231 : i32 to index
    %swap3A_233 = arith.constant 16 : index
    %swap3A_234 = tpu.vector_load %arg12[%swap3A_232, %swap3A_233] {strides = array<i32>} : memref<128x128xf32, #tpu.memory_space<vmem>>, vector<16xf32>,
    tpu.vector_store %arg12[%swap3A_232, %swap3A_233], %broadcast_in_dim3A_1 {strides = array<i32>} : memref<128x128xf32, #tpu.memory_space<vmem>>, vector<16xf32>,
    %swap3A_235 = arith.constant 7 : i32
    %swap3A_236 = arith.index_cast %swap3A_235 : i32 to index
    %swap3A_237 = arith.constant 32 : index
    %swap3A_238 = tpu.vector_load %arg12[%swap3A_236, %swap3A_237] {strides = array<i32>} : memref<128x128xf32, #tpu.memory_space<vmem>>, vector<16xf32>,
    tpu.vector_store %arg12[%swap3A_236, %swap3A_237], %broadcast_in_dim3A_1 {strides = array<i32>} : memref<128x128xf32, #tpu.memory_space<vmem>>, vector<16xf32>,
    %swap3A_239 = arith.constant 7 : i32
    %swap3A_240 = arith.index_cast %swap3A_239 : i32 to index
    %swap3A_241 = arith.constant 48 : index
    %swap3A_242 = tpu.vector_load %arg12[%swap3A_240, %swap3A_241] {strides = array<i32>} : memref<128x128xf32, #tpu.memory_space<vmem>>, vector<16xf32>,
    tpu.vector_store %arg12[%swap3A_240, %swap3A_241], %broadcast_in_dim3A_1 {strides = array<i32>} : memref<128x128xf32, #tpu.memory_space<vmem>>, vector<16xf32>,
    %swap3A_243 = arith.constant 7 : i32
    %swap3A_244 = arith.index_cast %swap3A_243 : i32 to index
    %swap3A_245 = arith.constant 64 : index
    %swap3A_246 = tpu.vector_load %arg12[%swap3A_244, %swap3A_245] {strides = array<i32>} : memref<128x128xf32, #tpu.memory_space<vmem>>, vector<16xf32>,
    tpu.vector_store %arg12[%swap3A_244, %swap3A_245], %broadcast_in_dim3A_1 {strides = array<i32>} : memref<128x128xf32, #tpu.memory_space<vmem>>, vector<16xf32>,
    %swap3A_247 = arith.constant 7 : i32
    %swap3A_248 = arith.index_cast %swap3A_247 : i32 to index
    %swap3A_249 = arith.constant 80 : index
    %swap3A_250 = tpu.vector_load %arg12[%swap3A_248, %swap3A_249] {strides = array<i32>} : memref<128x128xf32, #tpu.memory_space<vmem>>, vector<16xf32>,
    tpu.vector_store %arg12[%swap3A_248, %swap3A_249], %broadcast_in_dim3A_1 {strides = array<i32>} : memref<128x128xf32, #tpu.memory_space<vmem>>, vector<16xf32>,
    %swap3A_251 = arith.constant 7 : i32
    %swap3A_252 = arith.index_cast %swap3A_251 : i32 to index
    %swap3A_253 = arith.constant 96 : index
    %swap3A_254 = tpu.vector_load %arg12[%swap3A_252, %swap3A_253] {strides = array<i32>} : memref<128x128xf32, #tpu.memory_space<vmem>>, vector<16xf32>,
    tpu.vector_store %arg12[%swap3A_252, %swap3A_253], %broadcast_in_dim3A_1 {strides = array<i32>} : memref<128x128xf32, #tpu.memory_space<vmem>>, vector<16xf32>,
    %swap3A_255 = arith.constant 7 : i32
    %swap3A_256 = arith.index_cast %swap3A_255 : i32 to index
    %swap3A_257 = arith.constant 112 : index
    %swap3A_258 = tpu.vector_load %arg12[%swap3A_256, %swap3A_257] {strides = array<i32>} : memref<128x128xf32, #tpu.memory_space<vmem>>, vector<16xf32>,
    tpu.vector_store %arg12[%swap3A_256, %swap3A_257], %broadcast_in_dim3A_1 {strides = array<i32>} : memref<128x128xf32, #tpu.memory_space<vmem>>, vector<16xf32>,
    %swap3A_259 = arith.constant 8 : i32
    %swap3A_260 = arith.index_cast %swap3A_259 : i32 to index
    %swap3A_261 = arith.constant 0 : index
    %swap3A_262 = tpu.vector_load %arg12[%swap3A_260, %swap3A_261] {strides = array<i32>} : memref<128x128xf32, #tpu.memory_space<vmem>>, vector<16xf32>,
    tpu.vector_store %arg12[%swap3A_260, %swap3A_261], %broadcast_in_dim3A_1 {strides = array<i32>} : memref<128x128xf32, #tpu.memory_space<vmem>>, vector<16xf32>,
    %swap3A_263 = arith.constant 8 : i32
    %swap3A_264 = arith.index_cast %swap3A_263 : i32 to index
    %swap3A_265 = arith.constant 16 : index
    %swap3A_266 = tpu.vector_load %arg12[%swap3A_264, %swap3A_265] {strides = array<i32>} : memref<128x128xf32, #tpu.memory_space<vmem>>, vector<16xf32>,
    tpu.vector_store %arg12[%swap3A_264, %swap3A_265], %broadcast_in_dim3A_1 {strides = array<i32>} : memref<128x128xf32, #tpu.memory_space<vmem>>, vector<16xf32>,
    %swap3A_267 = arith.constant 8 : i32
    %swap3A_268 = arith.index_cast %swap3A_267 : i32 to index
    %swap3A_269 = arith.constant 32 : index
    %swap3A_270 = tpu.vector_load %arg12[%swap3A_268, %swap3A_269] {strides = array<i32>} : memref<128x128xf32, #tpu.memory_space<vmem>>, vector<16xf32>,
    tpu.vector_store %arg12[%swap3A_268, %swap3A_269], %broadcast_in_dim3A_1 {strides = array<i32>} : memref<128x128xf32, #tpu.memory_space<vmem>>, vector<16xf32>,
    %swap3A_271 = arith.constant 8 : i32
    %swap3A_272 = arith.index_cast %swap3A_271 : i32 to index
    %swap3A_273 = arith.constant 48 : index
    %swap3A_274 = tpu.vector_load %arg12[%swap3A_272, %swap3A_273] {strides = array<i32>} : memref<128x128xf32, #tpu.memory_space<vmem>>, vector<16xf32>,
    tpu.vector_store %arg12[%swap3A_272, %swap3A_273], %broadcast_in_dim3A_1 {strides = array<i32>} : memref<128x128xf32, #tpu.memory_space<vmem>>, vector<16xf32>,
    %swap3A_275 = arith.constant 8 : i32
    %swap3A_276 = arith.index_cast %swap3A_275 : i32 to index
    %swap3A_277 = arith.constant 64 : index
    %swap3A_278 = tpu.vector_load %arg12[%swap3A_276, %swap3A_277] {strides = array<i32>} : memref<128x128xf32, #tpu.memory_space<vmem>>, vector<16xf32>,
    tpu.vector_store %arg12[%swap3A_276, %swap3A_277], %broadcast_in_dim3A_1 {strides = array<i32>} : memref<128x128xf32, #tpu.memory_space<vmem>>, vector<16xf32>,
    %swap3A_279 = arith.constant 8 : i32
    %swap3A_280 = arith.index_cast %swap3A_279 : i32 to index
    %swap3A_281 = arith.constant 80 : index
    %swap3A_282 = tpu.vector_load %arg12[%swap3A_280, %swap3A_281] {strides = array<i32>} : memref<128x128xf32, #tpu.memory_space<vmem>>, vector<16xf32>,
    tpu.vector_store %arg12[%swap3A_280, %swap3A_281], %broadcast_in_dim3A_1 {strides = array<i32>} : memref<128x128xf32, #tpu.memory_space<vmem>>, vector<16xf32>,
    %swap3A_283 = arith.constant 8 : i32
    %swap3A_284 = arith.index_cast %swap3A_283 : i32 to index
    %swap3A_285 = arith.constant 96 : index
    %swap3A_286 = tpu.vector_load %arg12[%swap3A_284, %swap3A_285] {strides = array<i32>} : memref<128x128xf32, #tpu.memory_space<vmem>>, vector<16xf32>,
    tpu.vector_store %arg12[%swap3A_284, %swap3A_285], %broadcast_in_dim3A_1 {strides = array<i32>} : memref<128x128xf32, #tpu.memory_space<vmem>>, vector<16xf32>,
    %swap3A_287 = arith.constant 8 : i32
    %swap3A_288 = arith.index_cast %swap3A_287 : i32 to index
    %swap3A_289 = arith.constant 112 : index
    %swap3A_290 = tpu.vector_load %arg12[%swap3A_288, %swap3A_289] {strides = array<i32>} : memref<128x128xf32, #tpu.memory_space<vmem>>, vector<16xf32>,
    tpu.vector_store %arg12[%swap3A_288, %swap3A_289], %broadcast_in_dim3A_1 {strides = array<i32>} : memref<128x128xf32, #tpu.memory_space<vmem>>, vector<16xf32>,
    %swap3A_291 = arith.constant 9 : i32
    %swap3A_292 = arith.index_cast %swap3A_291 : i32 to index
    %swap3A_293 = arith.constant 0 : index
    %swap3A_294 = tpu.vector_load %arg12[%swap3A_292, %swap3A_293] {strides = array<i32>} : memref<128x128xf32, #tpu.memory_space<vmem>>, vector<16xf32>,
    tpu.vector_store %arg12[%swap3A_292, %swap3A_293], %broadcast_in_dim3A_1 {strides = array<i32>} : memref<128x128xf32, #tpu.memory_space<vmem>>, vector<16xf32>,
    %swap3A_295 = arith.constant 9 : i32
    %swap3A_296 = arith.index_cast %swap3A_295 : i32 to index
    %swap3A_297 = arith.constant 16 : index
    %swap3A_298 = tpu.vector_load %arg12[%swap3A_296, %swap3A_297] {strides = array<i32>} : memref<128x128xf32, #tpu.memory_space<vmem>>, vector<16xf32>,
    tpu.vector_store %arg12[%swap3A_296, %swap3A_297], %broadcast_in_dim3A_1 {strides = array<i32>} : memref<128x128xf32, #tpu.memory_space<vmem>>, vector<16xf32>,
    %swap3A_299 = arith.constant 9 : i32
    %swap3A_300 = arith.index_cast %swap3A_299 : i32 to index
    %swap3A_301 = arith.constant 32 : index
    %swap3A_302 = tpu.vector_load %arg12[%swap3A_300, %swap3A_301] {strides = array<i32>} : memref<128x128xf32, #tpu.memory_space<vmem>>, vector<16xf32>,
    tpu.vector_store %arg12[%swap3A_300, %swap3A_301], %broadcast_in_dim3A_1 {strides = array<i32>} : memref<128x128xf32, #tpu.memory_space<vmem>>, vector<16xf32>,
    %swap3A_303 = arith.constant 9 : i32
    %swap3A_304 = arith.index_cast %swap3A_303 : i32 to index
    %swap3A_305 = arith.constant 48 : index
    %swap3A_306 = tpu.vector_load %arg12[%swap3A_304, %swap3A_305] {strides = array<i32>} : memref<128x128xf32, #tpu.memory_space<vmem>>, vector<16xf32>,
    tpu.vector_store %arg12[%swap3A_304, %swap3A_305], %broadcast_in_dim3A_1 {strides = array<i32>} : memref<128x128xf32, #tpu.memory_space<vmem>>, vector<16xf32>,
    %swap3A_307 = arith.constant 9 : i32
    %swap3A_308 = arith.index_cast %swap3A_307 : i32 to index
    %swap3A_309 = arith.constant 64 : index
    %swap3A_310 = tpu.vector_load %arg12[%swap3A_308, %swap3A_309] {strides = array<i32>} : memref<128x128xf32, #tpu.memory_space<vmem>>, vector<16xf32>,
    tpu.vector_store %arg12[%swap3A_308, %swap3A_309], %broadcast_in_dim3A_1 {strides = array<i32>} : memref<128x128xf32, #tpu.memory_space<vmem>>, vector<16xf32>,
    %swap3A_311 = arith.constant 9 : i32
    %swap3A_312 = arith.index_cast %swap3A_311 : i32 to index
    %swap3A_313 = arith.constant 80 : index
    %swap3A_314 = tpu.vector_load %arg12[%swap3A_312, %swap3A_313] {strides = array<i32>} : memref<128x128xf32, #tpu.memory_space<vmem>>, vector<16xf32>,
    tpu.vector_store %arg12[%swap3A_312, %swap3A_313], %broadcast_in_dim3A_1 {strides = array<i32>} : memref<128x128xf32, #tpu.memory_space<vmem>>, vector<16xf32>,
    %swap3A_315 = arith.constant 9 : i32
    %swap3A_316 = arith.index_cast %swap3A_315 : i32 to index
    %swap3A_317 = arith.constant 96 : index
    %swap3A_318 = tpu.vector_load %arg12[%swap3A_316, %swap3A_317] {strides = array<i32>} : memref<128x128xf32, #tpu.memory_space<vmem>>, vector<16xf32>,
    tpu.vector_store %arg12[%swap3A_316, %swap3A_317], %broadcast_in_dim3A_1 {strides = array<i32>} : memref<128x128xf32, #tpu.memory_space<vmem>>, vector<16xf32>,
    %swap3A_319 = arith.constant 9 : i32
    %swap3A_320 = arith.index_cast %swap3A_319 : i32 to index
    %swap3A_321 = arith.constant 112 : index
    %swap3A_322 = tpu.vector_load %arg12[%swap3A_320, %swap3A_321] {strides = array<i32>} : memref<128x128xf32, #tpu.memory_space<vmem>>, vector<16xf32>,
    tpu.vector_store %arg12[%swap3A_320, %swap3A_321], %broadcast_in_dim3A_1 {strides = array<i32>} : memref<128x128xf32, #tpu.memory_space<vmem>>, vector<16xf32>,
    %swap3A_323 = arith.constant 10 : i32
    %swap3A_324 = arith.index_cast %swap3A_323 : i32 to index
    %swap3A_325 = arith.constant 0 : index
    %swap3A_326 = tpu.vector_load %arg12[%swap3A_324, %swap3A_325] {strides = array<i32>} : memref<128x128xf32, #tpu.memory_space<vmem>>, vector<16xf32>,
    tpu.vector_store %arg12[%swap3A_324, %swap3A_325], %broadcast_in_dim3A_1 {strides = array<i32>} : memref<128x128xf32, #tpu.memory_space<vmem>>, vector<16xf32>,
    %swap3A_327 = arith.constant 10 : i32
    %swap3A_328 = arith.index_cast %swap3A_327 : i32 to index
    %swap3A_329 = arith.constant 16 : index
    %swap3A_330 = tpu.vector_load %arg12[%swap3A_328, %swap3A_329] {strides = array<i32>} : memref<128x128xf32, #tpu.memory_space<vmem>>, vector<16xf32>,
    tpu.vector_store %arg12[%swap3A_328, %swap3A_329], %broadcast_in_dim3A_1 {strides = array<i32>} : memref<128x128xf32, #tpu.memory_space<vmem>>, vector<16xf32>,
    %swap3A_331 = arith.constant 10 : i32
    %swap3A_332 = arith.index_cast %swap3A_331 : i32 to index
    %swap3A_333 = arith.constant 32 : index
    %swap3A_334 = tpu.vector_load %arg12[%swap3A_332, %swap3A_333] {strides = array<i32>} : memref<128x128xf32, #tpu.memory_space<vmem>>, vector<16xf32>,
    tpu.vector_store %arg12[%swap3A_332, %swap3A_333], %broadcast_in_dim3A_1 {strides = array<i32>} : memref<128x128xf32, #tpu.memory_space<vmem>>, vector<16xf32>,
    %swap3A_335 = arith.constant 10 : i32
    %swap3A_336 = arith.index_cast %swap3A_335 : i32 to index
    %swap3A_337 = arith.constant 48 : index
    %swap3A_338 = tpu.vector_load %arg12[%swap3A_336, %swap3A_337] {strides = array<i32>} : memref<128x128xf32, #tpu.memory_space<vmem>>, vector<16xf32>,
    tpu.vector_store %arg12[%swap3A_336, %swap3A_337], %broadcast_in_dim3A_1 {strides = array<i32>} : memref<128x128xf32, #tpu.memory_space<vmem>>, vector<16xf32>,
    %swap3A_339 = arith.constant 10 : i32
    %swap3A_340 = arith.index_cast %swap3A_339 : i32 to index
    %swap3A_341 = arith.constant 64 : index
    %swap3A_342 = tpu.vector_load %arg12[%swap3A_340, %swap3A_341] {strides = array<i32>} : memref<128x128xf32, #tpu.memory_space<vmem>>, vector<16xf32>,
    tpu.vector_store %arg12[%swap3A_340, %swap3A_341], %broadcast_in_dim3A_1 {strides = array<i32>} : memref<128x128xf32, #tpu.memory_space<vmem>>, vector<16xf32>,
    %swap3A_343 = arith.constant 10 : i32
    %swap3A_344 = arith.index_cast %swap3A_343 : i32 to index
    %swap3A_345 = arith.constant 80 : index
    %swap3A_346 = tpu.vector_load %arg12[%swap3A_344, %swap3A_345] {strides = array<i32>} : memref<128x128xf32, #tpu.memory_space<vmem>>, vector<16xf32>,
    tpu.vector_store %arg12[%swap3A_344, %swap3A_345], %broadcast_in_dim3A_1 {strides = array<i32>} : memref<128x128xf32, #tpu.memory_space<vmem>>, vector<16xf32>,
    %swap3A_347 = arith.constant 10 : i32
    %swap3A_348 = arith.index_cast %swap3A_347 : i32 to index
    %swap3A_349 = arith.constant 96 : index
    %swap3A_350 = tpu.vector_load %arg12[%swap3A_348, %swap3A_349] {strides = array<i32>} : memref<128x128xf32, #tpu.memory_space<vmem>>, vector<16xf32>,
    tpu.vector_store %arg12[%swap3A_348, %swap3A_349], %broadcast_in_dim3A_1 {strides = array<i32>} : memref<128x128xf32, #tpu.memory_space<vmem>>, vector<16xf32>,
    %swap3A_351 = arith.constant 10 : i32
    %swap3A_352 = arith.index_cast %swap3A_351 : i32 to index
    %swap3A_353 = arith.constant 112 : index
    %swap3A_354 = tpu.vector_load %arg12[%swap3A_352, %swap3A_353] {strides = array<i32>} : memref<128x128xf32, #tpu.memory_space<vmem>>, vector<16xf32>,
    tpu.vector_store %arg12[%swap3A_352, %swap3A_353], %broadcast_in_dim3A_1 {strides = array<i32>} : memref<128x128xf32, #tpu.memory_space<vmem>>, vector<16xf32>,
    %swap3A_355 = arith.constant 11 : i32
    %swap3A_356 = arith.index_cast %swap3A_355 : i32 to index
    %swap3A_357 = arith.constant 0 : index
    %swap3A_358 = tpu.vector_load %arg12[%swap3A_356, %swap3A_357] {strides = array<i32>} : memref<128x128xf32, #tpu.memory_space<vmem>>, vector<16xf32>,
    tpu.vector_store %arg12[%swap3A_356, %swap3A_357], %broadcast_in_dim3A_1 {strides = array<i32>} : memref<128x128xf32, #tpu.memory_space<vmem>>, vector<16xf32>,
    %swap3A_359 = arith.constant 11 : i32
    %swap3A_360 = arith.index_cast %swap3A_359 : i32 to index
    %swap3A_361 = arith.constant 16 : index
    %swap3A_362 = tpu.vector_load %arg12[%swap3A_360, %swap3A_361] {strides = array<i32>} : memref<128x128xf32, #tpu.memory_space<vmem>>, vector<16xf32>,
    tpu.vector_store %arg12[%swap3A_360, %swap3A_361], %broadcast_in_dim3A_1 {strides = array<i32>} : memref<128x128xf32, #tpu.memory_space<vmem>>, vector<16xf32>,
    %swap3A_363 = arith.constant 11 : i32
    %swap3A_364 = arith.index_cast %swap3A_363 : i32 to index
    %swap3A_365 = arith.constant 32 : index
    %swap3A_366 = tpu.vector_load %arg12[%swap3A_364, %swap3A_365] {strides = array<i32>} : memref<128x128xf32, #tpu.memory_space<vmem>>, vector<16xf32>,
    tpu.vector_store %arg12[%swap3A_364, %swap3A_365], %broadcast_in_dim3A_1 {strides = array<i32>} : memref<128x128xf32, #tpu.memory_space<vmem>>, vector<16xf32>,
    %swap3A_367 = arith.constant 11 : i32
    %swap3A_368 = arith.index_cast %swap3A_367 : i32 to index
    %swap3A_369 = arith.constant 48 : index
    %swap3A_370 = tpu.vector_load %arg12[%swap3A_368, %swap3A_369] {strides = array<i32>} : memref<128x128xf32, #tpu.memory_space<vmem>>, vector<16xf32>,
    tpu.vector_store %arg12[%swap3A_368, %swap3A_369], %broadcast_in_dim3A_1 {strides = array<i32>} : memref<128x128xf32, #tpu.memory_space<vmem>>, vector<16xf32>,
    %swap3A_371 = arith.constant 11 : i32
    %swap3A_372 = arith.index_cast %swap3A_371 : i32 to index
    %swap3A_373 = arith.constant 64 : index
    %swap3A_374 = tpu.vector_load %arg12[%swap3A_372, %swap3A_373] {strides = array<i32>} : memref<128x128xf32, #tpu.memory_space<vmem>>, vector<16xf32>,
    tpu.vector_store %arg12[%swap3A_372, %swap3A_373], %broadcast_in_dim3A_1 {strides = array<i32>} : memref<128x128xf32, #tpu.memory_space<vmem>>, vector<16xf32>,
    %swap3A_375 = arith.constant 11 : i32
    %swap3A_376 = arith.index_cast %swap3A_375 : i32 to index
    %swap3A_377 = arith.constant 80 : index
    %swap3A_378 = tpu.vector_load %arg12[%swap3A_376, %swap3A_377] {strides = array<i32>} : memref<128x128xf32, #tpu.memory_space<vmem>>, vector<16xf32>,
    tpu.vector_store %arg12[%swap3A_376, %swap3A_377], %broadcast_in_dim3A_1 {strides = array<i32>} : memref<128x128xf32, #tpu.memory_space<vmem>>, vector<16xf32>,
    %swap3A_379 = arith.constant 11 : i32
    %swap3A_380 = arith.index_cast %swap3A_379 : i32 to index
    %swap3A_381 = arith.constant 96 : index
    %swap3A_382 = tpu.vector_load %arg12[%swap3A_380, %swap3A_381] {strides = array<i32>} : memref<128x128xf32, #tpu.memory_space<vmem>>, vector<16xf32>,
    tpu.vector_store %arg12[%swap3A_380, %swap3A_381], %broadcast_in_dim3A_1 {strides = array<i32>} : memref<128x128xf32, #tpu.memory_space<vmem>>, vector<16xf32>,
    %swap3A_383 = arith.constant 11 : i32
    %swap3A_384 = arith.index_cast %swap3A_383 : i32 to index
    %swap3A_385 = arith.constant 112 : index
    %swap3A_386 = tpu.vector_load %arg12[%swap3A_384, %swap3A_385] {strides = array<i32>} : memref<128x128xf32, #tpu.memory_space<vmem>>, vector<16xf32>,
    tpu.vector_store %arg12[%swap3A_384, %swap3A_385], %broadcast_in_dim3A_1 {strides = array<i32>} : memref<128x128xf32, #tpu.memory_space<vmem>>, vector<16xf32>,
    %swap3A_387 = arith.constant 12 : i32
    %swap3A_388 = arith.index_cast %swap3A_387 : i32 to index
    %swap3A_389 = arith.constant 0 : index
    %swap3A_390 = tpu.vector_load %arg12[%swap3A_388, %swap3A_389] {strides = array<i32>} : memref<128x128xf32, #tpu.memory_space<vmem>>, vector<16xf32>,
    tpu.vector_store %arg12[%swap3A_388, %swap3A_389], %broadcast_in_dim3A_1 {strides = array<i32>} : memref<128x128xf32, #tpu.memory_space<vmem>>, vector<16xf32>,
    %swap3A_391 = arith.constant 12 : i32
    %swap3A_392 = arith.index_cast %swap3A_391 : i32 to index
    %swap3A_393 = arith.constant 16 : index
    %swap3A_394 = tpu.vector_load %arg12[%swap3A_392, %swap3A_393] {strides = array<i32>} : memref<128x128xf32, #tpu.memory_space<vmem>>, vector<16xf32>,
    tpu.vector_store %arg12[%swap3A_392, %swap3A_393], %broadcast_in_dim3A_1 {strides = array<i32>} : memref<128x128xf32, #tpu.memory_space<vmem>>, vector<16xf32>,
    %swap3A_395 = arith.constant 12 : i32
    %swap3A_396 = arith.index_cast %swap3A_395 : i32 to index
    %swap3A_397 = arith.constant 32 : index
    %swap3A_398 = tpu.vector_load %arg12[%swap3A_396, %swap3A_397] {strides = array<i32>} : memref<128x128xf32, #tpu.memory_space<vmem>>, vector<16xf32>,
    tpu.vector_store %arg12[%swap3A_396, %swap3A_397], %broadcast_in_dim3A_1 {strides = array<i32>} : memref<128x128xf32, #tpu.memory_space<vmem>>, vector<16xf32>,
    %swap3A_399 = arith.constant 12 : i32
    %swap3A_400 = arith.index_cast %swap3A_399 : i32 to index
    %swap3A_401 = arith.constant 48 : index
    %swap3A_402 = tpu.vector_load %arg12[%swap3A_400, %swap3A_401] {strides = array<i32>} : memref<128x128xf32, #tpu.memory_space<vmem>>, vector<16xf32>,
    tpu.vector_store %arg12[%swap3A_400, %swap3A_401], %broadcast_in_dim3A_1 {strides = array<i32>} : memref<128x128xf32, #tpu.memory_space<vmem>>, vector<16xf32>,
    %swap3A_403 = arith.constant 12 : i32
    %swap3A_404 = arith.index_cast %swap3A_403 : i32 to index
    %swap3A_405 = arith.constant 64 : index
    %swap3A_406 = tpu.vector_load %arg12[%swap3A_404, %swap3A_405] {strides = array<i32>} : memref<128x128xf32, #tpu.memory_space<vmem>>, vector<16xf32>,
    tpu.vector_store %arg12[%swap3A_404, %swap3A_405], %broadcast_in_dim3A_1 {strides = array<i32>} : memref<128x128xf32, #tpu.memory_space<vmem>>, vector<16xf32>,
    %swap3A_407 = arith.constant 12 : i32
    %swap3A_408 = arith.index_cast %swap3A_407 : i32 to index
    %swap3A_409 = arith.constant 80 : index
    %swap3A_410 = tpu.vector_load %arg12[%swap3A_408, %swap3A_409] {strides = array<i32>} : memref<128x128xf32, #tpu.memory_space<vmem>>, vector<16xf32>,
    tpu.vector_store %arg12[%swap3A_408, %swap3A_409], %broadcast_in_dim3A_1 {strides = array<i32>} : memref<128x128xf32, #tpu.memory_space<vmem>>, vector<16xf32>,
    %swap3A_411 = arith.constant 12 : i32
    %swap3A_412 = arith.index_cast %swap3A_411 : i32 to index
    %swap3A_413 = arith.constant 96 : index
    %swap3A_414 = tpu.vector_load %arg12[%swap3A_412, %swap3A_413] {strides = array<i32>} : memref<128x128xf32, #tpu.memory_space<vmem>>, vector<16xf32>,
    tpu.vector_store %arg12[%swap3A_412, %swap3A_413], %broadcast_in_dim3A_1 {strides = array<i32>} : memref<128x128xf32, #tpu.memory_space<vmem>>, vector<16xf32>,
    %swap3A_415 = arith.constant 12 : i32
    %swap3A_416 = arith.index_cast %swap3A_415 : i32 to index
    %swap3A_417 = arith.constant 112 : index
    %swap3A_418 = tpu.vector_load %arg12[%swap3A_416, %swap3A_417] {strides = array<i32>} : memref<128x128xf32, #tpu.memory_space<vmem>>, vector<16xf32>,
    tpu.vector_store %arg12[%swap3A_416, %swap3A_417], %broadcast_in_dim3A_1 {strides = array<i32>} : memref<128x128xf32, #tpu.memory_space<vmem>>, vector<16xf32>,
    %swap3A_419 = arith.constant 13 : i32
    %swap3A_420 = arith.index_cast %swap3A_419 : i32 to index
    %swap3A_421 = arith.constant 0 : index
    %swap3A_422 = tpu.vector_load %arg12[%swap3A_420, %swap3A_421] {strides = array<i32>} : memref<128x128xf32, #tpu.memory_space<vmem>>, vector<16xf32>,
    tpu.vector_store %arg12[%swap3A_420, %swap3A_421], %broadcast_in_dim3A_1 {strides = array<i32>} : memref<128x128xf32, #tpu.memory_space<vmem>>, vector<16xf32>,
    %swap3A_423 = arith.constant 13 : i32
    %swap3A_424 = arith.index_cast %swap3A_423 : i32 to index
    %swap3A_425 = arith.constant 16 : index
    %swap3A_426 = tpu.vector_load %arg12[%swap3A_424, %swap3A_425] {strides = array<i32>} : memref<128x128xf32, #tpu.memory_space<vmem>>, vector<16xf32>,
    tpu.vector_store %arg12[%swap3A_424, %swap3A_425], %broadcast_in_dim3A_1 {strides = array<i32>} : memref<128x128xf32, #tpu.memory_space<vmem>>, vector<16xf32>,
    %swap3A_427 = arith.constant 13 : i32
    %swap3A_428 = arith.index_cast %swap3A_427 : i32 to index
    %swap3A_429 = arith.constant 32 : index
    %swap3A_430 = tpu.vector_load %arg12[%swap3A_428, %swap3A_429] {strides = array<i32>} : memref<128x128xf32, #tpu.memory_space<vmem>>, vector<16xf32>,
    tpu.vector_store %arg12[%swap3A_428, %swap3A_429], %broadcast_in_dim3A_1 {strides = array<i32>} : memref<128x128xf32, #tpu.memory_space<vmem>>, vector<16xf32>,
    %swap3A_431 = arith.constant 13 : i32
    %swap3A_432 = arith.index_cast %swap3A_431 : i32 to index
    %swap3A_433 = arith.constant 48 : index
    %swap3A_434 = tpu.vector_load %arg12[%swap3A_432, %swap3A_433] {strides = array<i32>} : memref<128x128xf32, #tpu.memory_space<vmem>>, vector<16xf32>,
    tpu.vector_store %arg12[%swap3A_432, %swap3A_433], %broadcast_in_dim3A_1 {strides = array<i32>} : memref<128x128xf32, #tpu.memory_space<vmem>>, vector<16xf32>,
    %swap3A_435 = arith.constant 13 : i32
    %swap3A_436 = arith.index_cast %swap3A_435 : i32 to index
    %swap3A_437 = arith.constant 64 : index
    %swap3A_438 = tpu.vector_load %arg12[%swap3A_436, %swap3A_437] {strides = array<i32>} : memref<128x128xf32, #tpu.memory_space<vmem>>, vector<16xf32>,
    tpu.vector_store %arg12[%swap3A_436, %swap3A_437], %broadcast_in_dim3A_1 {strides = array<i32>} : memref<128x128xf32, #tpu.memory_space<vmem>>, vector<16xf32>,
    %swap3A_439 = arith.constant 13 : i32
    %swap3A_440 = arith.index_cast %swap3A_439 : i32 to index
    %swap3A_441 = arith.constant 80 : index
    %swap3A_442 = tpu.vector_load %arg12[%swap3A_440, %swap3A_441] {strides = array<i32>} : memref<128x128xf32, #tpu.memory_space<vmem>>, vector<16xf32>,
    tpu.vector_store %arg12[%swap3A_440, %swap3A_441], %broadcast_in_dim3A_1 {strides = array<i32>} : memref<128x128xf32, #tpu.memory_space<vmem>>, vector<16xf32>,
    %swap3A_443 = arith.constant 13 : i32
    %swap3A_444 = arith.index_cast %swap3A_443 : i32 to index
    %swap3A_445 = arith.constant 96 : index
    %swap3A_446 = tpu.vector_load %arg12[%swap3A_444, %swap3A_445] {strides = array<i32>} : memref<128x128xf32, #tpu.memory_space<vmem>>, vector<16xf32>,
    tpu.vector_store %arg12[%swap3A_444, %swap3A_445], %broadcast_in_dim3A_1 {strides = array<i32>} : memref<128x128xf32, #tpu.memory_space<vmem>>, vector<16xf32>,
    %swap3A_447 = arith.constant 13 : i32
    %swap3A_448 = arith.index_cast %swap3A_447 : i32 to index
    %swap3A_449 = arith.constant 112 : index
    %swap3A_450 = tpu.vector_load %arg12[%swap3A_448, %swap3A_449] {strides = array<i32>} : memref<128x128xf32, #tpu.memory_space<vmem>>, vector<16xf32>,
    tpu.vector_store %arg12[%swap3A_448, %swap3A_449], %broadcast_in_dim3A_1 {strides = array<i32>} : memref<128x128xf32, #tpu.memory_space<vmem>>, vector<16xf32>,
    %swap3A_451 = arith.constant 14 : i32
    %swap3A_452 = arith.index_cast %swap3A_451 : i32 to index
    %swap3A_453 = arith.constant 0 : index
    %swap3A_454 = tpu.vector_load %arg12[%swap3A_452, %swap3A_453] {strides = array<i32>} : memref<128x128xf32, #tpu.memory_space<vmem>>, vector<16xf32>,
    tpu.vector_store %arg12[%swap3A_452, %swap3A_453], %broadcast_in_dim3A_1 {strides = array<i32>} : memref<128x128xf32, #tpu.memory_space<vmem>>, vector<16xf32>,
    %swap3A_455 = arith.constant 14 : i32
    %swap3A_456 = arith.index_cast %swap3A_455 : i32 to index
    %swap3A_457 = arith.constant 16 : index
    %swap3A_458 = tpu.vector_load %arg12[%swap3A_456, %swap3A_457] {strides = array<i32>} : memref<128x128xf32, #tpu.memory_space<vmem>>, vector<16xf32>,
    tpu.vector_store %arg12[%swap3A_456, %swap3A_457], %broadcast_in_dim3A_1 {strides = array<i32>} : memref<128x128xf32, #tpu.memory_space<vmem>>, vector<16xf32>,
    %swap3A_459 = arith.constant 14 : i32
    %swap3A_460 = arith.index_cast %swap3A_459 : i32 to index
    %swap3A_461 = arith.constant 32 : index
    %swap3A_462 = tpu.vector_load %arg12[%swap3A_460, %swap3A_461] {strides = array<i32>} : memref<128x128xf32, #tpu.memory_space<vmem>>, vector<16xf32>,
    tpu.vector_store %arg12[%swap3A_460, %swap3A_461], %broadcast_in_dim3A_1 {strides = array<i32>} : memref<128x128xf32, #tpu.memory_space<vmem>>, vector<16xf32>,
    %swap3A_463 = arith.constant 14 : i32
    %swap3A_464 = arith.index_cast %swap3A_463 : i32 to index
    %swap3A_465 = arith.constant 48 : index
    %swap3A_466 = tpu.vector_load %arg12[%swap3A_464, %swap3A_465] {strides = array<i32>} : memref<128x128xf32, #tpu.memory_space<vmem>>, vector<16xf32>,
    tpu.vector_store %arg12[%swap3A_464, %swap3A_465], %broadcast_in_dim3A_1 {strides = array<i32>} : memref<128x128xf32, #tpu.memory_space<vmem>>, vector<16xf32>,
    %swap3A_467 = arith.constant 14 : i32
    %swap3A_468 = arith.index_cast %swap3A_467 : i32 to index
    %swap3A_469 = arith.constant 64 : index
    %swap3A_470 = tpu.vector_load %arg12[%swap3A_468, %swap3A_469] {strides = array<i32>} : memref<128x128xf32, #tpu.memory_space<vmem>>, vector<16xf32>,
    tpu.vector_store %arg12[%swap3A_468, %swap3A_469], %broadcast_in_dim3A_1 {strides = array<i32>} : memref<128x128xf32, #tpu.memory_space<vmem>>, vector<16xf32>,
    %swap3A_471 = arith.constant 14 : i32
    %swap3A_472 = arith.index_cast %swap3A_471 : i32 to index
    %swap3A_473 = arith.constant 80 : index
    %swap3A_474 = tpu.vector_load %arg12[%swap3A_472, %swap3A_473] {strides = array<i32>} : memref<128x128xf32, #tpu.memory_space<vmem>>, vector<16xf32>,
    tpu.vector_store %arg12[%swap3A_472, %swap3A_473], %broadcast_in_dim3A_1 {strides = array<i32>} : memref<128x128xf32, #tpu.memory_space<vmem>>, vector<16xf32>,
    %swap3A_475 = arith.constant 14 : i32
    %swap3A_476 = arith.index_cast %swap3A_475 : i32 to index
    %swap3A_477 = arith.constant 96 : index
    %swap3A_478 = tpu.vector_load %arg12[%swap3A_476, %swap3A_477] {strides = array<i32>} : memref<128x128xf32, #tpu.memory_space<vmem>>, vector<16xf32>,
    tpu.vector_store %arg12[%swap3A_476, %swap3A_477], %broadcast_in_dim3A_1 {strides = array<i32>} : memref<128x128xf32, #tpu.memory_space<vmem>>, vector<16xf32>,
    %swap3A_479 = arith.constant 14 : i32
    %swap3A_480 = arith.index_cast %swap3A_479 : i32 to index
    %swap3A_481 = arith.constant 112 : index
    %swap3A_482 = tpu.vector_load %arg12[%swap3A_480, %swap3A_481] {strides = array<i32>} : memref<128x128xf32, #tpu.memory_space<vmem>>, vector<16xf32>,
    tpu.vector_store %arg12[%swap3A_480, %swap3A_481], %broadcast_in_dim3A_1 {strides = array<i32>} : memref<128x128xf32, #tpu.memory_space<vmem>>, vector<16xf32>,
    %swap3A_483 = arith.constant 15 : i32
    %swap3A_484 = arith.index_cast %swap3A_483 : i32 to index
    %swap3A_485 = arith.constant 0 : index
    %swap3A_486 = tpu.vector_load %arg12[%swap3A_484, %swap3A_485] {strides = array<i32>} : memref<128x128xf32, #tpu.memory_space<vmem>>, vector<16xf32>,
    tpu.vector_store %arg12[%swap3A_484, %swap3A_485], %broadcast_in_dim3A_1 {strides = array<i32>} : memref<128x128xf32, #tpu.memory_space<vmem>>, vector<16xf32>,
    %swap3A_487 = arith.constant 15 : i32
    %swap3A_488 = arith.index_cast %swap3A_487 : i32 to index
    %swap3A_489 = arith.constant 16 : index
    %swap3A_490 = tpu.vector_load %arg12[%swap3A_488, %swap3A_489] {strides = array<i32>} : memref<128x128xf32, #tpu.memory_space<vmem>>, vector<16xf32>,
    tpu.vector_store %arg12[%swap3A_488, %swap3A_489], %broadcast_in_dim3A_1 {strides = array<i32>} : memref<128x128xf32, #tpu.memory_space<vmem>>, vector<16xf32>,
    %swap3A_491 = arith.constant 15 : i32
    %swap3A_492 = arith.index_cast %swap3A_491 : i32 to index
    %swap3A_493 = arith.constant 32 : index
    %swap3A_494 = tpu.vector_load %arg12[%swap3A_492, %swap3A_493] {strides = array<i32>} : memref<128x128xf32, #tpu.memory_space<vmem>>, vector<16xf32>,
    tpu.vector_store %arg12[%swap3A_492, %swap3A_493], %broadcast_in_dim3A_1 {strides = array<i32>} : memref<128x128xf32, #tpu.memory_space<vmem>>, vector<16xf32>,
    %swap3A_495 = arith.constant 15 : i32
    %swap3A_496 = arith.index_cast %swap3A_495 : i32 to index
    %swap3A_497 = arith.constant 48 : index
    %swap3A_498 = tpu.vector_load %arg12[%swap3A_496, %swap3A_497] {strides = array<i32>} : memref<128x128xf32, #tpu.memory_space<vmem>>, vector<16xf32>,
    tpu.vector_store %arg12[%swap3A_496, %swap3A_497], %broadcast_in_dim3A_1 {strides = array<i32>} : memref<128x128xf32, #tpu.memory_space<vmem>>, vector<16xf32>,
    %swap3A_499 = arith.constant 15 : i32
    %swap3A_500 = arith.index_cast %swap3A_499 : i32 to index
    %swap3A_501 = arith.constant 64 : index
    %swap3A_502 = tpu.vector_load %arg12[%swap3A_500, %swap3A_501] {strides = array<i32>} : memref<128x128xf32, #tpu.memory_space<vmem>>, vector<16xf32>,
    tpu.vector_store %arg12[%swap3A_500, %swap3A_501], %broadcast_in_dim3A_1 {strides = array<i32>} : memref<128x128xf32, #tpu.memory_space<vmem>>, vector<16xf32>,
    %swap3A_503 = arith.constant 15 : i32
    %swap3A_504 = arith.index_cast %swap3A_503 : i32 to index
    %swap3A_505 = arith.constant 80 : index
    %swap3A_506 = tpu.vector_load %arg12[%swap3A_504, %swap3A_505] {strides = array<i32>} : memref<128x128xf32, #tpu.memory_space<vmem>>, vector<16xf32>,
    tpu.vector_store %arg12[%swap3A_504, %swap3A_505], %broadcast_in_dim3A_1 {strides = array<i32>} : memref<128x128xf32, #tpu.memory_space<vmem>>, vector<16xf32>,
    %swap3A_507 = arith.constant 15 : i32
    %swap3A_508 = arith.index_cast %swap3A_507 : i32 to index
    %swap3A_509 = arith.constant 96 : index
    %swap3A_510 = tpu.vector_load %arg12[%swap3A_508, %swap3A_509] {strides = array<i32>} : memref<128x128xf32, #tpu.memory_space<vmem>>, vector<16xf32>,
    tpu.vector_store %arg12[%swap3A_508, %swap3A_509], %broadcast_in_dim3A_1 {strides = array<i32>} : memref<128x128xf32, #tpu.memory_space<vmem>>, vector<16xf32>,
    %swap3A_511 = arith.constant 15 : i32
    %swap3A_512 = arith.index_cast %swap3A_511 : i32 to index
    %swap3A_513 = arith.constant 112 : index
    %swap3A_514 = tpu.vector_load %arg12[%swap3A_512, %swap3A_513] {strides = array<i32>} : memref<128x128xf32, #tpu.memory_space<vmem>>, vector<16xf32>,
    tpu.vector_store %arg12[%swap3A_512, %swap3A_513], %broadcast_in_dim3A_1 {strides = array<i32>} : memref<128x128xf32, #tpu.memory_space<vmem>>, vector<16xf32>,
    %scan3A = arith.constant 0 : i32
    %scan3A_515 = arith.constant 0 : i32
    %scan3A_516 = arith.constant 40 : i32
    %scan3A_517 = arith.addi %scan3A_515, %scan3A_516 : i32
    %scan3A_518 = arith.constant 1 : i32
    %scan3A_519 = scf.for %scan3A_537 = %scan3A_515 to %scan3A_517 step %scan3A_518 iter_args(%scan3A_538 = %scan3A) -> (i32)  : i32 {
      %mul3A_539 = arith.constant 16 : i32
      %mul3A_540 = arith.muli %scan3A_537, %mul3A_539 : i32
      %swap3A_541 = arith.index_cast %mul3A_540 : i32 to index
      %swap3A_542 = tpu.vector_load %arg16[%swap3A_541] {strides = array<i32>} : memref<640xf32, #tpu.memory_space<vmem>>, vector<16xf32>,
      tpu.vector_store %arg16[%swap3A_541], %broadcast_in_dim3A_1 {strides = array<i32>} : memref<640xf32, #tpu.memory_space<vmem>>, vector<16xf32>,
      %scan3A_543 = arith.constant 0 : i32
      scf.yield %scan3A_543 : i32
    }
    %scan3A_520 = arith.constant 40 : i32
    %scan3A_521 = arith.constant 0 : i32
    %scan3A_522 = arith.constant 0 : i32
    %scan3A_523 = arith.constant 40 : i32
    %scan3A_524 = arith.addi %scan3A_522, %scan3A_523 : i32
    %scan3A_525 = arith.constant 1 : i32
    %scan3A_526 = scf.for %scan3A_537 = %scan3A_522 to %scan3A_524 step %scan3A_525 iter_args(%scan3A_538 = %scan3A_521) -> (i32)  : i32 {
      %mul3A_539 = arith.constant 640 : i32
      %mul3A_540 = arith.muli %arg1, %mul3A_539 : i32
      %mul3A_541 = arith.constant 16 : i32
      %mul3A_542 = arith.muli %scan3A_537, %mul3A_541 : i32
      %add3A_543 = arith.addi %mul3A_540, %mul3A_542 : i32
      "tpu.region"() ({
        %run_scoped3A = tpu.sem_alloc : memref<!tpu.dma_semaphore, #tpu.memory_space<semaphore_mem>>
        %dma_start3A = arith.constant 0 : i32
        %dma_start3A_545 = arith.constant 0 : i32
        %dma_start3A_546 = tpu.memref_slice %arg12[%dma_start3A, %dma_start3A_545] : memref<128x128xf32, #tpu.memory_space<vmem>> -> memref<16x128xf32, #tpu.memory_space<vmem>>
        %dma_start3A_547 = arith.constant 0 : i32
        %dma_start3A_548 = tpu.memref_slice %arg18[%add3A_543, %dma_start3A_547] : memref<10240x128xf32, #tpu.memory_space<vmem_shared>> -> memref<16x128xf32, #tpu.memory_space<vmem_shared>>
        %dma_start3A_549 = arith.constant 0 : i32
        %dma_start3A_550 = tpu.memref_slice %arg18[%add3A_543, %dma_start3A_549] : memref<10240x128xf32, #tpu.memory_space<vmem_shared>> -> memref<16x128xf32, #tpu.memory_space<vmem_shared>>
        %dma_start3A_551 = arith.constant 0 : i32
        %dma_start3A_552 = arith.constant 0 : i32
        %dma_start3A_553 = tpu.memref_slice %arg12[%dma_start3A_551, %dma_start3A_552] : memref<128x128xf32, #tpu.memory_space<vmem>> -> memref<16x128xf32, #tpu.memory_space<vmem>>
        tpu.enqueue_dma source(%dma_start3A_553 : memref<16x128xf32, #tpu.memory_space<vmem>>) target(%dma_start3A_550 : memref<16x128xf32, #tpu.memory_space<vmem_shared>>) target_semaphore(%run_scoped3A : memref<!tpu.dma_semaphore, #tpu.memory_space<semaphore_mem>>)
        %dma_wait3A = arith.constant 0 : i32
        %dma_wait3A_554 = arith.constant 0 : i32
        %dma_wait3A_555 = tpu.memref_slice %arg12[%dma_wait3A, %dma_wait3A_554] : memref<128x128xf32, #tpu.memory_space<vmem>> -> memref<16x128xf32, #tpu.memory_space<vmem>>
        %dma_wait3A_556 = arith.constant 0 : i32
        %dma_wait3A_557 = tpu.memref_slice %arg18[%add3A_543, %dma_wait3A_556] : memref<10240x128xf32, #tpu.memory_space<vmem_shared>> -> memref<16x128xf32, #tpu.memory_space<vmem_shared>>
        %dma_wait3A_558 = arith.constant 0 : i32
        %dma_wait3A_559 = tpu.memref_slice %arg18[%add3A_543, %dma_wait3A_558] : memref<10240x128xf32, #tpu.memory_space<vmem_shared>> -> memref<16x128xf32, #tpu.memory_space<vmem_shared>>
        %dma_wait3A_560 = arith.constant 0 : i32
        %dma_wait3A_561 = arith.constant 0 : i32
        %dma_wait3A_562 = tpu.memref_slice %arg12[%dma_wait3A_560, %dma_wait3A_561] : memref<128x128xf32, #tpu.memory_space<vmem>> -> memref<16x128xf32, #tpu.memory_space<vmem>>
        tpu.wait_dma2 semaphore(%run_scoped3A : memref<!tpu.dma_semaphore, #tpu.memory_space<semaphore_mem>>) src(%dma_wait3A_562 : memref<16x128xf32, #tpu.memory_space<vmem>>) dst(%dma_wait3A_559 : memref<16x128xf32, #tpu.memory_space<vmem_shared>>)
        tpu.yield
      }) : () -> ()
      %scan3A_544 = arith.constant 0 : i32
      scf.yield %scan3A_544 : i32
    }
    %scan3A_527 = arith.constant 40 : i32
    "tpu.region"() ({
      %run_scoped3A = tpu.sem_alloc : memref<!tpu.dma_semaphore, #tpu.memory_space<semaphore_mem>>
      %dma_start3A = tpu.memref_slice %arg21[%mul3A_3] : memref<10240xf32, #tpu.memory_space<vmem_shared>> -> memref<640xf32, #tpu.memory_space<vmem_shared>>
      %dma_start3A_537 = tpu.memref_slice %arg21[%mul3A_3] : memref<10240xf32, #tpu.memory_space<vmem_shared>> -> memref<640xf32, #tpu.memory_space<vmem_shared>>
      tpu.enqueue_dma source(%arg16 : memref<640xf32, #tpu.memory_space<vmem>>) target(%dma_start3A_537 : memref<640xf32, #tpu.memory_space<vmem_shared>>) target_semaphore(%run_scoped3A : memref<!tpu.dma_semaphore, #tpu.memory_space<semaphore_mem>>)
      %dma_wait3A = tpu.memref_slice %arg21[%mul3A_3] : memref<10240xf32, #tpu.memory_space<vmem_shared>> -> memref<640xf32, #tpu.memory_space<vmem_shared>>
      %dma_wait3A_538 = tpu.memref_slice %arg21[%mul3A_3] : memref<10240xf32, #tpu.memory_space<vmem_shared>> -> memref<640xf32, #tpu.memory_space<vmem_shared>>
      tpu.wait_dma2 semaphore(%run_scoped3A : memref<!tpu.dma_semaphore, #tpu.memory_space<semaphore_mem>>) src(%arg16 : memref<640xf32, #tpu.memory_space<vmem>>) dst(%dma_wait3A_538 : memref<640xf32, #tpu.memory_space<vmem_shared>>)
      tpu.yield
    }) : () -> ()
    %barrier3A = arith.constant 0 : index
    tpu.barrier barrier_id(%barrier3A)
    %get3A = arith.constant 0 : index
    %get3A_528 = tpu.vector_load %arg17[%get3A] {strides = array<i32>} : memref<16xf32, #tpu.memory_space<vmem>>, vector<16xf32>,
    %scan3A_529 = arith.constant 0 : i32
    %scan3A_530 = arith.constant 0 : i32
    %scan3A_531 = arith.constant 79 : i32
    %scan3A_532 = arith.addi %scan3A_530, %scan3A_531 : i32
    %scan3A_533 = arith.constant 1 : i32
    %scan3A_534 = scf.for %scan3A_537 = %scan3A_530 to %scan3A_532 step %scan3A_533 iter_args(%scan3A_538 = %scan3A_529) -> (i32)  : i32 {
      %dma_start3A = arith.constant 0 : i32
      %dma_start3A_539 = tpu.memref_slice %arg10[%scan3A_537, %dma_start3A] : memref<79x128xi32, #tpu.memory_space<vmem>> -> memref<1x128xi32, #tpu.memory_space<vmem>>
      %dma_start3A_540 = tpu.memref_squeeze %dma_start3A_539 : memref<1x128xi32, #tpu.memory_space<vmem>> -> memref<128xi32, #tpu.memory_space<vmem>>
      %dma_start3A_541 = arith.constant 0 : i32
      %dma_start3A_542 = tpu.memref_slice %arg19[%dma_start3A_541] : memref<10240xf32, #tpu.memory_space<vmem_shared>> -> memref<10240xf32, #tpu.memory_space<vmem_shared>>
      tpu.enqueue_indirect_dma source(%dma_start3A_542 : memref<10240xf32, #tpu.memory_space<vmem_shared>>) target(%arg13 : memref<128xf32, #tpu.memory_space<vmem>>) offsets(%dma_start3A_540 : memref<128xi32, #tpu.memory_space<vmem>>) semaphore(%arg23 : memref<!tpu.dma_semaphore, #tpu.memory_space<semaphore_mem>>)
      %dma_start3A_543 = arith.constant 0 : i32
      %dma_start3A_544 = tpu.memref_slice %arg11[%scan3A_537, %dma_start3A_543] : memref<79x128xi32, #tpu.memory_space<vmem>> -> memref<1x128xi32, #tpu.memory_space<vmem>>
      %dma_start3A_545 = tpu.memref_squeeze %dma_start3A_544 : memref<1x128xi32, #tpu.memory_space<vmem>> -> memref<128xi32, #tpu.memory_space<vmem>>
      %dma_start3A_546 = arith.constant 0 : i32
      %dma_start3A_547 = tpu.memref_slice %arg20[%dma_start3A_546] : memref<10240xf32, #tpu.memory_space<vmem_shared>> -> memref<10240xf32, #tpu.memory_space<vmem_shared>>
      tpu.enqueue_indirect_dma source(%dma_start3A_547 : memref<10240xf32, #tpu.memory_space<vmem_shared>>) target(%arg14 : memref<128xf32, #tpu.memory_space<vmem>>) offsets(%dma_start3A_545 : memref<128xi32, #tpu.memory_space<vmem>>) semaphore(%arg24 : memref<!tpu.dma_semaphore, #tpu.memory_space<semaphore_mem>>)
      %dma_start3A_548 = arith.constant 0 : i32
      %dma_start3A_549 = tpu.memref_slice %arg10[%scan3A_537, %dma_start3A_548] : memref<79x128xi32, #tpu.memory_space<vmem>> -> memref<1x128xi32, #tpu.memory_space<vmem>>
      %dma_start3A_550 = tpu.memref_squeeze %dma_start3A_549 : memref<1x128xi32, #tpu.memory_space<vmem>> -> memref<128xi32, #tpu.memory_space<vmem>>
      %dma_start3A_551 = arith.constant 0 : i32
      %dma_start3A_552 = arith.constant 0 : i32
      %dma_start3A_553 = tpu.memref_slice %arg6[%dma_start3A_551, %dma_start3A_552] : memref<10000x128xf32, #tpu.memory_space<hbm>> -> memref<10000x128xf32, #tpu.memory_space<hbm>>
      tpu.enqueue_indirect_dma source(%dma_start3A_553 : memref<10000x128xf32, #tpu.memory_space<hbm>>) target(%arg12 : memref<128x128xf32, #tpu.memory_space<vmem>>) offsets(%dma_start3A_550 : memref<128xi32, #tpu.memory_space<vmem>>) semaphore(%arg22 : memref<!tpu.dma_semaphore, #tpu.memory_space<semaphore_mem>>)
      %dma_wait3A = arith.constant 0 : i32
      %dma_wait3A_554 = tpu.memref_slice %arg10[%scan3A_537, %dma_wait3A] : memref<79x128xi32, #tpu.memory_space<vmem>> -> memref<1x128xi32, #tpu.memory_space<vmem>>
      %dma_wait3A_555 = tpu.memref_squeeze %dma_wait3A_554 : memref<1x128xi32, #tpu.memory_space<vmem>> -> memref<128xi32, #tpu.memory_space<vmem>>
      %dma_wait3A_556 = arith.constant 0 : i32
      %dma_wait3A_557 = tpu.memref_slice %arg19[%dma_wait3A_556] : memref<10240xf32, #tpu.memory_space<vmem_shared>> -> memref<10240xf32, #tpu.memory_space<vmem_shared>>
      tpu.wait_indirect_dma semaphore(%arg23 : memref<!tpu.dma_semaphore, #tpu.memory_space<semaphore_mem>>) src(%dma_wait3A_557 : memref<10240xf32, #tpu.memory_space<vmem_shared>>) dst(%arg13 : memref<128xf32, #tpu.memory_space<vmem>>)
      %dma_wait3A_558 = arith.constant 0 : i32
      %dma_wait3A_559 = tpu.memref_slice %arg11[%scan3A_537, %dma_wait3A_558] : memref<79x128xi32, #tpu.memory_space<vmem>> -> memref<1x128xi32, #tpu.memory_space<vmem>>
      %dma_wait3A_560 = tpu.memref_squeeze %dma_wait3A_559 : memref<1x128xi32, #tpu.memory_space<vmem>> -> memref<128xi32, #tpu.memory_space<vmem>>
      %dma_wait3A_561 = arith.constant 0 : i32
      %dma_wait3A_562 = tpu.memref_slice %arg20[%dma_wait3A_561] : memref<10240xf32, #tpu.memory_space<vmem_shared>> -> memref<10240xf32, #tpu.memory_space<vmem_shared>>
      tpu.wait_indirect_dma semaphore(%arg24 : memref<!tpu.dma_semaphore, #tpu.memory_space<semaphore_mem>>) src(%dma_wait3A_562 : memref<10240xf32, #tpu.memory_space<vmem_shared>>) dst(%arg14 : memref<128xf32, #tpu.memory_space<vmem>>)
      %get3A_563 = arith.constant 0 : index
      %get3A_564 = tpu.vector_load %arg13[%get3A_563] {strides = array<i32>} : memref<128xf32, #tpu.memory_space<vmem>>, vector<16xf32>,
      %get3A_565 = arith.constant 0 : index
      %get3A_566 = tpu.vector_load %arg14[%get3A_565] {strides = array<i32>} : memref<128xf32, #tpu.memory_space<vmem>>, vector<16xf32>,
      %add3A_567 = arith.addf %get3A_564, %get3A_566 : vector<16xf32>
      %ge3A = arith.constant 0.000000e+00 : f32
      %ge3A_568 = vector.broadcast %ge3A : f32 to vector<16xf32>
      %ge3A_569 = arith.cmpf oge, %add3A_567, %ge3A_568 : vector<16xf32>
      %mul3A_570 = arith.constant 2.000000e-01 : f32
      %mul3A_571 = vector.broadcast %mul3A_570 : f32 to vector<16xf32>
      %mul3A_572 = arith.mulf %mul3A_571, %add3A_567 : vector<16xf32>
      %select_n3A = arith.select %ge3A_569, %add3A_567, %mul3A_572 : vector<16xi1>, vector<16xf32>
      %sub3A = arith.subf %select_n3A, %get3A_528 : vector<16xf32>
      %exp3A = math.exp %sub3A : vector<16xf32>
      %swap3A_573 = arith.constant 0 : index
      %swap3A_574 = tpu.vector_load %arg15[%swap3A_573] {strides = array<i32>} : memref<128xf32, #tpu.memory_space<vmem>>, vector<16xf32>,
      tpu.vector_store %arg15[%swap3A_573], %exp3A {strides = array<i32>} : memref<128xf32, #tpu.memory_space<vmem>>, vector<16xf32>,
      %get3A_575 = arith.constant 16 : index
      %get3A_576 = tpu.vector_load %arg13[%get3A_575] {strides = array<i32>} : memref<128xf32, #tpu.memory_space<vmem>>, vector<16xf32>,
      %get3A_577 = arith.constant 16 : index
      %get3A_578 = tpu.vector_load %arg14[%get3A_577] {strides = array<i32>} : memref<128xf32, #tpu.memory_space<vmem>>, vector<16xf32>,
      %add3A_579 = arith.addf %get3A_576, %get3A_578 : vector<16xf32>
      %ge3A_580 = arith.constant 0.000000e+00 : f32
      %ge3A_581 = vector.broadcast %ge3A_580 : f32 to vector<16xf32>
      %ge3A_582 = arith.cmpf oge, %add3A_579, %ge3A_581 : vector<16xf32>
      %mul3A_583 = arith.constant 2.000000e-01 : f32
      %mul3A_584 = vector.broadcast %mul3A_583 : f32 to vector<16xf32>
      %mul3A_585 = arith.mulf %mul3A_584, %add3A_579 : vector<16xf32>
      %select_n3A_586 = arith.select %ge3A_582, %add3A_579, %mul3A_585 : vector<16xi1>, vector<16xf32>
      %sub3A_587 = arith.subf %select_n3A_586, %get3A_528 : vector<16xf32>
      %exp3A_588 = math.exp %sub3A_587 : vector<16xf32>
      %swap3A_589 = arith.constant 16 : index
      %swap3A_590 = tpu.vector_load %arg15[%swap3A_589] {strides = array<i32>} : memref<128xf32, #tpu.memory_space<vmem>>, vector<16xf32>,
      tpu.vector_store %arg15[%swap3A_589], %exp3A_588 {strides = array<i32>} : memref<128xf32, #tpu.memory_space<vmem>>, vector<16xf32>,
      %get3A_591 = arith.constant 32 : index
      %get3A_592 = tpu.vector_load %arg13[%get3A_591] {strides = array<i32>} : memref<128xf32, #tpu.memory_space<vmem>>, vector<16xf32>,
      %get3A_593 = arith.constant 32 : index
      %get3A_594 = tpu.vector_load %arg14[%get3A_593] {strides = array<i32>} : memref<128xf32, #tpu.memory_space<vmem>>, vector<16xf32>,
      %add3A_595 = arith.addf %get3A_592, %get3A_594 : vector<16xf32>
      %ge3A_596 = arith.constant 0.000000e+00 : f32
      %ge3A_597 = vector.broadcast %ge3A_596 : f32 to vector<16xf32>
      %ge3A_598 = arith.cmpf oge, %add3A_595, %ge3A_597 : vector<16xf32>
      %mul3A_599 = arith.constant 2.000000e-01 : f32
      %mul3A_600 = vector.broadcast %mul3A_599 : f32 to vector<16xf32>
      %mul3A_601 = arith.mulf %mul3A_600, %add3A_595 : vector<16xf32>
      %select_n3A_602 = arith.select %ge3A_598, %add3A_595, %mul3A_601 : vector<16xi1>, vector<16xf32>
      %sub3A_603 = arith.subf %select_n3A_602, %get3A_528 : vector<16xf32>
      %exp3A_604 = math.exp %sub3A_603 : vector<16xf32>
      %swap3A_605 = arith.constant 32 : index
      %swap3A_606 = tpu.vector_load %arg15[%swap3A_605] {strides = array<i32>} : memref<128xf32, #tpu.memory_space<vmem>>, vector<16xf32>,
      tpu.vector_store %arg15[%swap3A_605], %exp3A_604 {strides = array<i32>} : memref<128xf32, #tpu.memory_space<vmem>>, vector<16xf32>,
      %get3A_607 = arith.constant 48 : index
      %get3A_608 = tpu.vector_load %arg13[%get3A_607] {strides = array<i32>} : memref<128xf32, #tpu.memory_space<vmem>>, vector<16xf32>,
      %get3A_609 = arith.constant 48 : index
      %get3A_610 = tpu.vector_load %arg14[%get3A_609] {strides = array<i32>} : memref<128xf32, #tpu.memory_space<vmem>>, vector<16xf32>,
      %add3A_611 = arith.addf %get3A_608, %get3A_610 : vector<16xf32>
      %ge3A_612 = arith.constant 0.000000e+00 : f32
      %ge3A_613 = vector.broadcast %ge3A_612 : f32 to vector<16xf32>
      %ge3A_614 = arith.cmpf oge, %add3A_611, %ge3A_613 : vector<16xf32>
      %mul3A_615 = arith.constant 2.000000e-01 : f32
      %mul3A_616 = vector.broadcast %mul3A_615 : f32 to vector<16xf32>
      %mul3A_617 = arith.mulf %mul3A_616, %add3A_611 : vector<16xf32>
      %select_n3A_618 = arith.select %ge3A_614, %add3A_611, %mul3A_617 : vector<16xi1>, vector<16xf32>
      %sub3A_619 = arith.subf %select_n3A_618, %get3A_528 : vector<16xf32>
      %exp3A_620 = math.exp %sub3A_619 : vector<16xf32>
      %swap3A_621 = arith.constant 48 : index
      %swap3A_622 = tpu.vector_load %arg15[%swap3A_621] {strides = array<i32>} : memref<128xf32, #tpu.memory_space<vmem>>, vector<16xf32>,
      tpu.vector_store %arg15[%swap3A_621], %exp3A_620 {strides = array<i32>} : memref<128xf32, #tpu.memory_space<vmem>>, vector<16xf32>,
      %get3A_623 = arith.constant 64 : index
      %get3A_624 = tpu.vector_load %arg13[%get3A_623] {strides = array<i32>} : memref<128xf32, #tpu.memory_space<vmem>>, vector<16xf32>,
      %get3A_625 = arith.constant 64 : index
      %get3A_626 = tpu.vector_load %arg14[%get3A_625] {strides = array<i32>} : memref<128xf32, #tpu.memory_space<vmem>>, vector<16xf32>,
      %add3A_627 = arith.addf %get3A_624, %get3A_626 : vector<16xf32>
      %ge3A_628 = arith.constant 0.000000e+00 : f32
      %ge3A_629 = vector.broadcast %ge3A_628 : f32 to vector<16xf32>
      %ge3A_630 = arith.cmpf oge, %add3A_627, %ge3A_629 : vector<16xf32>
      %mul3A_631 = arith.constant 2.000000e-01 : f32
      %mul3A_632 = vector.broadcast %mul3A_631 : f32 to vector<16xf32>
      %mul3A_633 = arith.mulf %mul3A_632, %add3A_627 : vector<16xf32>
      %select_n3A_634 = arith.select %ge3A_630, %add3A_627, %mul3A_633 : vector<16xi1>, vector<16xf32>
      %sub3A_635 = arith.subf %select_n3A_634, %get3A_528 : vector<16xf32>
      %exp3A_636 = math.exp %sub3A_635 : vector<16xf32>
      %swap3A_637 = arith.constant 64 : index
      %swap3A_638 = tpu.vector_load %arg15[%swap3A_637] {strides = array<i32>} : memref<128xf32, #tpu.memory_space<vmem>>, vector<16xf32>,
      tpu.vector_store %arg15[%swap3A_637], %exp3A_636 {strides = array<i32>} : memref<128xf32, #tpu.memory_space<vmem>>, vector<16xf32>,
      %get3A_639 = arith.constant 80 : index
      %get3A_640 = tpu.vector_load %arg13[%get3A_639] {strides = array<i32>} : memref<128xf32, #tpu.memory_space<vmem>>, vector<16xf32>,
      %get3A_641 = arith.constant 80 : index
      %get3A_642 = tpu.vector_load %arg14[%get3A_641] {strides = array<i32>} : memref<128xf32, #tpu.memory_space<vmem>>, vector<16xf32>,
      %add3A_643 = arith.addf %get3A_640, %get3A_642 : vector<16xf32>
      %ge3A_644 = arith.constant 0.000000e+00 : f32
      %ge3A_645 = vector.broadcast %ge3A_644 : f32 to vector<16xf32>
      %ge3A_646 = arith.cmpf oge, %add3A_643, %ge3A_645 : vector<16xf32>
      %mul3A_647 = arith.constant 2.000000e-01 : f32
      %mul3A_648 = vector.broadcast %mul3A_647 : f32 to vector<16xf32>
      %mul3A_649 = arith.mulf %mul3A_648, %add3A_643 : vector<16xf32>
      %select_n3A_650 = arith.select %ge3A_646, %add3A_643, %mul3A_649 : vector<16xi1>, vector<16xf32>
      %sub3A_651 = arith.subf %select_n3A_650, %get3A_528 : vector<16xf32>
      %exp3A_652 = math.exp %sub3A_651 : vector<16xf32>
      %swap3A_653 = arith.constant 80 : index
      %swap3A_654 = tpu.vector_load %arg15[%swap3A_653] {strides = array<i32>} : memref<128xf32, #tpu.memory_space<vmem>>, vector<16xf32>,
      tpu.vector_store %arg15[%swap3A_653], %exp3A_652 {strides = array<i32>} : memref<128xf32, #tpu.memory_space<vmem>>, vector<16xf32>,
      %get3A_655 = arith.constant 96 : index
      %get3A_656 = tpu.vector_load %arg13[%get3A_655] {strides = array<i32>} : memref<128xf32, #tpu.memory_space<vmem>>, vector<16xf32>,
      %get3A_657 = arith.constant 96 : index
      %get3A_658 = tpu.vector_load %arg14[%get3A_657] {strides = array<i32>} : memref<128xf32, #tpu.memory_space<vmem>>, vector<16xf32>,
      %add3A_659 = arith.addf %get3A_656, %get3A_658 : vector<16xf32>
      %ge3A_660 = arith.constant 0.000000e+00 : f32
      %ge3A_661 = vector.broadcast %ge3A_660 : f32 to vector<16xf32>
      %ge3A_662 = arith.cmpf oge, %add3A_659, %ge3A_661 : vector<16xf32>
      %mul3A_663 = arith.constant 2.000000e-01 : f32
      %mul3A_664 = vector.broadcast %mul3A_663 : f32 to vector<16xf32>
      %mul3A_665 = arith.mulf %mul3A_664, %add3A_659 : vector<16xf32>
      %select_n3A_666 = arith.select %ge3A_662, %add3A_659, %mul3A_665 : vector<16xi1>, vector<16xf32>
      %sub3A_667 = arith.subf %select_n3A_666, %get3A_528 : vector<16xf32>
      %exp3A_668 = math.exp %sub3A_667 : vector<16xf32>
      %swap3A_669 = arith.constant 96 : index
      %swap3A_670 = tpu.vector_load %arg15[%swap3A_669] {strides = array<i32>} : memref<128xf32, #tpu.memory_space<vmem>>, vector<16xf32>,
      tpu.vector_store %arg15[%swap3A_669], %exp3A_668 {strides = array<i32>} : memref<128xf32, #tpu.memory_space<vmem>>, vector<16xf32>,
      %get3A_671 = arith.constant 112 : index
      %get3A_672 = tpu.vector_load %arg13[%get3A_671] {strides = array<i32>} : memref<128xf32, #tpu.memory_space<vmem>>, vector<16xf32>,
      %get3A_673 = arith.constant 112 : index
      %get3A_674 = tpu.vector_load %arg14[%get3A_673] {strides = array<i32>} : memref<128xf32, #tpu.memory_space<vmem>>, vector<16xf32>,
      %add3A_675 = arith.addf %get3A_672, %get3A_674 : vector<16xf32>
      %ge3A_676 = arith.constant 0.000000e+00 : f32
      %ge3A_677 = vector.broadcast %ge3A_676 : f32 to vector<16xf32>
      %ge3A_678 = arith.cmpf oge, %add3A_675, %ge3A_677 : vector<16xf32>
      %mul3A_679 = arith.constant 2.000000e-01 : f32
      %mul3A_680 = vector.broadcast %mul3A_679 : f32 to vector<16xf32>
      %mul3A_681 = arith.mulf %mul3A_680, %add3A_675 : vector<16xf32>
      %select_n3A_682 = arith.select %ge3A_678, %add3A_675, %mul3A_681 : vector<16xi1>, vector<16xf32>
      %sub3A_683 = arith.subf %select_n3A_682, %get3A_528 : vector<16xf32>
      %exp3A_684 = math.exp %sub3A_683 : vector<16xf32>
      %swap3A_685 = arith.constant 112 : index
      %swap3A_686 = tpu.vector_load %arg15[%swap3A_685] {strides = array<i32>} : memref<128xf32, #tpu.memory_space<vmem>>, vector<16xf32>,
      tpu.vector_store %arg15[%swap3A_685], %exp3A_684 {strides = array<i32>} : memref<128xf32, #tpu.memory_space<vmem>>, vector<16xf32>,
      %dma_wait3A_687 = arith.constant 0 : i32
      %dma_wait3A_688 = tpu.memref_slice %arg10[%scan3A_537, %dma_wait3A_687] : memref<79x128xi32, #tpu.memory_space<vmem>> -> memref<1x128xi32, #tpu.memory_space<vmem>>
      %dma_wait3A_689 = tpu.memref_squeeze %dma_wait3A_688 : memref<1x128xi32, #tpu.memory_space<vmem>> -> memref<128xi32, #tpu.memory_space<vmem>>
      %dma_wait3A_690 = arith.constant 0 : i32
      %dma_wait3A_691 = arith.constant 0 : i32
      %dma_wait3A_692 = tpu.memref_slice %arg6[%dma_wait3A_690, %dma_wait3A_691] : memref<10000x128xf32, #tpu.memory_space<hbm>> -> memref<10000x128xf32, #tpu.memory_space<hbm>>
      tpu.wait_indirect_dma semaphore(%arg22 : memref<!tpu.dma_semaphore, #tpu.memory_space<semaphore_mem>>) src(%dma_wait3A_692 : memref<10000x128xf32, #tpu.memory_space<hbm>>) dst(%arg12 : memref<128x128xf32, #tpu.memory_space<vmem>>)
      %scan3A_693 = arith.constant 0 : i32
      %scan3A_694 = arith.constant 0 : i32
      %scan3A_695 = arith.constant 8 : i32
      %scan3A_696 = arith.addi %scan3A_694, %scan3A_695 : i32
      %scan3A_697 = arith.constant 1 : i32
      %scan3A_698 = scf.for %scan3A_723 = %scan3A_694 to %scan3A_696 step %scan3A_697 iter_args(%scan3A_724 = %scan3A_693) -> (i32)  : i32 {
        %mul3A_725 = arith.constant 16 : i32
        %mul3A_726 = arith.muli %scan3A_723, %mul3A_725 : i32
        %get3A_727 = arith.index_cast %mul3A_726 : i32 to index
        %get3A_728 = tpu.vector_load %arg15[%get3A_727] {strides = array<i32>} : memref<128xf32, #tpu.memory_space<vmem>>, vector<16xf32>,
        %mul3A_729 = arith.constant 16 : i32
        %mul3A_730 = arith.muli %scan3A_723, %mul3A_729 : i32
        %add3A_731 = arith.constant 0 : i32
        %add3A_732 = arith.addi %mul3A_730, %add3A_731 : i32
        %slice3A = vector.extract_strided_slice %get3A_728 {offsets = [0], sizes = [1], strides = [1]} : vector<16xf32> to vector<1xf32>
        %squeeze3A = vector.extract %slice3A[0] : f32 from vector<1xf32>
        %get3A_733 = arith.index_cast %add3A_732 : i32 to index
        %get3A_734 = arith.constant 0 : index
        %get3A_735 = tpu.vector_load %arg12[%get3A_733, %get3A_734] {strides = array<i32>} : memref<128x128xf32, #tpu.memory_space<vmem>>, vector<16xf32>,
        %mul3A_736 = vector.broadcast %squeeze3A : f32 to vector<16xf32>
        %mul3A_737 = arith.mulf %get3A_735, %mul3A_736 : vector<16xf32>
        %swap3A_738 = arith.index_cast %add3A_732 : i32 to index
        %swap3A_739 = arith.constant 0 : index
        %swap3A_740 = tpu.vector_load %arg12[%swap3A_738, %swap3A_739] {strides = array<i32>} : memref<128x128xf32, #tpu.memory_space<vmem>>, vector<16xf32>,
        tpu.vector_store %arg12[%swap3A_738, %swap3A_739], %mul3A_737 {strides = array<i32>} : memref<128x128xf32, #tpu.memory_space<vmem>>, vector<16xf32>,
        %get3A_741 = arith.index_cast %add3A_732 : i32 to index
        %get3A_742 = arith.constant 16 : index
        %get3A_743 = tpu.vector_load %arg12[%get3A_741, %get3A_742] {strides = array<i32>} : memref<128x128xf32, #tpu.memory_space<vmem>>, vector<16xf32>,
        %mul3A_744 = vector.broadcast %squeeze3A : f32 to vector<16xf32>
        %mul3A_745 = arith.mulf %get3A_743, %mul3A_744 : vector<16xf32>
        %swap3A_746 = arith.index_cast %add3A_732 : i32 to index
        %swap3A_747 = arith.constant 16 : index
        %swap3A_748 = tpu.vector_load %arg12[%swap3A_746, %swap3A_747] {strides = array<i32>} : memref<128x128xf32, #tpu.memory_space<vmem>>, vector<16xf32>,
        tpu.vector_store %arg12[%swap3A_746, %swap3A_747], %mul3A_745 {strides = array<i32>} : memref<128x128xf32, #tpu.memory_space<vmem>>, vector<16xf32>,
        %get3A_749 = arith.index_cast %add3A_732 : i32 to index
        %get3A_750 = arith.constant 32 : index
        %get3A_751 = tpu.vector_load %arg12[%get3A_749, %get3A_750] {strides = array<i32>} : memref<128x128xf32, #tpu.memory_space<vmem>>, vector<16xf32>,
        %mul3A_752 = vector.broadcast %squeeze3A : f32 to vector<16xf32>
        %mul3A_753 = arith.mulf %get3A_751, %mul3A_752 : vector<16xf32>
        %swap3A_754 = arith.index_cast %add3A_732 : i32 to index
        %swap3A_755 = arith.constant 32 : index
        %swap3A_756 = tpu.vector_load %arg12[%swap3A_754, %swap3A_755] {strides = array<i32>} : memref<128x128xf32, #tpu.memory_space<vmem>>, vector<16xf32>,
        tpu.vector_store %arg12[%swap3A_754, %swap3A_755], %mul3A_753 {strides = array<i32>} : memref<128x128xf32, #tpu.memory_space<vmem>>, vector<16xf32>,
        %get3A_757 = arith.index_cast %add3A_732 : i32 to index
        %get3A_758 = arith.constant 48 : index
        %get3A_759 = tpu.vector_load %arg12[%get3A_757, %get3A_758] {strides = array<i32>} : memref<128x128xf32, #tpu.memory_space<vmem>>, vector<16xf32>,
        %mul3A_760 = vector.broadcast %squeeze3A : f32 to vector<16xf32>
        %mul3A_761 = arith.mulf %get3A_759, %mul3A_760 : vector<16xf32>
        %swap3A_762 = arith.index_cast %add3A_732 : i32 to index
        %swap3A_763 = arith.constant 48 : index
        %swap3A_764 = tpu.vector_load %arg12[%swap3A_762, %swap3A_763] {strides = array<i32>} : memref<128x128xf32, #tpu.memory_space<vmem>>, vector<16xf32>,
        tpu.vector_store %arg12[%swap3A_762, %swap3A_763], %mul3A_761 {strides = array<i32>} : memref<128x128xf32, #tpu.memory_space<vmem>>, vector<16xf32>,
        %get3A_765 = arith.index_cast %add3A_732 : i32 to index
        %get3A_766 = arith.constant 64 : index
        %get3A_767 = tpu.vector_load %arg12[%get3A_765, %get3A_766] {strides = array<i32>} : memref<128x128xf32, #tpu.memory_space<vmem>>, vector<16xf32>,
        %mul3A_768 = vector.broadcast %squeeze3A : f32 to vector<16xf32>
        %mul3A_769 = arith.mulf %get3A_767, %mul3A_768 : vector<16xf32>
        %swap3A_770 = arith.index_cast %add3A_732 : i32 to index
        %swap3A_771 = arith.constant 64 : index
        %swap3A_772 = tpu.vector_load %arg12[%swap3A_770, %swap3A_771] {strides = array<i32>} : memref<128x128xf32, #tpu.memory_space<vmem>>, vector<16xf32>,
        tpu.vector_store %arg12[%swap3A_770, %swap3A_771], %mul3A_769 {strides = array<i32>} : memref<128x128xf32, #tpu.memory_space<vmem>>, vector<16xf32>,
        %get3A_773 = arith.index_cast %add3A_732 : i32 to index
        %get3A_774 = arith.constant 80 : index
        %get3A_775 = tpu.vector_load %arg12[%get3A_773, %get3A_774] {strides = array<i32>} : memref<128x128xf32, #tpu.memory_space<vmem>>, vector<16xf32>,
        %mul3A_776 = vector.broadcast %squeeze3A : f32 to vector<16xf32>
        %mul3A_777 = arith.mulf %get3A_775, %mul3A_776 : vector<16xf32>
        %swap3A_778 = arith.index_cast %add3A_732 : i32 to index
        %swap3A_779 = arith.constant 80 : index
        %swap3A_780 = tpu.vector_load %arg12[%swap3A_778, %swap3A_779] {strides = array<i32>} : memref<128x128xf32, #tpu.memory_space<vmem>>, vector<16xf32>,
        tpu.vector_store %arg12[%swap3A_778, %swap3A_779], %mul3A_777 {strides = array<i32>} : memref<128x128xf32, #tpu.memory_space<vmem>>, vector<16xf32>,
        %get3A_781 = arith.index_cast %add3A_732 : i32 to index
        %get3A_782 = arith.constant 96 : index
        %get3A_783 = tpu.vector_load %arg12[%get3A_781, %get3A_782] {strides = array<i32>} : memref<128x128xf32, #tpu.memory_space<vmem>>, vector<16xf32>,
        %mul3A_784 = vector.broadcast %squeeze3A : f32 to vector<16xf32>
        %mul3A_785 = arith.mulf %get3A_783, %mul3A_784 : vector<16xf32>
        %swap3A_786 = arith.index_cast %add3A_732 : i32 to index
        %swap3A_787 = arith.constant 96 : index
        %swap3A_788 = tpu.vector_load %arg12[%swap3A_786, %swap3A_787] {strides = array<i32>} : memref<128x128xf32, #tpu.memory_space<vmem>>, vector<16xf32>,
        tpu.vector_store %arg12[%swap3A_786, %swap3A_787], %mul3A_785 {strides = array<i32>} : memref<128x128xf32, #tpu.memory_space<vmem>>, vector<16xf32>,
        %get3A_789 = arith.index_cast %add3A_732 : i32 to index
        %get3A_790 = arith.constant 112 : index
        %get3A_791 = tpu.vector_load %arg12[%get3A_789, %get3A_790] {strides = array<i32>} : memref<128x128xf32, #tpu.memory_space<vmem>>, vector<16xf32>,
        %mul3A_792 = vector.broadcast %squeeze3A : f32 to vector<16xf32>
        %mul3A_793 = arith.mulf %get3A_791, %mul3A_792 : vector<16xf32>
        %swap3A_794 = arith.index_cast %add3A_732 : i32 to index
        %swap3A_795 = arith.constant 112 : index
        %swap3A_796 = tpu.vector_load %arg12[%swap3A_794, %swap3A_795] {strides = array<i32>} : memref<128x128xf32, #tpu.memory_space<vmem>>, vector<16xf32>,
        tpu.vector_store %arg12[%swap3A_794, %swap3A_795], %mul3A_793 {strides = array<i32>} : memref<128x128xf32, #tpu.memory_space<vmem>>, vector<16xf32>,
        %mul3A_797 = arith.constant 16 : i32
        %mul3A_798 = arith.muli %scan3A_723, %mul3A_797 : i32
        %add3A_799 = arith.constant 1 : i32
        %add3A_800 = arith.addi %mul3A_798, %add3A_799 : i32
        %slice3A_801 = vector.extract_strided_slice %get3A_728 {offsets = [1], sizes = [1], strides = [1]} : vector<16xf32> to vector<1xf32>
        %squeeze3A_802 = vector.extract %slice3A_801[0] : f32 from vector<1xf32>
        %get3A_803 = arith.index_cast %add3A_800 : i32 to index
        %get3A_804 = arith.constant 0 : index
        %get3A_805 = tpu.vector_load %arg12[%get3A_803, %get3A_804] {strides = array<i32>} : memref<128x128xf32, #tpu.memory_space<vmem>>, vector<16xf32>,
        %mul3A_806 = vector.broadcast %squeeze3A_802 : f32 to vector<16xf32>
        %mul3A_807 = arith.mulf %get3A_805, %mul3A_806 : vector<16xf32>
        %swap3A_808 = arith.index_cast %add3A_800 : i32 to index
        %swap3A_809 = arith.constant 0 : index
        %swap3A_810 = tpu.vector_load %arg12[%swap3A_808, %swap3A_809] {strides = array<i32>} : memref<128x128xf32, #tpu.memory_space<vmem>>, vector<16xf32>,
        tpu.vector_store %arg12[%swap3A_808, %swap3A_809], %mul3A_807 {strides = array<i32>} : memref<128x128xf32, #tpu.memory_space<vmem>>, vector<16xf32>,
        %get3A_811 = arith.index_cast %add3A_800 : i32 to index
        %get3A_812 = arith.constant 16 : index
        %get3A_813 = tpu.vector_load %arg12[%get3A_811, %get3A_812] {strides = array<i32>} : memref<128x128xf32, #tpu.memory_space<vmem>>, vector<16xf32>,
        %mul3A_814 = vector.broadcast %squeeze3A_802 : f32 to vector<16xf32>
        %mul3A_815 = arith.mulf %get3A_813, %mul3A_814 : vector<16xf32>
        %swap3A_816 = arith.index_cast %add3A_800 : i32 to index
        %swap3A_817 = arith.constant 16 : index
        %swap3A_818 = tpu.vector_load %arg12[%swap3A_816, %swap3A_817] {strides = array<i32>} : memref<128x128xf32, #tpu.memory_space<vmem>>, vector<16xf32>,
        tpu.vector_store %arg12[%swap3A_816, %swap3A_817], %mul3A_815 {strides = array<i32>} : memref<128x128xf32, #tpu.memory_space<vmem>>, vector<16xf32>,
        %get3A_819 = arith.index_cast %add3A_800 : i32 to index
        %get3A_820 = arith.constant 32 : index
        %get3A_821 = tpu.vector_load %arg12[%get3A_819, %get3A_820] {strides = array<i32>} : memref<128x128xf32, #tpu.memory_space<vmem>>, vector<16xf32>,
        %mul3A_822 = vector.broadcast %squeeze3A_802 : f32 to vector<16xf32>
        %mul3A_823 = arith.mulf %get3A_821, %mul3A_822 : vector<16xf32>
        %swap3A_824 = arith.index_cast %add3A_800 : i32 to index
        %swap3A_825 = arith.constant 32 : index
        %swap3A_826 = tpu.vector_load %arg12[%swap3A_824, %swap3A_825] {strides = array<i32>} : memref<128x128xf32, #tpu.memory_space<vmem>>, vector<16xf32>,
        tpu.vector_store %arg12[%swap3A_824, %swap3A_825], %mul3A_823 {strides = array<i32>} : memref<128x128xf32, #tpu.memory_space<vmem>>, vector<16xf32>,
        %get3A_827 = arith.index_cast %add3A_800 : i32 to index
        %get3A_828 = arith.constant 48 : index
        %get3A_829 = tpu.vector_load %arg12[%get3A_827, %get3A_828] {strides = array<i32>} : memref<128x128xf32, #tpu.memory_space<vmem>>, vector<16xf32>,
        %mul3A_830 = vector.broadcast %squeeze3A_802 : f32 to vector<16xf32>
        %mul3A_831 = arith.mulf %get3A_829, %mul3A_830 : vector<16xf32>
        %swap3A_832 = arith.index_cast %add3A_800 : i32 to index
        %swap3A_833 = arith.constant 48 : index
        %swap3A_834 = tpu.vector_load %arg12[%swap3A_832, %swap3A_833] {strides = array<i32>} : memref<128x128xf32, #tpu.memory_space<vmem>>, vector<16xf32>,
        tpu.vector_store %arg12[%swap3A_832, %swap3A_833], %mul3A_831 {strides = array<i32>} : memref<128x128xf32, #tpu.memory_space<vmem>>, vector<16xf32>,
        %get3A_835 = arith.index_cast %add3A_800 : i32 to index
        %get3A_836 = arith.constant 64 : index
        %get3A_837 = tpu.vector_load %arg12[%get3A_835, %get3A_836] {strides = array<i32>} : memref<128x128xf32, #tpu.memory_space<vmem>>, vector<16xf32>,
        %mul3A_838 = vector.broadcast %squeeze3A_802 : f32 to vector<16xf32>
        %mul3A_839 = arith.mulf %get3A_837, %mul3A_838 : vector<16xf32>
        %swap3A_840 = arith.index_cast %add3A_800 : i32 to index
        %swap3A_841 = arith.constant 64 : index
        %swap3A_842 = tpu.vector_load %arg12[%swap3A_840, %swap3A_841] {strides = array<i32>} : memref<128x128xf32, #tpu.memory_space<vmem>>, vector<16xf32>,
        tpu.vector_store %arg12[%swap3A_840, %swap3A_841], %mul3A_839 {strides = array<i32>} : memref<128x128xf32, #tpu.memory_space<vmem>>, vector<16xf32>,
        %get3A_843 = arith.index_cast %add3A_800 : i32 to index
        %get3A_844 = arith.constant 80 : index
        %get3A_845 = tpu.vector_load %arg12[%get3A_843, %get3A_844] {strides = array<i32>} : memref<128x128xf32, #tpu.memory_space<vmem>>, vector<16xf32>,
        %mul3A_846 = vector.broadcast %squeeze3A_802 : f32 to vector<16xf32>
        %mul3A_847 = arith.mulf %get3A_845, %mul3A_846 : vector<16xf32>
        %swap3A_848 = arith.index_cast %add3A_800 : i32 to index
        %swap3A_849 = arith.constant 80 : index
        %swap3A_850 = tpu.vector_load %arg12[%swap3A_848, %swap3A_849] {strides = array<i32>} : memref<128x128xf32, #tpu.memory_space<vmem>>, vector<16xf32>,
        tpu.vector_store %arg12[%swap3A_848, %swap3A_849], %mul3A_847 {strides = array<i32>} : memref<128x128xf32, #tpu.memory_space<vmem>>, vector<16xf32>,
        %get3A_851 = arith.index_cast %add3A_800 : i32 to index
        %get3A_852 = arith.constant 96 : index
        %get3A_853 = tpu.vector_load %arg12[%get3A_851, %get3A_852] {strides = array<i32>} : memref<128x128xf32, #tpu.memory_space<vmem>>, vector<16xf32>,
        %mul3A_854 = vector.broadcast %squeeze3A_802 : f32 to vector<16xf32>
        %mul3A_855 = arith.mulf %get3A_853, %mul3A_854 : vector<16xf32>
        %swap3A_856 = arith.index_cast %add3A_800 : i32 to index
        %swap3A_857 = arith.constant 96 : index
        %swap3A_858 = tpu.vector_load %arg12[%swap3A_856, %swap3A_857] {strides = array<i32>} : memref<128x128xf32, #tpu.memory_space<vmem>>, vector<16xf32>,
        tpu.vector_store %arg12[%swap3A_856, %swap3A_857], %mul3A_855 {strides = array<i32>} : memref<128x128xf32, #tpu.memory_space<vmem>>, vector<16xf32>,
        %get3A_859 = arith.index_cast %add3A_800 : i32 to index
        %get3A_860 = arith.constant 112 : index
        %get3A_861 = tpu.vector_load %arg12[%get3A_859, %get3A_860] {strides = array<i32>} : memref<128x128xf32, #tpu.memory_space<vmem>>, vector<16xf32>,
        %mul3A_862 = vector.broadcast %squeeze3A_802 : f32 to vector<16xf32>
        %mul3A_863 = arith.mulf %get3A_861, %mul3A_862 : vector<16xf32>
        %swap3A_864 = arith.index_cast %add3A_800 : i32 to index
        %swap3A_865 = arith.constant 112 : index
        %swap3A_866 = tpu.vector_load %arg12[%swap3A_864, %swap3A_865] {strides = array<i32>} : memref<128x128xf32, #tpu.memory_space<vmem>>, vector<16xf32>,
        tpu.vector_store %arg12[%swap3A_864, %swap3A_865], %mul3A_863 {strides = array<i32>} : memref<128x128xf32, #tpu.memory_space<vmem>>, vector<16xf32>,
        %mul3A_867 = arith.constant 16 : i32
        %mul3A_868 = arith.muli %scan3A_723, %mul3A_867 : i32
        %add3A_869 = arith.constant 2 : i32
        %add3A_870 = arith.addi %mul3A_868, %add3A_869 : i32
        %slice3A_871 = vector.extract_strided_slice %get3A_728 {offsets = [2], sizes = [1], strides = [1]} : vector<16xf32> to vector<1xf32>
        %squeeze3A_872 = vector.extract %slice3A_871[0] : f32 from vector<1xf32>
        %get3A_873 = arith.index_cast %add3A_870 : i32 to index
        %get3A_874 = arith.constant 0 : index
        %get3A_875 = tpu.vector_load %arg12[%get3A_873, %get3A_874] {strides = array<i32>} : memref<128x128xf32, #tpu.memory_space<vmem>>, vector<16xf32>,
        %mul3A_876 = vector.broadcast %squeeze3A_872 : f32 to vector<16xf32>
        %mul3A_877 = arith.mulf %get3A_875, %mul3A_876 : vector<16xf32>
        %swap3A_878 = arith.index_cast %add3A_870 : i32 to index
        %swap3A_879 = arith.constant 0 : index
        %swap3A_880 = tpu.vector_load %arg12[%swap3A_878, %swap3A_879] {strides = array<i32>} : memref<128x128xf32, #tpu.memory_space<vmem>>, vector<16xf32>,
        tpu.vector_store %arg12[%swap3A_878, %swap3A_879], %mul3A_877 {strides = array<i32>} : memref<128x128xf32, #tpu.memory_space<vmem>>, vector<16xf32>,
        %get3A_881 = arith.index_cast %add3A_870 : i32 to index
        %get3A_882 = arith.constant 16 : index
        %get3A_883 = tpu.vector_load %arg12[%get3A_881, %get3A_882] {strides = array<i32>} : memref<128x128xf32, #tpu.memory_space<vmem>>, vector<16xf32>,
        %mul3A_884 = vector.broadcast %squeeze3A_872 : f32 to vector<16xf32>
        %mul3A_885 = arith.mulf %get3A_883, %mul3A_884 : vector<16xf32>
        %swap3A_886 = arith.index_cast %add3A_870 : i32 to index
        %swap3A_887 = arith.constant 16 : index
        %swap3A_888 = tpu.vector_load %arg12[%swap3A_886, %swap3A_887] {strides = array<i32>} : memref<128x128xf32, #tpu.memory_space<vmem>>, vector<16xf32>,
        tpu.vector_store %arg12[%swap3A_886, %swap3A_887], %mul3A_885 {strides = array<i32>} : memref<128x128xf32, #tpu.memory_space<vmem>>, vector<16xf32>,
        %get3A_889 = arith.index_cast %add3A_870 : i32 to index
        %get3A_890 = arith.constant 32 : index
        %get3A_891 = tpu.vector_load %arg12[%get3A_889, %get3A_890] {strides = array<i32>} : memref<128x128xf32, #tpu.memory_space<vmem>>, vector<16xf32>,
        %mul3A_892 = vector.broadcast %squeeze3A_872 : f32 to vector<16xf32>
        %mul3A_893 = arith.mulf %get3A_891, %mul3A_892 : vector<16xf32>
        %swap3A_894 = arith.index_cast %add3A_870 : i32 to index
        %swap3A_895 = arith.constant 32 : index
        %swap3A_896 = tpu.vector_load %arg12[%swap3A_894, %swap3A_895] {strides = array<i32>} : memref<128x128xf32, #tpu.memory_space<vmem>>, vector<16xf32>,
        tpu.vector_store %arg12[%swap3A_894, %swap3A_895], %mul3A_893 {strides = array<i32>} : memref<128x128xf32, #tpu.memory_space<vmem>>, vector<16xf32>,
        %get3A_897 = arith.index_cast %add3A_870 : i32 to index
        %get3A_898 = arith.constant 48 : index
        %get3A_899 = tpu.vector_load %arg12[%get3A_897, %get3A_898] {strides = array<i32>} : memref<128x128xf32, #tpu.memory_space<vmem>>, vector<16xf32>,
        %mul3A_900 = vector.broadcast %squeeze3A_872 : f32 to vector<16xf32>
        %mul3A_901 = arith.mulf %get3A_899, %mul3A_900 : vector<16xf32>
        %swap3A_902 = arith.index_cast %add3A_870 : i32 to index
        %swap3A_903 = arith.constant 48 : index
        %swap3A_904 = tpu.vector_load %arg12[%swap3A_902, %swap3A_903] {strides = array<i32>} : memref<128x128xf32, #tpu.memory_space<vmem>>, vector<16xf32>,
        tpu.vector_store %arg12[%swap3A_902, %swap3A_903], %mul3A_901 {strides = array<i32>} : memref<128x128xf32, #tpu.memory_space<vmem>>, vector<16xf32>,
        %get3A_905 = arith.index_cast %add3A_870 : i32 to index
        %get3A_906 = arith.constant 64 : index
        %get3A_907 = tpu.vector_load %arg12[%get3A_905, %get3A_906] {strides = array<i32>} : memref<128x128xf32, #tpu.memory_space<vmem>>, vector<16xf32>,
        %mul3A_908 = vector.broadcast %squeeze3A_872 : f32 to vector<16xf32>
        %mul3A_909 = arith.mulf %get3A_907, %mul3A_908 : vector<16xf32>
        %swap3A_910 = arith.index_cast %add3A_870 : i32 to index
        %swap3A_911 = arith.constant 64 : index
        %swap3A_912 = tpu.vector_load %arg12[%swap3A_910, %swap3A_911] {strides = array<i32>} : memref<128x128xf32, #tpu.memory_space<vmem>>, vector<16xf32>,
        tpu.vector_store %arg12[%swap3A_910, %swap3A_911], %mul3A_909 {strides = array<i32>} : memref<128x128xf32, #tpu.memory_space<vmem>>, vector<16xf32>,
        %get3A_913 = arith.index_cast %add3A_870 : i32 to index
        %get3A_914 = arith.constant 80 : index
        %get3A_915 = tpu.vector_load %arg12[%get3A_913, %get3A_914] {strides = array<i32>} : memref<128x128xf32, #tpu.memory_space<vmem>>, vector<16xf32>,
        %mul3A_916 = vector.broadcast %squeeze3A_872 : f32 to vector<16xf32>
        %mul3A_917 = arith.mulf %get3A_915, %mul3A_916 : vector<16xf32>
        %swap3A_918 = arith.index_cast %add3A_870 : i32 to index
        %swap3A_919 = arith.constant 80 : index
        %swap3A_920 = tpu.vector_load %arg12[%swap3A_918, %swap3A_919] {strides = array<i32>} : memref<128x128xf32, #tpu.memory_space<vmem>>, vector<16xf32>,
        tpu.vector_store %arg12[%swap3A_918, %swap3A_919], %mul3A_917 {strides = array<i32>} : memref<128x128xf32, #tpu.memory_space<vmem>>, vector<16xf32>,
        %get3A_921 = arith.index_cast %add3A_870 : i32 to index
        %get3A_922 = arith.constant 96 : index
        %get3A_923 = tpu.vector_load %arg12[%get3A_921, %get3A_922] {strides = array<i32>} : memref<128x128xf32, #tpu.memory_space<vmem>>, vector<16xf32>,
        %mul3A_924 = vector.broadcast %squeeze3A_872 : f32 to vector<16xf32>
        %mul3A_925 = arith.mulf %get3A_923, %mul3A_924 : vector<16xf32>
        %swap3A_926 = arith.index_cast %add3A_870 : i32 to index
        %swap3A_927 = arith.constant 96 : index
        %swap3A_928 = tpu.vector_load %arg12[%swap3A_926, %swap3A_927] {strides = array<i32>} : memref<128x128xf32, #tpu.memory_space<vmem>>, vector<16xf32>,
        tpu.vector_store %arg12[%swap3A_926, %swap3A_927], %mul3A_925 {strides = array<i32>} : memref<128x128xf32, #tpu.memory_space<vmem>>, vector<16xf32>,
        %get3A_929 = arith.index_cast %add3A_870 : i32 to index
        %get3A_930 = arith.constant 112 : index
        %get3A_931 = tpu.vector_load %arg12[%get3A_929, %get3A_930] {strides = array<i32>} : memref<128x128xf32, #tpu.memory_space<vmem>>, vector<16xf32>,
        %mul3A_932 = vector.broadcast %squeeze3A_872 : f32 to vector<16xf32>
        %mul3A_933 = arith.mulf %get3A_931, %mul3A_932 : vector<16xf32>
        %swap3A_934 = arith.index_cast %add3A_870 : i32 to index
        %swap3A_935 = arith.constant 112 : index
        %swap3A_936 = tpu.vector_load %arg12[%swap3A_934, %swap3A_935] {strides = array<i32>} : memref<128x128xf32, #tpu.memory_space<vmem>>, vector<16xf32>,
        tpu.vector_store %arg12[%swap3A_934, %swap3A_935], %mul3A_933 {strides = array<i32>} : memref<128x128xf32, #tpu.memory_space<vmem>>, vector<16xf32>,
        %mul3A_937 = arith.constant 16 : i32
        %mul3A_938 = arith.muli %scan3A_723, %mul3A_937 : i32
        %add3A_939 = arith.constant 3 : i32
        %add3A_940 = arith.addi %mul3A_938, %add3A_939 : i32
        %slice3A_941 = vector.extract_strided_slice %get3A_728 {offsets = [3], sizes = [1], strides = [1]} : vector<16xf32> to vector<1xf32>
        %squeeze3A_942 = vector.extract %slice3A_941[0] : f32 from vector<1xf32>
        %get3A_943 = arith.index_cast %add3A_940 : i32 to index
        %get3A_944 = arith.constant 0 : index
        %get3A_945 = tpu.vector_load %arg12[%get3A_943, %get3A_944] {strides = array<i32>} : memref<128x128xf32, #tpu.memory_space<vmem>>, vector<16xf32>,
        %mul3A_946 = vector.broadcast %squeeze3A_942 : f32 to vector<16xf32>
        %mul3A_947 = arith.mulf %get3A_945, %mul3A_946 : vector<16xf32>
        %swap3A_948 = arith.index_cast %add3A_940 : i32 to index
        %swap3A_949 = arith.constant 0 : index
        %swap3A_950 = tpu.vector_load %arg12[%swap3A_948, %swap3A_949] {strides = array<i32>} : memref<128x128xf32, #tpu.memory_space<vmem>>, vector<16xf32>,
        tpu.vector_store %arg12[%swap3A_948, %swap3A_949], %mul3A_947 {strides = array<i32>} : memref<128x128xf32, #tpu.memory_space<vmem>>, vector<16xf32>,
        %get3A_951 = arith.index_cast %add3A_940 : i32 to index
        %get3A_952 = arith.constant 16 : index
        %get3A_953 = tpu.vector_load %arg12[%get3A_951, %get3A_952] {strides = array<i32>} : memref<128x128xf32, #tpu.memory_space<vmem>>, vector<16xf32>,
        %mul3A_954 = vector.broadcast %squeeze3A_942 : f32 to vector<16xf32>
        %mul3A_955 = arith.mulf %get3A_953, %mul3A_954 : vector<16xf32>
        %swap3A_956 = arith.index_cast %add3A_940 : i32 to index
        %swap3A_957 = arith.constant 16 : index
        %swap3A_958 = tpu.vector_load %arg12[%swap3A_956, %swap3A_957] {strides = array<i32>} : memref<128x128xf32, #tpu.memory_space<vmem>>, vector<16xf32>,
        tpu.vector_store %arg12[%swap3A_956, %swap3A_957], %mul3A_955 {strides = array<i32>} : memref<128x128xf32, #tpu.memory_space<vmem>>, vector<16xf32>,
        %get3A_959 = arith.index_cast %add3A_940 : i32 to index
        %get3A_960 = arith.constant 32 : index
        %get3A_961 = tpu.vector_load %arg12[%get3A_959, %get3A_960] {strides = array<i32>} : memref<128x128xf32, #tpu.memory_space<vmem>>, vector<16xf32>,
        %mul3A_962 = vector.broadcast %squeeze3A_942 : f32 to vector<16xf32>
        %mul3A_963 = arith.mulf %get3A_961, %mul3A_962 : vector<16xf32>
        %swap3A_964 = arith.index_cast %add3A_940 : i32 to index
        %swap3A_965 = arith.constant 32 : index
        %swap3A_966 = tpu.vector_load %arg12[%swap3A_964, %swap3A_965] {strides = array<i32>} : memref<128x128xf32, #tpu.memory_space<vmem>>, vector<16xf32>,
        tpu.vector_store %arg12[%swap3A_964, %swap3A_965], %mul3A_963 {strides = array<i32>} : memref<128x128xf32, #tpu.memory_space<vmem>>, vector<16xf32>,
        %get3A_967 = arith.index_cast %add3A_940 : i32 to index
        %get3A_968 = arith.constant 48 : index
        %get3A_969 = tpu.vector_load %arg12[%get3A_967, %get3A_968] {strides = array<i32>} : memref<128x128xf32, #tpu.memory_space<vmem>>, vector<16xf32>,
        %mul3A_970 = vector.broadcast %squeeze3A_942 : f32 to vector<16xf32>
        %mul3A_971 = arith.mulf %get3A_969, %mul3A_970 : vector<16xf32>
        %swap3A_972 = arith.index_cast %add3A_940 : i32 to index
        %swap3A_973 = arith.constant 48 : index
        %swap3A_974 = tpu.vector_load %arg12[%swap3A_972, %swap3A_973] {strides = array<i32>} : memref<128x128xf32, #tpu.memory_space<vmem>>, vector<16xf32>,
        tpu.vector_store %arg12[%swap3A_972, %swap3A_973], %mul3A_971 {strides = array<i32>} : memref<128x128xf32, #tpu.memory_space<vmem>>, vector<16xf32>,
        %get3A_975 = arith.index_cast %add3A_940 : i32 to index
        %get3A_976 = arith.constant 64 : index
        %get3A_977 = tpu.vector_load %arg12[%get3A_975, %get3A_976] {strides = array<i32>} : memref<128x128xf32, #tpu.memory_space<vmem>>, vector<16xf32>,
        %mul3A_978 = vector.broadcast %squeeze3A_942 : f32 to vector<16xf32>
        %mul3A_979 = arith.mulf %get3A_977, %mul3A_978 : vector<16xf32>
        %swap3A_980 = arith.index_cast %add3A_940 : i32 to index
        %swap3A_981 = arith.constant 64 : index
        %swap3A_982 = tpu.vector_load %arg12[%swap3A_980, %swap3A_981] {strides = array<i32>} : memref<128x128xf32, #tpu.memory_space<vmem>>, vector<16xf32>,
        tpu.vector_store %arg12[%swap3A_980, %swap3A_981], %mul3A_979 {strides = array<i32>} : memref<128x128xf32, #tpu.memory_space<vmem>>, vector<16xf32>,
        %get3A_983 = arith.index_cast %add3A_940 : i32 to index
        %get3A_984 = arith.constant 80 : index
        %get3A_985 = tpu.vector_load %arg12[%get3A_983, %get3A_984] {strides = array<i32>} : memref<128x128xf32, #tpu.memory_space<vmem>>, vector<16xf32>,
        %mul3A_986 = vector.broadcast %squeeze3A_942 : f32 to vector<16xf32>
        %mul3A_987 = arith.mulf %get3A_985, %mul3A_986 : vector<16xf32>
        %swap3A_988 = arith.index_cast %add3A_940 : i32 to index
        %swap3A_989 = arith.constant 80 : index
        %swap3A_990 = tpu.vector_load %arg12[%swap3A_988, %swap3A_989] {strides = array<i32>} : memref<128x128xf32, #tpu.memory_space<vmem>>, vector<16xf32>,
        tpu.vector_store %arg12[%swap3A_988, %swap3A_989], %mul3A_987 {strides = array<i32>} : memref<128x128xf32, #tpu.memory_space<vmem>>, vector<16xf32>,
        %get3A_991 = arith.index_cast %add3A_940 : i32 to index
        %get3A_992 = arith.constant 96 : index
        %get3A_993 = tpu.vector_load %arg12[%get3A_991, %get3A_992] {strides = array<i32>} : memref<128x128xf32, #tpu.memory_space<vmem>>, vector<16xf32>,
        %mul3A_994 = vector.broadcast %squeeze3A_942 : f32 to vector<16xf32>
        %mul3A_995 = arith.mulf %get3A_993, %mul3A_994 : vector<16xf32>
        %swap3A_996 = arith.index_cast %add3A_940 : i32 to index
        %swap3A_997 = arith.constant 96 : index
        %swap3A_998 = tpu.vector_load %arg12[%swap3A_996, %swap3A_997] {strides = array<i32>} : memref<128x128xf32, #tpu.memory_space<vmem>>, vector<16xf32>,
        tpu.vector_store %arg12[%swap3A_996, %swap3A_997], %mul3A_995 {strides = array<i32>} : memref<128x128xf32, #tpu.memory_space<vmem>>, vector<16xf32>,
        %get3A_999 = arith.index_cast %add3A_940 : i32 to index
        %get3A_1000 = arith.constant 112 : index
        %get3A_1001 = tpu.vector_load %arg12[%get3A_999, %get3A_1000] {strides = array<i32>} : memref<128x128xf32, #tpu.memory_space<vmem>>, vector<16xf32>,
        %mul3A_1002 = vector.broadcast %squeeze3A_942 : f32 to vector<16xf32>
        %mul3A_1003 = arith.mulf %get3A_1001, %mul3A_1002 : vector<16xf32>
        %swap3A_1004 = arith.index_cast %add3A_940 : i32 to index
        %swap3A_1005 = arith.constant 112 : index
        %swap3A_1006 = tpu.vector_load %arg12[%swap3A_1004, %swap3A_1005] {strides = array<i32>} : memref<128x128xf32, #tpu.memory_space<vmem>>, vector<16xf32>,
        tpu.vector_store %arg12[%swap3A_1004, %swap3A_1005], %mul3A_1003 {strides = array<i32>} : memref<128x128xf32, #tpu.memory_space<vmem>>, vector<16xf32>,
        %mul3A_1007 = arith.constant 16 : i32
        %mul3A_1008 = arith.muli %scan3A_723, %mul3A_1007 : i32
        %add3A_1009 = arith.constant 4 : i32
        %add3A_1010 = arith.addi %mul3A_1008, %add3A_1009 : i32
        %slice3A_1011 = vector.extract_strided_slice %get3A_728 {offsets = [4], sizes = [1], strides = [1]} : vector<16xf32> to vector<1xf32>
        %squeeze3A_1012 = vector.extract %slice3A_1011[0] : f32 from vector<1xf32>
        %get3A_1013 = arith.index_cast %add3A_1010 : i32 to index
        %get3A_1014 = arith.constant 0 : index
        %get3A_1015 = tpu.vector_load %arg12[%get3A_1013, %get3A_1014] {strides = array<i32>} : memref<128x128xf32, #tpu.memory_space<vmem>>, vector<16xf32>,
        %mul3A_1016 = vector.broadcast %squeeze3A_1012 : f32 to vector<16xf32>
        %mul3A_1017 = arith.mulf %get3A_1015, %mul3A_1016 : vector<16xf32>
        %swap3A_1018 = arith.index_cast %add3A_1010 : i32 to index
        %swap3A_1019 = arith.constant 0 : index
        %swap3A_1020 = tpu.vector_load %arg12[%swap3A_1018, %swap3A_1019] {strides = array<i32>} : memref<128x128xf32, #tpu.memory_space<vmem>>, vector<16xf32>,
        tpu.vector_store %arg12[%swap3A_1018, %swap3A_1019], %mul3A_1017 {strides = array<i32>} : memref<128x128xf32, #tpu.memory_space<vmem>>, vector<16xf32>,
        %get3A_1021 = arith.index_cast %add3A_1010 : i32 to index
        %get3A_1022 = arith.constant 16 : index
        %get3A_1023 = tpu.vector_load %arg12[%get3A_1021, %get3A_1022] {strides = array<i32>} : memref<128x128xf32, #tpu.memory_space<vmem>>, vector<16xf32>,
        %mul3A_1024 = vector.broadcast %squeeze3A_1012 : f32 to vector<16xf32>
        %mul3A_1025 = arith.mulf %get3A_1023, %mul3A_1024 : vector<16xf32>
        %swap3A_1026 = arith.index_cast %add3A_1010 : i32 to index
        %swap3A_1027 = arith.constant 16 : index
        %swap3A_1028 = tpu.vector_load %arg12[%swap3A_1026, %swap3A_1027] {strides = array<i32>} : memref<128x128xf32, #tpu.memory_space<vmem>>, vector<16xf32>,
        tpu.vector_store %arg12[%swap3A_1026, %swap3A_1027], %mul3A_1025 {strides = array<i32>} : memref<128x128xf32, #tpu.memory_space<vmem>>, vector<16xf32>,
        %get3A_1029 = arith.index_cast %add3A_1010 : i32 to index
        %get3A_1030 = arith.constant 32 : index
        %get3A_1031 = tpu.vector_load %arg12[%get3A_1029, %get3A_1030] {strides = array<i32>} : memref<128x128xf32, #tpu.memory_space<vmem>>, vector<16xf32>,
        %mul3A_1032 = vector.broadcast %squeeze3A_1012 : f32 to vector<16xf32>
        %mul3A_1033 = arith.mulf %get3A_1031, %mul3A_1032 : vector<16xf32>
        %swap3A_1034 = arith.index_cast %add3A_1010 : i32 to index
        %swap3A_1035 = arith.constant 32 : index
        %swap3A_1036 = tpu.vector_load %arg12[%swap3A_1034, %swap3A_1035] {strides = array<i32>} : memref<128x128xf32, #tpu.memory_space<vmem>>, vector<16xf32>,
        tpu.vector_store %arg12[%swap3A_1034, %swap3A_1035], %mul3A_1033 {strides = array<i32>} : memref<128x128xf32, #tpu.memory_space<vmem>>, vector<16xf32>,
        %get3A_1037 = arith.index_cast %add3A_1010 : i32 to index
        %get3A_1038 = arith.constant 48 : index
        %get3A_1039 = tpu.vector_load %arg12[%get3A_1037, %get3A_1038] {strides = array<i32>} : memref<128x128xf32, #tpu.memory_space<vmem>>, vector<16xf32>,
        %mul3A_1040 = vector.broadcast %squeeze3A_1012 : f32 to vector<16xf32>
        %mul3A_1041 = arith.mulf %get3A_1039, %mul3A_1040 : vector<16xf32>
        %swap3A_1042 = arith.index_cast %add3A_1010 : i32 to index
        %swap3A_1043 = arith.constant 48 : index
        %swap3A_1044 = tpu.vector_load %arg12[%swap3A_1042, %swap3A_1043] {strides = array<i32>} : memref<128x128xf32, #tpu.memory_space<vmem>>, vector<16xf32>,
        tpu.vector_store %arg12[%swap3A_1042, %swap3A_1043], %mul3A_1041 {strides = array<i32>} : memref<128x128xf32, #tpu.memory_space<vmem>>, vector<16xf32>,
        %get3A_1045 = arith.index_cast %add3A_1010 : i32 to index
        %get3A_1046 = arith.constant 64 : index
        %get3A_1047 = tpu.vector_load %arg12[%get3A_1045, %get3A_1046] {strides = array<i32>} : memref<128x128xf32, #tpu.memory_space<vmem>>, vector<16xf32>,
        %mul3A_1048 = vector.broadcast %squeeze3A_1012 : f32 to vector<16xf32>
        %mul3A_1049 = arith.mulf %get3A_1047, %mul3A_1048 : vector<16xf32>
        %swap3A_1050 = arith.index_cast %add3A_1010 : i32 to index
        %swap3A_1051 = arith.constant 64 : index
        %swap3A_1052 = tpu.vector_load %arg12[%swap3A_1050, %swap3A_1051] {strides = array<i32>} : memref<128x128xf32, #tpu.memory_space<vmem>>, vector<16xf32>,
        tpu.vector_store %arg12[%swap3A_1050, %swap3A_1051], %mul3A_1049 {strides = array<i32>} : memref<128x128xf32, #tpu.memory_space<vmem>>, vector<16xf32>,
        %get3A_1053 = arith.index_cast %add3A_1010 : i32 to index
        %get3A_1054 = arith.constant 80 : index
        %get3A_1055 = tpu.vector_load %arg12[%get3A_1053, %get3A_1054] {strides = array<i32>} : memref<128x128xf32, #tpu.memory_space<vmem>>, vector<16xf32>,
        %mul3A_1056 = vector.broadcast %squeeze3A_1012 : f32 to vector<16xf32>
        %mul3A_1057 = arith.mulf %get3A_1055, %mul3A_1056 : vector<16xf32>
        %swap3A_1058 = arith.index_cast %add3A_1010 : i32 to index
        %swap3A_1059 = arith.constant 80 : index
        %swap3A_1060 = tpu.vector_load %arg12[%swap3A_1058, %swap3A_1059] {strides = array<i32>} : memref<128x128xf32, #tpu.memory_space<vmem>>, vector<16xf32>,
        tpu.vector_store %arg12[%swap3A_1058, %swap3A_1059], %mul3A_1057 {strides = array<i32>} : memref<128x128xf32, #tpu.memory_space<vmem>>, vector<16xf32>,
        %get3A_1061 = arith.index_cast %add3A_1010 : i32 to index
        %get3A_1062 = arith.constant 96 : index
        %get3A_1063 = tpu.vector_load %arg12[%get3A_1061, %get3A_1062] {strides = array<i32>} : memref<128x128xf32, #tpu.memory_space<vmem>>, vector<16xf32>,
        %mul3A_1064 = vector.broadcast %squeeze3A_1012 : f32 to vector<16xf32>
        %mul3A_1065 = arith.mulf %get3A_1063, %mul3A_1064 : vector<16xf32>
        %swap3A_1066 = arith.index_cast %add3A_1010 : i32 to index
        %swap3A_1067 = arith.constant 96 : index
        %swap3A_1068 = tpu.vector_load %arg12[%swap3A_1066, %swap3A_1067] {strides = array<i32>} : memref<128x128xf32, #tpu.memory_space<vmem>>, vector<16xf32>,
        tpu.vector_store %arg12[%swap3A_1066, %swap3A_1067], %mul3A_1065 {strides = array<i32>} : memref<128x128xf32, #tpu.memory_space<vmem>>, vector<16xf32>,
        %get3A_1069 = arith.index_cast %add3A_1010 : i32 to index
        %get3A_1070 = arith.constant 112 : index
        %get3A_1071 = tpu.vector_load %arg12[%get3A_1069, %get3A_1070] {strides = array<i32>} : memref<128x128xf32, #tpu.memory_space<vmem>>, vector<16xf32>,
        %mul3A_1072 = vector.broadcast %squeeze3A_1012 : f32 to vector<16xf32>
        %mul3A_1073 = arith.mulf %get3A_1071, %mul3A_1072 : vector<16xf32>
        %swap3A_1074 = arith.index_cast %add3A_1010 : i32 to index
        %swap3A_1075 = arith.constant 112 : index
        %swap3A_1076 = tpu.vector_load %arg12[%swap3A_1074, %swap3A_1075] {strides = array<i32>} : memref<128x128xf32, #tpu.memory_space<vmem>>, vector<16xf32>,
        tpu.vector_store %arg12[%swap3A_1074, %swap3A_1075], %mul3A_1073 {strides = array<i32>} : memref<128x128xf32, #tpu.memory_space<vmem>>, vector<16xf32>,
        %mul3A_1077 = arith.constant 16 : i32
        %mul3A_1078 = arith.muli %scan3A_723, %mul3A_1077 : i32
        %add3A_1079 = arith.constant 5 : i32
        %add3A_1080 = arith.addi %mul3A_1078, %add3A_1079 : i32
        %slice3A_1081 = vector.extract_strided_slice %get3A_728 {offsets = [5], sizes = [1], strides = [1]} : vector<16xf32> to vector<1xf32>
        %squeeze3A_1082 = vector.extract %slice3A_1081[0] : f32 from vector<1xf32>
        %get3A_1083 = arith.index_cast %add3A_1080 : i32 to index
        %get3A_1084 = arith.constant 0 : index
        %get3A_1085 = tpu.vector_load %arg12[%get3A_1083, %get3A_1084] {strides = array<i32>} : memref<128x128xf32, #tpu.memory_space<vmem>>, vector<16xf32>,
        %mul3A_1086 = vector.broadcast %squeeze3A_1082 : f32 to vector<16xf32>
        %mul3A_1087 = arith.mulf %get3A_1085, %mul3A_1086 : vector<16xf32>
        %swap3A_1088 = arith.index_cast %add3A_1080 : i32 to index
        %swap3A_1089 = arith.constant 0 : index
        %swap3A_1090 = tpu.vector_load %arg12[%swap3A_1088, %swap3A_1089] {strides = array<i32>} : memref<128x128xf32, #tpu.memory_space<vmem>>, vector<16xf32>,
        tpu.vector_store %arg12[%swap3A_1088, %swap3A_1089], %mul3A_1087 {strides = array<i32>} : memref<128x128xf32, #tpu.memory_space<vmem>>, vector<16xf32>,
        %get3A_1091 = arith.index_cast %add3A_1080 : i32 to index
        %get3A_1092 = arith.constant 16 : index
        %get3A_1093 = tpu.vector_load %arg12[%get3A_1091, %get3A_1092] {strides = array<i32>} : memref<128x128xf32, #tpu.memory_space<vmem>>, vector<16xf32>,
        %mul3A_1094 = vector.broadcast %squeeze3A_1082 : f32 to vector<16xf32>
        %mul3A_1095 = arith.mulf %get3A_1093, %mul3A_1094 : vector<16xf32>
        %swap3A_1096 = arith.index_cast %add3A_1080 : i32 to index
        %swap3A_1097 = arith.constant 16 : index
        %swap3A_1098 = tpu.vector_load %arg12[%swap3A_1096, %swap3A_1097] {strides = array<i32>} : memref<128x128xf32, #tpu.memory_space<vmem>>, vector<16xf32>,
        tpu.vector_store %arg12[%swap3A_1096, %swap3A_1097], %mul3A_1095 {strides = array<i32>} : memref<128x128xf32, #tpu.memory_space<vmem>>, vector<16xf32>,
        %get3A_1099 = arith.index_cast %add3A_1080 : i32 to index
        %get3A_1100 = arith.constant 32 : index
        %get3A_1101 = tpu.vector_load %arg12[%get3A_1099, %get3A_1100] {strides = array<i32>} : memref<128x128xf32, #tpu.memory_space<vmem>>, vector<16xf32>,
        %mul3A_1102 = vector.broadcast %squeeze3A_1082 : f32 to vector<16xf32>
        %mul3A_1103 = arith.mulf %get3A_1101, %mul3A_1102 : vector<16xf32>
        %swap3A_1104 = arith.index_cast %add3A_1080 : i32 to index
        %swap3A_1105 = arith.constant 32 : index
        %swap3A_1106 = tpu.vector_load %arg12[%swap3A_1104, %swap3A_1105] {strides = array<i32>} : memref<128x128xf32, #tpu.memory_space<vmem>>, vector<16xf32>,
        tpu.vector_store %arg12[%swap3A_1104, %swap3A_1105], %mul3A_1103 {strides = array<i32>} : memref<128x128xf32, #tpu.memory_space<vmem>>, vector<16xf32>,
        %get3A_1107 = arith.index_cast %add3A_1080 : i32 to index
        %get3A_1108 = arith.constant 48 : index
        %get3A_1109 = tpu.vector_load %arg12[%get3A_1107, %get3A_1108] {strides = array<i32>} : memref<128x128xf32, #tpu.memory_space<vmem>>, vector<16xf32>,
        %mul3A_1110 = vector.broadcast %squeeze3A_1082 : f32 to vector<16xf32>
        %mul3A_1111 = arith.mulf %get3A_1109, %mul3A_1110 : vector<16xf32>
        %swap3A_1112 = arith.index_cast %add3A_1080 : i32 to index
        %swap3A_1113 = arith.constant 48 : index
        %swap3A_1114 = tpu.vector_load %arg12[%swap3A_1112, %swap3A_1113] {strides = array<i32>} : memref<128x128xf32, #tpu.memory_space<vmem>>, vector<16xf32>,
        tpu.vector_store %arg12[%swap3A_1112, %swap3A_1113], %mul3A_1111 {strides = array<i32>} : memref<128x128xf32, #tpu.memory_space<vmem>>, vector<16xf32>,
        %get3A_1115 = arith.index_cast %add3A_1080 : i32 to index
        %get3A_1116 = arith.constant 64 : index
        %get3A_1117 = tpu.vector_load %arg12[%get3A_1115, %get3A_1116] {strides = array<i32>} : memref<128x128xf32, #tpu.memory_space<vmem>>, vector<16xf32>,
        %mul3A_1118 = vector.broadcast %squeeze3A_1082 : f32 to vector<16xf32>
        %mul3A_1119 = arith.mulf %get3A_1117, %mul3A_1118 : vector<16xf32>
        %swap3A_1120 = arith.index_cast %add3A_1080 : i32 to index
        %swap3A_1121 = arith.constant 64 : index
        %swap3A_1122 = tpu.vector_load %arg12[%swap3A_1120, %swap3A_1121] {strides = array<i32>} : memref<128x128xf32, #tpu.memory_space<vmem>>, vector<16xf32>,
        tpu.vector_store %arg12[%swap3A_1120, %swap3A_1121], %mul3A_1119 {strides = array<i32>} : memref<128x128xf32, #tpu.memory_space<vmem>>, vector<16xf32>,
        %get3A_1123 = arith.index_cast %add3A_1080 : i32 to index
        %get3A_1124 = arith.constant 80 : index
        %get3A_1125 = tpu.vector_load %arg12[%get3A_1123, %get3A_1124] {strides = array<i32>} : memref<128x128xf32, #tpu.memory_space<vmem>>, vector<16xf32>,
        %mul3A_1126 = vector.broadcast %squeeze3A_1082 : f32 to vector<16xf32>
        %mul3A_1127 = arith.mulf %get3A_1125, %mul3A_1126 : vector<16xf32>
        %swap3A_1128 = arith.index_cast %add3A_1080 : i32 to index
        %swap3A_1129 = arith.constant 80 : index
        %swap3A_1130 = tpu.vector_load %arg12[%swap3A_1128, %swap3A_1129] {strides = array<i32>} : memref<128x128xf32, #tpu.memory_space<vmem>>, vector<16xf32>,
        tpu.vector_store %arg12[%swap3A_1128, %swap3A_1129], %mul3A_1127 {strides = array<i32>} : memref<128x128xf32, #tpu.memory_space<vmem>>, vector<16xf32>,
        %get3A_1131 = arith.index_cast %add3A_1080 : i32 to index
        %get3A_1132 = arith.constant 96 : index
        %get3A_1133 = tpu.vector_load %arg12[%get3A_1131, %get3A_1132] {strides = array<i32>} : memref<128x128xf32, #tpu.memory_space<vmem>>, vector<16xf32>,
        %mul3A_1134 = vector.broadcast %squeeze3A_1082 : f32 to vector<16xf32>
        %mul3A_1135 = arith.mulf %get3A_1133, %mul3A_1134 : vector<16xf32>
        %swap3A_1136 = arith.index_cast %add3A_1080 : i32 to index
        %swap3A_1137 = arith.constant 96 : index
        %swap3A_1138 = tpu.vector_load %arg12[%swap3A_1136, %swap3A_1137] {strides = array<i32>} : memref<128x128xf32, #tpu.memory_space<vmem>>, vector<16xf32>,
        tpu.vector_store %arg12[%swap3A_1136, %swap3A_1137], %mul3A_1135 {strides = array<i32>} : memref<128x128xf32, #tpu.memory_space<vmem>>, vector<16xf32>,
        %get3A_1139 = arith.index_cast %add3A_1080 : i32 to index
        %get3A_1140 = arith.constant 112 : index
        %get3A_1141 = tpu.vector_load %arg12[%get3A_1139, %get3A_1140] {strides = array<i32>} : memref<128x128xf32, #tpu.memory_space<vmem>>, vector<16xf32>,
        %mul3A_1142 = vector.broadcast %squeeze3A_1082 : f32 to vector<16xf32>
        %mul3A_1143 = arith.mulf %get3A_1141, %mul3A_1142 : vector<16xf32>
        %swap3A_1144 = arith.index_cast %add3A_1080 : i32 to index
        %swap3A_1145 = arith.constant 112 : index
        %swap3A_1146 = tpu.vector_load %arg12[%swap3A_1144, %swap3A_1145] {strides = array<i32>} : memref<128x128xf32, #tpu.memory_space<vmem>>, vector<16xf32>,
        tpu.vector_store %arg12[%swap3A_1144, %swap3A_1145], %mul3A_1143 {strides = array<i32>} : memref<128x128xf32, #tpu.memory_space<vmem>>, vector<16xf32>,
        %mul3A_1147 = arith.constant 16 : i32
        %mul3A_1148 = arith.muli %scan3A_723, %mul3A_1147 : i32
        %add3A_1149 = arith.constant 6 : i32
        %add3A_1150 = arith.addi %mul3A_1148, %add3A_1149 : i32
        %slice3A_1151 = vector.extract_strided_slice %get3A_728 {offsets = [6], sizes = [1], strides = [1]} : vector<16xf32> to vector<1xf32>
        %squeeze3A_1152 = vector.extract %slice3A_1151[0] : f32 from vector<1xf32>
        %get3A_1153 = arith.index_cast %add3A_1150 : i32 to index
        %get3A_1154 = arith.constant 0 : index
        %get3A_1155 = tpu.vector_load %arg12[%get3A_1153, %get3A_1154] {strides = array<i32>} : memref<128x128xf32, #tpu.memory_space<vmem>>, vector<16xf32>,
        %mul3A_1156 = vector.broadcast %squeeze3A_1152 : f32 to vector<16xf32>
        %mul3A_1157 = arith.mulf %get3A_1155, %mul3A_1156 : vector<16xf32>
        %swap3A_1158 = arith.index_cast %add3A_1150 : i32 to index
        %swap3A_1159 = arith.constant 0 : index
        %swap3A_1160 = tpu.vector_load %arg12[%swap3A_1158, %swap3A_1159] {strides = array<i32>} : memref<128x128xf32, #tpu.memory_space<vmem>>, vector<16xf32>,
        tpu.vector_store %arg12[%swap3A_1158, %swap3A_1159], %mul3A_1157 {strides = array<i32>} : memref<128x128xf32, #tpu.memory_space<vmem>>, vector<16xf32>,
        %get3A_1161 = arith.index_cast %add3A_1150 : i32 to index
        %get3A_1162 = arith.constant 16 : index
        %get3A_1163 = tpu.vector_load %arg12[%get3A_1161, %get3A_1162] {strides = array<i32>} : memref<128x128xf32, #tpu.memory_space<vmem>>, vector<16xf32>,
        %mul3A_1164 = vector.broadcast %squeeze3A_1152 : f32 to vector<16xf32>
        %mul3A_1165 = arith.mulf %get3A_1163, %mul3A_1164 : vector<16xf32>
        %swap3A_1166 = arith.index_cast %add3A_1150 : i32 to index
        %swap3A_1167 = arith.constant 16 : index
        %swap3A_1168 = tpu.vector_load %arg12[%swap3A_1166, %swap3A_1167] {strides = array<i32>} : memref<128x128xf32, #tpu.memory_space<vmem>>, vector<16xf32>,
        tpu.vector_store %arg12[%swap3A_1166, %swap3A_1167], %mul3A_1165 {strides = array<i32>} : memref<128x128xf32, #tpu.memory_space<vmem>>, vector<16xf32>,
        %get3A_1169 = arith.index_cast %add3A_1150 : i32 to index
        %get3A_1170 = arith.constant 32 : index
        %get3A_1171 = tpu.vector_load %arg12[%get3A_1169, %get3A_1170] {strides = array<i32>} : memref<128x128xf32, #tpu.memory_space<vmem>>, vector<16xf32>,
        %mul3A_1172 = vector.broadcast %squeeze3A_1152 : f32 to vector<16xf32>
        %mul3A_1173 = arith.mulf %get3A_1171, %mul3A_1172 : vector<16xf32>
        %swap3A_1174 = arith.index_cast %add3A_1150 : i32 to index
        %swap3A_1175 = arith.constant 32 : index
        %swap3A_1176 = tpu.vector_load %arg12[%swap3A_1174, %swap3A_1175] {strides = array<i32>} : memref<128x128xf32, #tpu.memory_space<vmem>>, vector<16xf32>,
        tpu.vector_store %arg12[%swap3A_1174, %swap3A_1175], %mul3A_1173 {strides = array<i32>} : memref<128x128xf32, #tpu.memory_space<vmem>>, vector<16xf32>,
        %get3A_1177 = arith.index_cast %add3A_1150 : i32 to index
        %get3A_1178 = arith.constant 48 : index
        %get3A_1179 = tpu.vector_load %arg12[%get3A_1177, %get3A_1178] {strides = array<i32>} : memref<128x128xf32, #tpu.memory_space<vmem>>, vector<16xf32>,
        %mul3A_1180 = vector.broadcast %squeeze3A_1152 : f32 to vector<16xf32>
        %mul3A_1181 = arith.mulf %get3A_1179, %mul3A_1180 : vector<16xf32>
        %swap3A_1182 = arith.index_cast %add3A_1150 : i32 to index
        %swap3A_1183 = arith.constant 48 : index
        %swap3A_1184 = tpu.vector_load %arg12[%swap3A_1182, %swap3A_1183] {strides = array<i32>} : memref<128x128xf32, #tpu.memory_space<vmem>>, vector<16xf32>,
        tpu.vector_store %arg12[%swap3A_1182, %swap3A_1183], %mul3A_1181 {strides = array<i32>} : memref<128x128xf32, #tpu.memory_space<vmem>>, vector<16xf32>,
        %get3A_1185 = arith.index_cast %add3A_1150 : i32 to index
        %get3A_1186 = arith.constant 64 : index
        %get3A_1187 = tpu.vector_load %arg12[%get3A_1185, %get3A_1186] {strides = array<i32>} : memref<128x128xf32, #tpu.memory_space<vmem>>, vector<16xf32>,
        %mul3A_1188 = vector.broadcast %squeeze3A_1152 : f32 to vector<16xf32>
        %mul3A_1189 = arith.mulf %get3A_1187, %mul3A_1188 : vector<16xf32>
        %swap3A_1190 = arith.index_cast %add3A_1150 : i32 to index
        %swap3A_1191 = arith.constant 64 : index
        %swap3A_1192 = tpu.vector_load %arg12[%swap3A_1190, %swap3A_1191] {strides = array<i32>} : memref<128x128xf32, #tpu.memory_space<vmem>>, vector<16xf32>,
        tpu.vector_store %arg12[%swap3A_1190, %swap3A_1191], %mul3A_1189 {strides = array<i32>} : memref<128x128xf32, #tpu.memory_space<vmem>>, vector<16xf32>,
        %get3A_1193 = arith.index_cast %add3A_1150 : i32 to index
        %get3A_1194 = arith.constant 80 : index
        %get3A_1195 = tpu.vector_load %arg12[%get3A_1193, %get3A_1194] {strides = array<i32>} : memref<128x128xf32, #tpu.memory_space<vmem>>, vector<16xf32>,
        %mul3A_1196 = vector.broadcast %squeeze3A_1152 : f32 to vector<16xf32>
        %mul3A_1197 = arith.mulf %get3A_1195, %mul3A_1196 : vector<16xf32>
        %swap3A_1198 = arith.index_cast %add3A_1150 : i32 to index
        %swap3A_1199 = arith.constant 80 : index
        %swap3A_1200 = tpu.vector_load %arg12[%swap3A_1198, %swap3A_1199] {strides = array<i32>} : memref<128x128xf32, #tpu.memory_space<vmem>>, vector<16xf32>,
        tpu.vector_store %arg12[%swap3A_1198, %swap3A_1199], %mul3A_1197 {strides = array<i32>} : memref<128x128xf32, #tpu.memory_space<vmem>>, vector<16xf32>,
        %get3A_1201 = arith.index_cast %add3A_1150 : i32 to index
        %get3A_1202 = arith.constant 96 : index
        %get3A_1203 = tpu.vector_load %arg12[%get3A_1201, %get3A_1202] {strides = array<i32>} : memref<128x128xf32, #tpu.memory_space<vmem>>, vector<16xf32>,
        %mul3A_1204 = vector.broadcast %squeeze3A_1152 : f32 to vector<16xf32>
        %mul3A_1205 = arith.mulf %get3A_1203, %mul3A_1204 : vector<16xf32>
        %swap3A_1206 = arith.index_cast %add3A_1150 : i32 to index
        %swap3A_1207 = arith.constant 96 : index
        %swap3A_1208 = tpu.vector_load %arg12[%swap3A_1206, %swap3A_1207] {strides = array<i32>} : memref<128x128xf32, #tpu.memory_space<vmem>>, vector<16xf32>,
        tpu.vector_store %arg12[%swap3A_1206, %swap3A_1207], %mul3A_1205 {strides = array<i32>} : memref<128x128xf32, #tpu.memory_space<vmem>>, vector<16xf32>,
        %get3A_1209 = arith.index_cast %add3A_1150 : i32 to index
        %get3A_1210 = arith.constant 112 : index
        %get3A_1211 = tpu.vector_load %arg12[%get3A_1209, %get3A_1210] {strides = array<i32>} : memref<128x128xf32, #tpu.memory_space<vmem>>, vector<16xf32>,
        %mul3A_1212 = vector.broadcast %squeeze3A_1152 : f32 to vector<16xf32>
        %mul3A_1213 = arith.mulf %get3A_1211, %mul3A_1212 : vector<16xf32>
        %swap3A_1214 = arith.index_cast %add3A_1150 : i32 to index
        %swap3A_1215 = arith.constant 112 : index
        %swap3A_1216 = tpu.vector_load %arg12[%swap3A_1214, %swap3A_1215] {strides = array<i32>} : memref<128x128xf32, #tpu.memory_space<vmem>>, vector<16xf32>,
        tpu.vector_store %arg12[%swap3A_1214, %swap3A_1215], %mul3A_1213 {strides = array<i32>} : memref<128x128xf32, #tpu.memory_space<vmem>>, vector<16xf32>,
        %mul3A_1217 = arith.constant 16 : i32
        %mul3A_1218 = arith.muli %scan3A_723, %mul3A_1217 : i32
        %add3A_1219 = arith.constant 7 : i32
        %add3A_1220 = arith.addi %mul3A_1218, %add3A_1219 : i32
        %slice3A_1221 = vector.extract_strided_slice %get3A_728 {offsets = [7], sizes = [1], strides = [1]} : vector<16xf32> to vector<1xf32>
        %squeeze3A_1222 = vector.extract %slice3A_1221[0] : f32 from vector<1xf32>
        %get3A_1223 = arith.index_cast %add3A_1220 : i32 to index
        %get3A_1224 = arith.constant 0 : index
        %get3A_1225 = tpu.vector_load %arg12[%get3A_1223, %get3A_1224] {strides = array<i32>} : memref<128x128xf32, #tpu.memory_space<vmem>>, vector<16xf32>,
        %mul3A_1226 = vector.broadcast %squeeze3A_1222 : f32 to vector<16xf32>
        %mul3A_1227 = arith.mulf %get3A_1225, %mul3A_1226 : vector<16xf32>
        %swap3A_1228 = arith.index_cast %add3A_1220 : i32 to index
        %swap3A_1229 = arith.constant 0 : index
        %swap3A_1230 = tpu.vector_load %arg12[%swap3A_1228, %swap3A_1229] {strides = array<i32>} : memref<128x128xf32, #tpu.memory_space<vmem>>, vector<16xf32>,
        tpu.vector_store %arg12[%swap3A_1228, %swap3A_1229], %mul3A_1227 {strides = array<i32>} : memref<128x128xf32, #tpu.memory_space<vmem>>, vector<16xf32>,
        %get3A_1231 = arith.index_cast %add3A_1220 : i32 to index
        %get3A_1232 = arith.constant 16 : index
        %get3A_1233 = tpu.vector_load %arg12[%get3A_1231, %get3A_1232] {strides = array<i32>} : memref<128x128xf32, #tpu.memory_space<vmem>>, vector<16xf32>,
        %mul3A_1234 = vector.broadcast %squeeze3A_1222 : f32 to vector<16xf32>
        %mul3A_1235 = arith.mulf %get3A_1233, %mul3A_1234 : vector<16xf32>
        %swap3A_1236 = arith.index_cast %add3A_1220 : i32 to index
        %swap3A_1237 = arith.constant 16 : index
        %swap3A_1238 = tpu.vector_load %arg12[%swap3A_1236, %swap3A_1237] {strides = array<i32>} : memref<128x128xf32, #tpu.memory_space<vmem>>, vector<16xf32>,
        tpu.vector_store %arg12[%swap3A_1236, %swap3A_1237], %mul3A_1235 {strides = array<i32>} : memref<128x128xf32, #tpu.memory_space<vmem>>, vector<16xf32>,
        %get3A_1239 = arith.index_cast %add3A_1220 : i32 to index
        %get3A_1240 = arith.constant 32 : index
        %get3A_1241 = tpu.vector_load %arg12[%get3A_1239, %get3A_1240] {strides = array<i32>} : memref<128x128xf32, #tpu.memory_space<vmem>>, vector<16xf32>,
        %mul3A_1242 = vector.broadcast %squeeze3A_1222 : f32 to vector<16xf32>
        %mul3A_1243 = arith.mulf %get3A_1241, %mul3A_1242 : vector<16xf32>
        %swap3A_1244 = arith.index_cast %add3A_1220 : i32 to index
        %swap3A_1245 = arith.constant 32 : index
        %swap3A_1246 = tpu.vector_load %arg12[%swap3A_1244, %swap3A_1245] {strides = array<i32>} : memref<128x128xf32, #tpu.memory_space<vmem>>, vector<16xf32>,
        tpu.vector_store %arg12[%swap3A_1244, %swap3A_1245], %mul3A_1243 {strides = array<i32>} : memref<128x128xf32, #tpu.memory_space<vmem>>, vector<16xf32>,
        %get3A_1247 = arith.index_cast %add3A_1220 : i32 to index
        %get3A_1248 = arith.constant 48 : index
        %get3A_1249 = tpu.vector_load %arg12[%get3A_1247, %get3A_1248] {strides = array<i32>} : memref<128x128xf32, #tpu.memory_space<vmem>>, vector<16xf32>,
        %mul3A_1250 = vector.broadcast %squeeze3A_1222 : f32 to vector<16xf32>
        %mul3A_1251 = arith.mulf %get3A_1249, %mul3A_1250 : vector<16xf32>
        %swap3A_1252 = arith.index_cast %add3A_1220 : i32 to index
        %swap3A_1253 = arith.constant 48 : index
        %swap3A_1254 = tpu.vector_load %arg12[%swap3A_1252, %swap3A_1253] {strides = array<i32>} : memref<128x128xf32, #tpu.memory_space<vmem>>, vector<16xf32>,
        tpu.vector_store %arg12[%swap3A_1252, %swap3A_1253], %mul3A_1251 {strides = array<i32>} : memref<128x128xf32, #tpu.memory_space<vmem>>, vector<16xf32>,
        %get3A_1255 = arith.index_cast %add3A_1220 : i32 to index
        %get3A_1256 = arith.constant 64 : index
        %get3A_1257 = tpu.vector_load %arg12[%get3A_1255, %get3A_1256] {strides = array<i32>} : memref<128x128xf32, #tpu.memory_space<vmem>>, vector<16xf32>,
        %mul3A_1258 = vector.broadcast %squeeze3A_1222 : f32 to vector<16xf32>
        %mul3A_1259 = arith.mulf %get3A_1257, %mul3A_1258 : vector<16xf32>
        %swap3A_1260 = arith.index_cast %add3A_1220 : i32 to index
        %swap3A_1261 = arith.constant 64 : index
        %swap3A_1262 = tpu.vector_load %arg12[%swap3A_1260, %swap3A_1261] {strides = array<i32>} : memref<128x128xf32, #tpu.memory_space<vmem>>, vector<16xf32>,
        tpu.vector_store %arg12[%swap3A_1260, %swap3A_1261], %mul3A_1259 {strides = array<i32>} : memref<128x128xf32, #tpu.memory_space<vmem>>, vector<16xf32>,
        %get3A_1263 = arith.index_cast %add3A_1220 : i32 to index
        %get3A_1264 = arith.constant 80 : index
        %get3A_1265 = tpu.vector_load %arg12[%get3A_1263, %get3A_1264] {strides = array<i32>} : memref<128x128xf32, #tpu.memory_space<vmem>>, vector<16xf32>,
        %mul3A_1266 = vector.broadcast %squeeze3A_1222 : f32 to vector<16xf32>
        %mul3A_1267 = arith.mulf %get3A_1265, %mul3A_1266 : vector<16xf32>
        %swap3A_1268 = arith.index_cast %add3A_1220 : i32 to index
        %swap3A_1269 = arith.constant 80 : index
        %swap3A_1270 = tpu.vector_load %arg12[%swap3A_1268, %swap3A_1269] {strides = array<i32>} : memref<128x128xf32, #tpu.memory_space<vmem>>, vector<16xf32>,
        tpu.vector_store %arg12[%swap3A_1268, %swap3A_1269], %mul3A_1267 {strides = array<i32>} : memref<128x128xf32, #tpu.memory_space<vmem>>, vector<16xf32>,
        %get3A_1271 = arith.index_cast %add3A_1220 : i32 to index
        %get3A_1272 = arith.constant 96 : index
        %get3A_1273 = tpu.vector_load %arg12[%get3A_1271, %get3A_1272] {strides = array<i32>} : memref<128x128xf32, #tpu.memory_space<vmem>>, vector<16xf32>,
        %mul3A_1274 = vector.broadcast %squeeze3A_1222 : f32 to vector<16xf32>
        %mul3A_1275 = arith.mulf %get3A_1273, %mul3A_1274 : vector<16xf32>
        %swap3A_1276 = arith.index_cast %add3A_1220 : i32 to index
        %swap3A_1277 = arith.constant 96 : index
        %swap3A_1278 = tpu.vector_load %arg12[%swap3A_1276, %swap3A_1277] {strides = array<i32>} : memref<128x128xf32, #tpu.memory_space<vmem>>, vector<16xf32>,
        tpu.vector_store %arg12[%swap3A_1276, %swap3A_1277], %mul3A_1275 {strides = array<i32>} : memref<128x128xf32, #tpu.memory_space<vmem>>, vector<16xf32>,
        %get3A_1279 = arith.index_cast %add3A_1220 : i32 to index
        %get3A_1280 = arith.constant 112 : index
        %get3A_1281 = tpu.vector_load %arg12[%get3A_1279, %get3A_1280] {strides = array<i32>} : memref<128x128xf32, #tpu.memory_space<vmem>>, vector<16xf32>,
        %mul3A_1282 = vector.broadcast %squeeze3A_1222 : f32 to vector<16xf32>
        %mul3A_1283 = arith.mulf %get3A_1281, %mul3A_1282 : vector<16xf32>
        %swap3A_1284 = arith.index_cast %add3A_1220 : i32 to index
        %swap3A_1285 = arith.constant 112 : index
        %swap3A_1286 = tpu.vector_load %arg12[%swap3A_1284, %swap3A_1285] {strides = array<i32>} : memref<128x128xf32, #tpu.memory_space<vmem>>, vector<16xf32>,
        tpu.vector_store %arg12[%swap3A_1284, %swap3A_1285], %mul3A_1283 {strides = array<i32>} : memref<128x128xf32, #tpu.memory_space<vmem>>, vector<16xf32>,
        %mul3A_1287 = arith.constant 16 : i32
        %mul3A_1288 = arith.muli %scan3A_723, %mul3A_1287 : i32
        %add3A_1289 = arith.constant 8 : i32
        %add3A_1290 = arith.addi %mul3A_1288, %add3A_1289 : i32
        %slice3A_1291 = vector.extract_strided_slice %get3A_728 {offsets = [8], sizes = [1], strides = [1]} : vector<16xf32> to vector<1xf32>
        %squeeze3A_1292 = vector.extract %slice3A_1291[0] : f32 from vector<1xf32>
        %get3A_1293 = arith.index_cast %add3A_1290 : i32 to index
        %get3A_1294 = arith.constant 0 : index
        %get3A_1295 = tpu.vector_load %arg12[%get3A_1293, %get3A_1294] {strides = array<i32>} : memref<128x128xf32, #tpu.memory_space<vmem>>, vector<16xf32>,
        %mul3A_1296 = vector.broadcast %squeeze3A_1292 : f32 to vector<16xf32>
        %mul3A_1297 = arith.mulf %get3A_1295, %mul3A_1296 : vector<16xf32>
        %swap3A_1298 = arith.index_cast %add3A_1290 : i32 to index
        %swap3A_1299 = arith.constant 0 : index
        %swap3A_1300 = tpu.vector_load %arg12[%swap3A_1298, %swap3A_1299] {strides = array<i32>} : memref<128x128xf32, #tpu.memory_space<vmem>>, vector<16xf32>,
        tpu.vector_store %arg12[%swap3A_1298, %swap3A_1299], %mul3A_1297 {strides = array<i32>} : memref<128x128xf32, #tpu.memory_space<vmem>>, vector<16xf32>,
        %get3A_1301 = arith.index_cast %add3A_1290 : i32 to index
        %get3A_1302 = arith.constant 16 : index
        %get3A_1303 = tpu.vector_load %arg12[%get3A_1301, %get3A_1302] {strides = array<i32>} : memref<128x128xf32, #tpu.memory_space<vmem>>, vector<16xf32>,
        %mul3A_1304 = vector.broadcast %squeeze3A_1292 : f32 to vector<16xf32>
        %mul3A_1305 = arith.mulf %get3A_1303, %mul3A_1304 : vector<16xf32>
        %swap3A_1306 = arith.index_cast %add3A_1290 : i32 to index
        %swap3A_1307 = arith.constant 16 : index
        %swap3A_1308 = tpu.vector_load %arg12[%swap3A_1306, %swap3A_1307] {strides = array<i32>} : memref<128x128xf32, #tpu.memory_space<vmem>>, vector<16xf32>,
        tpu.vector_store %arg12[%swap3A_1306, %swap3A_1307], %mul3A_1305 {strides = array<i32>} : memref<128x128xf32, #tpu.memory_space<vmem>>, vector<16xf32>,
        %get3A_1309 = arith.index_cast %add3A_1290 : i32 to index
        %get3A_1310 = arith.constant 32 : index
        %get3A_1311 = tpu.vector_load %arg12[%get3A_1309, %get3A_1310] {strides = array<i32>} : memref<128x128xf32, #tpu.memory_space<vmem>>, vector<16xf32>,
        %mul3A_1312 = vector.broadcast %squeeze3A_1292 : f32 to vector<16xf32>
        %mul3A_1313 = arith.mulf %get3A_1311, %mul3A_1312 : vector<16xf32>
        %swap3A_1314 = arith.index_cast %add3A_1290 : i32 to index
        %swap3A_1315 = arith.constant 32 : index
        %swap3A_1316 = tpu.vector_load %arg12[%swap3A_1314, %swap3A_1315] {strides = array<i32>} : memref<128x128xf32, #tpu.memory_space<vmem>>, vector<16xf32>,
        tpu.vector_store %arg12[%swap3A_1314, %swap3A_1315], %mul3A_1313 {strides = array<i32>} : memref<128x128xf32, #tpu.memory_space<vmem>>, vector<16xf32>,
        %get3A_1317 = arith.index_cast %add3A_1290 : i32 to index
        %get3A_1318 = arith.constant 48 : index
        %get3A_1319 = tpu.vector_load %arg12[%get3A_1317, %get3A_1318] {strides = array<i32>} : memref<128x128xf32, #tpu.memory_space<vmem>>, vector<16xf32>,
        %mul3A_1320 = vector.broadcast %squeeze3A_1292 : f32 to vector<16xf32>
        %mul3A_1321 = arith.mulf %get3A_1319, %mul3A_1320 : vector<16xf32>
        %swap3A_1322 = arith.index_cast %add3A_1290 : i32 to index
        %swap3A_1323 = arith.constant 48 : index
        %swap3A_1324 = tpu.vector_load %arg12[%swap3A_1322, %swap3A_1323] {strides = array<i32>} : memref<128x128xf32, #tpu.memory_space<vmem>>, vector<16xf32>,
        tpu.vector_store %arg12[%swap3A_1322, %swap3A_1323], %mul3A_1321 {strides = array<i32>} : memref<128x128xf32, #tpu.memory_space<vmem>>, vector<16xf32>,
        %get3A_1325 = arith.index_cast %add3A_1290 : i32 to index
        %get3A_1326 = arith.constant 64 : index
        %get3A_1327 = tpu.vector_load %arg12[%get3A_1325, %get3A_1326] {strides = array<i32>} : memref<128x128xf32, #tpu.memory_space<vmem>>, vector<16xf32>,
        %mul3A_1328 = vector.broadcast %squeeze3A_1292 : f32 to vector<16xf32>
        %mul3A_1329 = arith.mulf %get3A_1327, %mul3A_1328 : vector<16xf32>
        %swap3A_1330 = arith.index_cast %add3A_1290 : i32 to index
        %swap3A_1331 = arith.constant 64 : index
        %swap3A_1332 = tpu.vector_load %arg12[%swap3A_1330, %swap3A_1331] {strides = array<i32>} : memref<128x128xf32, #tpu.memory_space<vmem>>, vector<16xf32>,
        tpu.vector_store %arg12[%swap3A_1330, %swap3A_1331], %mul3A_1329 {strides = array<i32>} : memref<128x128xf32, #tpu.memory_space<vmem>>, vector<16xf32>,
        %get3A_1333 = arith.index_cast %add3A_1290 : i32 to index
        %get3A_1334 = arith.constant 80 : index
        %get3A_1335 = tpu.vector_load %arg12[%get3A_1333, %get3A_1334] {strides = array<i32>} : memref<128x128xf32, #tpu.memory_space<vmem>>, vector<16xf32>,
        %mul3A_1336 = vector.broadcast %squeeze3A_1292 : f32 to vector<16xf32>
        %mul3A_1337 = arith.mulf %get3A_1335, %mul3A_1336 : vector<16xf32>
        %swap3A_1338 = arith.index_cast %add3A_1290 : i32 to index
        %swap3A_1339 = arith.constant 80 : index
        %swap3A_1340 = tpu.vector_load %arg12[%swap3A_1338, %swap3A_1339] {strides = array<i32>} : memref<128x128xf32, #tpu.memory_space<vmem>>, vector<16xf32>,
        tpu.vector_store %arg12[%swap3A_1338, %swap3A_1339], %mul3A_1337 {strides = array<i32>} : memref<128x128xf32, #tpu.memory_space<vmem>>, vector<16xf32>,
        %get3A_1341 = arith.index_cast %add3A_1290 : i32 to index
        %get3A_1342 = arith.constant 96 : index
        %get3A_1343 = tpu.vector_load %arg12[%get3A_1341, %get3A_1342] {strides = array<i32>} : memref<128x128xf32, #tpu.memory_space<vmem>>, vector<16xf32>,
        %mul3A_1344 = vector.broadcast %squeeze3A_1292 : f32 to vector<16xf32>
        %mul3A_1345 = arith.mulf %get3A_1343, %mul3A_1344 : vector<16xf32>
        %swap3A_1346 = arith.index_cast %add3A_1290 : i32 to index
        %swap3A_1347 = arith.constant 96 : index
        %swap3A_1348 = tpu.vector_load %arg12[%swap3A_1346, %swap3A_1347] {strides = array<i32>} : memref<128x128xf32, #tpu.memory_space<vmem>>, vector<16xf32>,
        tpu.vector_store %arg12[%swap3A_1346, %swap3A_1347], %mul3A_1345 {strides = array<i32>} : memref<128x128xf32, #tpu.memory_space<vmem>>, vector<16xf32>,
        %get3A_1349 = arith.index_cast %add3A_1290 : i32 to index
        %get3A_1350 = arith.constant 112 : index
        %get3A_1351 = tpu.vector_load %arg12[%get3A_1349, %get3A_1350] {strides = array<i32>} : memref<128x128xf32, #tpu.memory_space<vmem>>, vector<16xf32>,
        %mul3A_1352 = vector.broadcast %squeeze3A_1292 : f32 to vector<16xf32>
        %mul3A_1353 = arith.mulf %get3A_1351, %mul3A_1352 : vector<16xf32>
        %swap3A_1354 = arith.index_cast %add3A_1290 : i32 to index
        %swap3A_1355 = arith.constant 112 : index
        %swap3A_1356 = tpu.vector_load %arg12[%swap3A_1354, %swap3A_1355] {strides = array<i32>} : memref<128x128xf32, #tpu.memory_space<vmem>>, vector<16xf32>,
        tpu.vector_store %arg12[%swap3A_1354, %swap3A_1355], %mul3A_1353 {strides = array<i32>} : memref<128x128xf32, #tpu.memory_space<vmem>>, vector<16xf32>,
        %mul3A_1357 = arith.constant 16 : i32
        %mul3A_1358 = arith.muli %scan3A_723, %mul3A_1357 : i32
        %add3A_1359 = arith.constant 9 : i32
        %add3A_1360 = arith.addi %mul3A_1358, %add3A_1359 : i32
        %slice3A_1361 = vector.extract_strided_slice %get3A_728 {offsets = [9], sizes = [1], strides = [1]} : vector<16xf32> to vector<1xf32>
        %squeeze3A_1362 = vector.extract %slice3A_1361[0] : f32 from vector<1xf32>
        %get3A_1363 = arith.index_cast %add3A_1360 : i32 to index
        %get3A_1364 = arith.constant 0 : index
        %get3A_1365 = tpu.vector_load %arg12[%get3A_1363, %get3A_1364] {strides = array<i32>} : memref<128x128xf32, #tpu.memory_space<vmem>>, vector<16xf32>,
        %mul3A_1366 = vector.broadcast %squeeze3A_1362 : f32 to vector<16xf32>
        %mul3A_1367 = arith.mulf %get3A_1365, %mul3A_1366 : vector<16xf32>
        %swap3A_1368 = arith.index_cast %add3A_1360 : i32 to index
        %swap3A_1369 = arith.constant 0 : index
        %swap3A_1370 = tpu.vector_load %arg12[%swap3A_1368, %swap3A_1369] {strides = array<i32>} : memref<128x128xf32, #tpu.memory_space<vmem>>, vector<16xf32>,
        tpu.vector_store %arg12[%swap3A_1368, %swap3A_1369], %mul3A_1367 {strides = array<i32>} : memref<128x128xf32, #tpu.memory_space<vmem>>, vector<16xf32>,
        %get3A_1371 = arith.index_cast %add3A_1360 : i32 to index
        %get3A_1372 = arith.constant 16 : index
        %get3A_1373 = tpu.vector_load %arg12[%get3A_1371, %get3A_1372] {strides = array<i32>} : memref<128x128xf32, #tpu.memory_space<vmem>>, vector<16xf32>,
        %mul3A_1374 = vector.broadcast %squeeze3A_1362 : f32 to vector<16xf32>
        %mul3A_1375 = arith.mulf %get3A_1373, %mul3A_1374 : vector<16xf32>
        %swap3A_1376 = arith.index_cast %add3A_1360 : i32 to index
        %swap3A_1377 = arith.constant 16 : index
        %swap3A_1378 = tpu.vector_load %arg12[%swap3A_1376, %swap3A_1377] {strides = array<i32>} : memref<128x128xf32, #tpu.memory_space<vmem>>, vector<16xf32>,
        tpu.vector_store %arg12[%swap3A_1376, %swap3A_1377], %mul3A_1375 {strides = array<i32>} : memref<128x128xf32, #tpu.memory_space<vmem>>, vector<16xf32>,
        %get3A_1379 = arith.index_cast %add3A_1360 : i32 to index
        %get3A_1380 = arith.constant 32 : index
        %get3A_1381 = tpu.vector_load %arg12[%get3A_1379, %get3A_1380] {strides = array<i32>} : memref<128x128xf32, #tpu.memory_space<vmem>>, vector<16xf32>,
        %mul3A_1382 = vector.broadcast %squeeze3A_1362 : f32 to vector<16xf32>
        %mul3A_1383 = arith.mulf %get3A_1381, %mul3A_1382 : vector<16xf32>
        %swap3A_1384 = arith.index_cast %add3A_1360 : i32 to index
        %swap3A_1385 = arith.constant 32 : index
        %swap3A_1386 = tpu.vector_load %arg12[%swap3A_1384, %swap3A_1385] {strides = array<i32>} : memref<128x128xf32, #tpu.memory_space<vmem>>, vector<16xf32>,
        tpu.vector_store %arg12[%swap3A_1384, %swap3A_1385], %mul3A_1383 {strides = array<i32>} : memref<128x128xf32, #tpu.memory_space<vmem>>, vector<16xf32>,
        %get3A_1387 = arith.index_cast %add3A_1360 : i32 to index
        %get3A_1388 = arith.constant 48 : index
        %get3A_1389 = tpu.vector_load %arg12[%get3A_1387, %get3A_1388] {strides = array<i32>} : memref<128x128xf32, #tpu.memory_space<vmem>>, vector<16xf32>,
        %mul3A_1390 = vector.broadcast %squeeze3A_1362 : f32 to vector<16xf32>
        %mul3A_1391 = arith.mulf %get3A_1389, %mul3A_1390 : vector<16xf32>
        %swap3A_1392 = arith.index_cast %add3A_1360 : i32 to index
        %swap3A_1393 = arith.constant 48 : index
        %swap3A_1394 = tpu.vector_load %arg12[%swap3A_1392, %swap3A_1393] {strides = array<i32>} : memref<128x128xf32, #tpu.memory_space<vmem>>, vector<16xf32>,
        tpu.vector_store %arg12[%swap3A_1392, %swap3A_1393], %mul3A_1391 {strides = array<i32>} : memref<128x128xf32, #tpu.memory_space<vmem>>, vector<16xf32>,
        %get3A_1395 = arith.index_cast %add3A_1360 : i32 to index
        %get3A_1396 = arith.constant 64 : index
        %get3A_1397 = tpu.vector_load %arg12[%get3A_1395, %get3A_1396] {strides = array<i32>} : memref<128x128xf32, #tpu.memory_space<vmem>>, vector<16xf32>,
        %mul3A_1398 = vector.broadcast %squeeze3A_1362 : f32 to vector<16xf32>
        %mul3A_1399 = arith.mulf %get3A_1397, %mul3A_1398 : vector<16xf32>
        %swap3A_1400 = arith.index_cast %add3A_1360 : i32 to index
        %swap3A_1401 = arith.constant 64 : index
        %swap3A_1402 = tpu.vector_load %arg12[%swap3A_1400, %swap3A_1401] {strides = array<i32>} : memref<128x128xf32, #tpu.memory_space<vmem>>, vector<16xf32>,
        tpu.vector_store %arg12[%swap3A_1400, %swap3A_1401], %mul3A_1399 {strides = array<i32>} : memref<128x128xf32, #tpu.memory_space<vmem>>, vector<16xf32>,
        %get3A_1403 = arith.index_cast %add3A_1360 : i32 to index
        %get3A_1404 = arith.constant 80 : index
        %get3A_1405 = tpu.vector_load %arg12[%get3A_1403, %get3A_1404] {strides = array<i32>} : memref<128x128xf32, #tpu.memory_space<vmem>>, vector<16xf32>,
        %mul3A_1406 = vector.broadcast %squeeze3A_1362 : f32 to vector<16xf32>
        %mul3A_1407 = arith.mulf %get3A_1405, %mul3A_1406 : vector<16xf32>
        %swap3A_1408 = arith.index_cast %add3A_1360 : i32 to index
        %swap3A_1409 = arith.constant 80 : index
        %swap3A_1410 = tpu.vector_load %arg12[%swap3A_1408, %swap3A_1409] {strides = array<i32>} : memref<128x128xf32, #tpu.memory_space<vmem>>, vector<16xf32>,
        tpu.vector_store %arg12[%swap3A_1408, %swap3A_1409], %mul3A_1407 {strides = array<i32>} : memref<128x128xf32, #tpu.memory_space<vmem>>, vector<16xf32>,
        %get3A_1411 = arith.index_cast %add3A_1360 : i32 to index
        %get3A_1412 = arith.constant 96 : index
        %get3A_1413 = tpu.vector_load %arg12[%get3A_1411, %get3A_1412] {strides = array<i32>} : memref<128x128xf32, #tpu.memory_space<vmem>>, vector<16xf32>,
        %mul3A_1414 = vector.broadcast %squeeze3A_1362 : f32 to vector<16xf32>
        %mul3A_1415 = arith.mulf %get3A_1413, %mul3A_1414 : vector<16xf32>
        %swap3A_1416 = arith.index_cast %add3A_1360 : i32 to index
        %swap3A_1417 = arith.constant 96 : index
        %swap3A_1418 = tpu.vector_load %arg12[%swap3A_1416, %swap3A_1417] {strides = array<i32>} : memref<128x128xf32, #tpu.memory_space<vmem>>, vector<16xf32>,
        tpu.vector_store %arg12[%swap3A_1416, %swap3A_1417], %mul3A_1415 {strides = array<i32>} : memref<128x128xf32, #tpu.memory_space<vmem>>, vector<16xf32>,
        %get3A_1419 = arith.index_cast %add3A_1360 : i32 to index
        %get3A_1420 = arith.constant 112 : index
        %get3A_1421 = tpu.vector_load %arg12[%get3A_1419, %get3A_1420] {strides = array<i32>} : memref<128x128xf32, #tpu.memory_space<vmem>>, vector<16xf32>,
        %mul3A_1422 = vector.broadcast %squeeze3A_1362 : f32 to vector<16xf32>
        %mul3A_1423 = arith.mulf %get3A_1421, %mul3A_1422 : vector<16xf32>
        %swap3A_1424 = arith.index_cast %add3A_1360 : i32 to index
        %swap3A_1425 = arith.constant 112 : index
        %swap3A_1426 = tpu.vector_load %arg12[%swap3A_1424, %swap3A_1425] {strides = array<i32>} : memref<128x128xf32, #tpu.memory_space<vmem>>, vector<16xf32>,
        tpu.vector_store %arg12[%swap3A_1424, %swap3A_1425], %mul3A_1423 {strides = array<i32>} : memref<128x128xf32, #tpu.memory_space<vmem>>, vector<16xf32>,
        %mul3A_1427 = arith.constant 16 : i32
        %mul3A_1428 = arith.muli %scan3A_723, %mul3A_1427 : i32
        %add3A_1429 = arith.constant 10 : i32
        %add3A_1430 = arith.addi %mul3A_1428, %add3A_1429 : i32
        %slice3A_1431 = vector.extract_strided_slice %get3A_728 {offsets = [10], sizes = [1], strides = [1]} : vector<16xf32> to vector<1xf32>
        %squeeze3A_1432 = vector.extract %slice3A_1431[0] : f32 from vector<1xf32>
        %get3A_1433 = arith.index_cast %add3A_1430 : i32 to index
        %get3A_1434 = arith.constant 0 : index
        %get3A_1435 = tpu.vector_load %arg12[%get3A_1433, %get3A_1434] {strides = array<i32>} : memref<128x128xf32, #tpu.memory_space<vmem>>, vector<16xf32>,
        %mul3A_1436 = vector.broadcast %squeeze3A_1432 : f32 to vector<16xf32>
        %mul3A_1437 = arith.mulf %get3A_1435, %mul3A_1436 : vector<16xf32>
        %swap3A_1438 = arith.index_cast %add3A_1430 : i32 to index
        %swap3A_1439 = arith.constant 0 : index
        %swap3A_1440 = tpu.vector_load %arg12[%swap3A_1438, %swap3A_1439] {strides = array<i32>} : memref<128x128xf32, #tpu.memory_space<vmem>>, vector<16xf32>,
        tpu.vector_store %arg12[%swap3A_1438, %swap3A_1439], %mul3A_1437 {strides = array<i32>} : memref<128x128xf32, #tpu.memory_space<vmem>>, vector<16xf32>,
        %get3A_1441 = arith.index_cast %add3A_1430 : i32 to index
        %get3A_1442 = arith.constant 16 : index
        %get3A_1443 = tpu.vector_load %arg12[%get3A_1441, %get3A_1442] {strides = array<i32>} : memref<128x128xf32, #tpu.memory_space<vmem>>, vector<16xf32>,
        %mul3A_1444 = vector.broadcast %squeeze3A_1432 : f32 to vector<16xf32>
        %mul3A_1445 = arith.mulf %get3A_1443, %mul3A_1444 : vector<16xf32>
        %swap3A_1446 = arith.index_cast %add3A_1430 : i32 to index
        %swap3A_1447 = arith.constant 16 : index
        %swap3A_1448 = tpu.vector_load %arg12[%swap3A_1446, %swap3A_1447] {strides = array<i32>} : memref<128x128xf32, #tpu.memory_space<vmem>>, vector<16xf32>,
        tpu.vector_store %arg12[%swap3A_1446, %swap3A_1447], %mul3A_1445 {strides = array<i32>} : memref<128x128xf32, #tpu.memory_space<vmem>>, vector<16xf32>,
        %get3A_1449 = arith.index_cast %add3A_1430 : i32 to index
        %get3A_1450 = arith.constant 32 : index
        %get3A_1451 = tpu.vector_load %arg12[%get3A_1449, %get3A_1450] {strides = array<i32>} : memref<128x128xf32, #tpu.memory_space<vmem>>, vector<16xf32>,
        %mul3A_1452 = vector.broadcast %squeeze3A_1432 : f32 to vector<16xf32>
        %mul3A_1453 = arith.mulf %get3A_1451, %mul3A_1452 : vector<16xf32>
        %swap3A_1454 = arith.index_cast %add3A_1430 : i32 to index
        %swap3A_1455 = arith.constant 32 : index
        %swap3A_1456 = tpu.vector_load %arg12[%swap3A_1454, %swap3A_1455] {strides = array<i32>} : memref<128x128xf32, #tpu.memory_space<vmem>>, vector<16xf32>,
        tpu.vector_store %arg12[%swap3A_1454, %swap3A_1455], %mul3A_1453 {strides = array<i32>} : memref<128x128xf32, #tpu.memory_space<vmem>>, vector<16xf32>,
        %get3A_1457 = arith.index_cast %add3A_1430 : i32 to index
        %get3A_1458 = arith.constant 48 : index
        %get3A_1459 = tpu.vector_load %arg12[%get3A_1457, %get3A_1458] {strides = array<i32>} : memref<128x128xf32, #tpu.memory_space<vmem>>, vector<16xf32>,
        %mul3A_1460 = vector.broadcast %squeeze3A_1432 : f32 to vector<16xf32>
        %mul3A_1461 = arith.mulf %get3A_1459, %mul3A_1460 : vector<16xf32>
        %swap3A_1462 = arith.index_cast %add3A_1430 : i32 to index
        %swap3A_1463 = arith.constant 48 : index
        %swap3A_1464 = tpu.vector_load %arg12[%swap3A_1462, %swap3A_1463] {strides = array<i32>} : memref<128x128xf32, #tpu.memory_space<vmem>>, vector<16xf32>,
        tpu.vector_store %arg12[%swap3A_1462, %swap3A_1463], %mul3A_1461 {strides = array<i32>} : memref<128x128xf32, #tpu.memory_space<vmem>>, vector<16xf32>,
        %get3A_1465 = arith.index_cast %add3A_1430 : i32 to index
        %get3A_1466 = arith.constant 64 : index
        %get3A_1467 = tpu.vector_load %arg12[%get3A_1465, %get3A_1466] {strides = array<i32>} : memref<128x128xf32, #tpu.memory_space<vmem>>, vector<16xf32>,
        %mul3A_1468 = vector.broadcast %squeeze3A_1432 : f32 to vector<16xf32>
        %mul3A_1469 = arith.mulf %get3A_1467, %mul3A_1468 : vector<16xf32>
        %swap3A_1470 = arith.index_cast %add3A_1430 : i32 to index
        %swap3A_1471 = arith.constant 64 : index
        %swap3A_1472 = tpu.vector_load %arg12[%swap3A_1470, %swap3A_1471] {strides = array<i32>} : memref<128x128xf32, #tpu.memory_space<vmem>>, vector<16xf32>,
        tpu.vector_store %arg12[%swap3A_1470, %swap3A_1471], %mul3A_1469 {strides = array<i32>} : memref<128x128xf32, #tpu.memory_space<vmem>>, vector<16xf32>,
        %get3A_1473 = arith.index_cast %add3A_1430 : i32 to index
        %get3A_1474 = arith.constant 80 : index
        %get3A_1475 = tpu.vector_load %arg12[%get3A_1473, %get3A_1474] {strides = array<i32>} : memref<128x128xf32, #tpu.memory_space<vmem>>, vector<16xf32>,
        %mul3A_1476 = vector.broadcast %squeeze3A_1432 : f32 to vector<16xf32>
        %mul3A_1477 = arith.mulf %get3A_1475, %mul3A_1476 : vector<16xf32>
        %swap3A_1478 = arith.index_cast %add3A_1430 : i32 to index
        %swap3A_1479 = arith.constant 80 : index
        %swap3A_1480 = tpu.vector_load %arg12[%swap3A_1478, %swap3A_1479] {strides = array<i32>} : memref<128x128xf32, #tpu.memory_space<vmem>>, vector<16xf32>,
        tpu.vector_store %arg12[%swap3A_1478, %swap3A_1479], %mul3A_1477 {strides = array<i32>} : memref<128x128xf32, #tpu.memory_space<vmem>>, vector<16xf32>,
        %get3A_1481 = arith.index_cast %add3A_1430 : i32 to index
        %get3A_1482 = arith.constant 96 : index
        %get3A_1483 = tpu.vector_load %arg12[%get3A_1481, %get3A_1482] {strides = array<i32>} : memref<128x128xf32, #tpu.memory_space<vmem>>, vector<16xf32>,
        %mul3A_1484 = vector.broadcast %squeeze3A_1432 : f32 to vector<16xf32>
        %mul3A_1485 = arith.mulf %get3A_1483, %mul3A_1484 : vector<16xf32>
        %swap3A_1486 = arith.index_cast %add3A_1430 : i32 to index
        %swap3A_1487 = arith.constant 96 : index
        %swap3A_1488 = tpu.vector_load %arg12[%swap3A_1486, %swap3A_1487] {strides = array<i32>} : memref<128x128xf32, #tpu.memory_space<vmem>>, vector<16xf32>,
        tpu.vector_store %arg12[%swap3A_1486, %swap3A_1487], %mul3A_1485 {strides = array<i32>} : memref<128x128xf32, #tpu.memory_space<vmem>>, vector<16xf32>,
        %get3A_1489 = arith.index_cast %add3A_1430 : i32 to index
        %get3A_1490 = arith.constant 112 : index
        %get3A_1491 = tpu.vector_load %arg12[%get3A_1489, %get3A_1490] {strides = array<i32>} : memref<128x128xf32, #tpu.memory_space<vmem>>, vector<16xf32>,
        %mul3A_1492 = vector.broadcast %squeeze3A_1432 : f32 to vector<16xf32>
        %mul3A_1493 = arith.mulf %get3A_1491, %mul3A_1492 : vector<16xf32>
        %swap3A_1494 = arith.index_cast %add3A_1430 : i32 to index
        %swap3A_1495 = arith.constant 112 : index
        %swap3A_1496 = tpu.vector_load %arg12[%swap3A_1494, %swap3A_1495] {strides = array<i32>} : memref<128x128xf32, #tpu.memory_space<vmem>>, vector<16xf32>,
        tpu.vector_store %arg12[%swap3A_1494, %swap3A_1495], %mul3A_1493 {strides = array<i32>} : memref<128x128xf32, #tpu.memory_space<vmem>>, vector<16xf32>,
        %mul3A_1497 = arith.constant 16 : i32
        %mul3A_1498 = arith.muli %scan3A_723, %mul3A_1497 : i32
        %add3A_1499 = arith.constant 11 : i32
        %add3A_1500 = arith.addi %mul3A_1498, %add3A_1499 : i32
        %slice3A_1501 = vector.extract_strided_slice %get3A_728 {offsets = [11], sizes = [1], strides = [1]} : vector<16xf32> to vector<1xf32>
        %squeeze3A_1502 = vector.extract %slice3A_1501[0] : f32 from vector<1xf32>
        %get3A_1503 = arith.index_cast %add3A_1500 : i32 to index
        %get3A_1504 = arith.constant 0 : index
        %get3A_1505 = tpu.vector_load %arg12[%get3A_1503, %get3A_1504] {strides = array<i32>} : memref<128x128xf32, #tpu.memory_space<vmem>>, vector<16xf32>,
        %mul3A_1506 = vector.broadcast %squeeze3A_1502 : f32 to vector<16xf32>
        %mul3A_1507 = arith.mulf %get3A_1505, %mul3A_1506 : vector<16xf32>
        %swap3A_1508 = arith.index_cast %add3A_1500 : i32 to index
        %swap3A_1509 = arith.constant 0 : index
        %swap3A_1510 = tpu.vector_load %arg12[%swap3A_1508, %swap3A_1509] {strides = array<i32>} : memref<128x128xf32, #tpu.memory_space<vmem>>, vector<16xf32>,
        tpu.vector_store %arg12[%swap3A_1508, %swap3A_1509], %mul3A_1507 {strides = array<i32>} : memref<128x128xf32, #tpu.memory_space<vmem>>, vector<16xf32>,
        %get3A_1511 = arith.index_cast %add3A_1500 : i32 to index
        %get3A_1512 = arith.constant 16 : index
        %get3A_1513 = tpu.vector_load %arg12[%get3A_1511, %get3A_1512] {strides = array<i32>} : memref<128x128xf32, #tpu.memory_space<vmem>>, vector<16xf32>,
        %mul3A_1514 = vector.broadcast %squeeze3A_1502 : f32 to vector<16xf32>
        %mul3A_1515 = arith.mulf %get3A_1513, %mul3A_1514 : vector<16xf32>
        %swap3A_1516 = arith.index_cast %add3A_1500 : i32 to index
        %swap3A_1517 = arith.constant 16 : index
        %swap3A_1518 = tpu.vector_load %arg12[%swap3A_1516, %swap3A_1517] {strides = array<i32>} : memref<128x128xf32, #tpu.memory_space<vmem>>, vector<16xf32>,
        tpu.vector_store %arg12[%swap3A_1516, %swap3A_1517], %mul3A_1515 {strides = array<i32>} : memref<128x128xf32, #tpu.memory_space<vmem>>, vector<16xf32>,
        %get3A_1519 = arith.index_cast %add3A_1500 : i32 to index
        %get3A_1520 = arith.constant 32 : index
        %get3A_1521 = tpu.vector_load %arg12[%get3A_1519, %get3A_1520] {strides = array<i32>} : memref<128x128xf32, #tpu.memory_space<vmem>>, vector<16xf32>,
        %mul3A_1522 = vector.broadcast %squeeze3A_1502 : f32 to vector<16xf32>
        %mul3A_1523 = arith.mulf %get3A_1521, %mul3A_1522 : vector<16xf32>
        %swap3A_1524 = arith.index_cast %add3A_1500 : i32 to index
        %swap3A_1525 = arith.constant 32 : index
        %swap3A_1526 = tpu.vector_load %arg12[%swap3A_1524, %swap3A_1525] {strides = array<i32>} : memref<128x128xf32, #tpu.memory_space<vmem>>, vector<16xf32>,
        tpu.vector_store %arg12[%swap3A_1524, %swap3A_1525], %mul3A_1523 {strides = array<i32>} : memref<128x128xf32, #tpu.memory_space<vmem>>, vector<16xf32>,
        %get3A_1527 = arith.index_cast %add3A_1500 : i32 to index
        %get3A_1528 = arith.constant 48 : index
        %get3A_1529 = tpu.vector_load %arg12[%get3A_1527, %get3A_1528] {strides = array<i32>} : memref<128x128xf32, #tpu.memory_space<vmem>>, vector<16xf32>,
        %mul3A_1530 = vector.broadcast %squeeze3A_1502 : f32 to vector<16xf32>
        %mul3A_1531 = arith.mulf %get3A_1529, %mul3A_1530 : vector<16xf32>
        %swap3A_1532 = arith.index_cast %add3A_1500 : i32 to index
        %swap3A_1533 = arith.constant 48 : index
        %swap3A_1534 = tpu.vector_load %arg12[%swap3A_1532, %swap3A_1533] {strides = array<i32>} : memref<128x128xf32, #tpu.memory_space<vmem>>, vector<16xf32>,
        tpu.vector_store %arg12[%swap3A_1532, %swap3A_1533], %mul3A_1531 {strides = array<i32>} : memref<128x128xf32, #tpu.memory_space<vmem>>, vector<16xf32>,
        %get3A_1535 = arith.index_cast %add3A_1500 : i32 to index
        %get3A_1536 = arith.constant 64 : index
        %get3A_1537 = tpu.vector_load %arg12[%get3A_1535, %get3A_1536] {strides = array<i32>} : memref<128x128xf32, #tpu.memory_space<vmem>>, vector<16xf32>,
        %mul3A_1538 = vector.broadcast %squeeze3A_1502 : f32 to vector<16xf32>
        %mul3A_1539 = arith.mulf %get3A_1537, %mul3A_1538 : vector<16xf32>
        %swap3A_1540 = arith.index_cast %add3A_1500 : i32 to index
        %swap3A_1541 = arith.constant 64 : index
        %swap3A_1542 = tpu.vector_load %arg12[%swap3A_1540, %swap3A_1541] {strides = array<i32>} : memref<128x128xf32, #tpu.memory_space<vmem>>, vector<16xf32>,
        tpu.vector_store %arg12[%swap3A_1540, %swap3A_1541], %mul3A_1539 {strides = array<i32>} : memref<128x128xf32, #tpu.memory_space<vmem>>, vector<16xf32>,
        %get3A_1543 = arith.index_cast %add3A_1500 : i32 to index
        %get3A_1544 = arith.constant 80 : index
        %get3A_1545 = tpu.vector_load %arg12[%get3A_1543, %get3A_1544] {strides = array<i32>} : memref<128x128xf32, #tpu.memory_space<vmem>>, vector<16xf32>,
        %mul3A_1546 = vector.broadcast %squeeze3A_1502 : f32 to vector<16xf32>
        %mul3A_1547 = arith.mulf %get3A_1545, %mul3A_1546 : vector<16xf32>
        %swap3A_1548 = arith.index_cast %add3A_1500 : i32 to index
        %swap3A_1549 = arith.constant 80 : index
        %swap3A_1550 = tpu.vector_load %arg12[%swap3A_1548, %swap3A_1549] {strides = array<i32>} : memref<128x128xf32, #tpu.memory_space<vmem>>, vector<16xf32>,
        tpu.vector_store %arg12[%swap3A_1548, %swap3A_1549], %mul3A_1547 {strides = array<i32>} : memref<128x128xf32, #tpu.memory_space<vmem>>, vector<16xf32>,
        %get3A_1551 = arith.index_cast %add3A_1500 : i32 to index
        %get3A_1552 = arith.constant 96 : index
        %get3A_1553 = tpu.vector_load %arg12[%get3A_1551, %get3A_1552] {strides = array<i32>} : memref<128x128xf32, #tpu.memory_space<vmem>>, vector<16xf32>,
        %mul3A_1554 = vector.broadcast %squeeze3A_1502 : f32 to vector<16xf32>
        %mul3A_1555 = arith.mulf %get3A_1553, %mul3A_1554 : vector<16xf32>
        %swap3A_1556 = arith.index_cast %add3A_1500 : i32 to index
        %swap3A_1557 = arith.constant 96 : index
        %swap3A_1558 = tpu.vector_load %arg12[%swap3A_1556, %swap3A_1557] {strides = array<i32>} : memref<128x128xf32, #tpu.memory_space<vmem>>, vector<16xf32>,
        tpu.vector_store %arg12[%swap3A_1556, %swap3A_1557], %mul3A_1555 {strides = array<i32>} : memref<128x128xf32, #tpu.memory_space<vmem>>, vector<16xf32>,
        %get3A_1559 = arith.index_cast %add3A_1500 : i32 to index
        %get3A_1560 = arith.constant 112 : index
        %get3A_1561 = tpu.vector_load %arg12[%get3A_1559, %get3A_1560] {strides = array<i32>} : memref<128x128xf32, #tpu.memory_space<vmem>>, vector<16xf32>,
        %mul3A_1562 = vector.broadcast %squeeze3A_1502 : f32 to vector<16xf32>
        %mul3A_1563 = arith.mulf %get3A_1561, %mul3A_1562 : vector<16xf32>
        %swap3A_1564 = arith.index_cast %add3A_1500 : i32 to index
        %swap3A_1565 = arith.constant 112 : index
        %swap3A_1566 = tpu.vector_load %arg12[%swap3A_1564, %swap3A_1565] {strides = array<i32>} : memref<128x128xf32, #tpu.memory_space<vmem>>, vector<16xf32>,
        tpu.vector_store %arg12[%swap3A_1564, %swap3A_1565], %mul3A_1563 {strides = array<i32>} : memref<128x128xf32, #tpu.memory_space<vmem>>, vector<16xf32>,
        %mul3A_1567 = arith.constant 16 : i32
        %mul3A_1568 = arith.muli %scan3A_723, %mul3A_1567 : i32
        %add3A_1569 = arith.constant 12 : i32
        %add3A_1570 = arith.addi %mul3A_1568, %add3A_1569 : i32
        %slice3A_1571 = vector.extract_strided_slice %get3A_728 {offsets = [12], sizes = [1], strides = [1]} : vector<16xf32> to vector<1xf32>
        %squeeze3A_1572 = vector.extract %slice3A_1571[0] : f32 from vector<1xf32>
        %get3A_1573 = arith.index_cast %add3A_1570 : i32 to index
        %get3A_1574 = arith.constant 0 : index
        %get3A_1575 = tpu.vector_load %arg12[%get3A_1573, %get3A_1574] {strides = array<i32>} : memref<128x128xf32, #tpu.memory_space<vmem>>, vector<16xf32>,
        %mul3A_1576 = vector.broadcast %squeeze3A_1572 : f32 to vector<16xf32>
        %mul3A_1577 = arith.mulf %get3A_1575, %mul3A_1576 : vector<16xf32>
        %swap3A_1578 = arith.index_cast %add3A_1570 : i32 to index
        %swap3A_1579 = arith.constant 0 : index
        %swap3A_1580 = tpu.vector_load %arg12[%swap3A_1578, %swap3A_1579] {strides = array<i32>} : memref<128x128xf32, #tpu.memory_space<vmem>>, vector<16xf32>,
        tpu.vector_store %arg12[%swap3A_1578, %swap3A_1579], %mul3A_1577 {strides = array<i32>} : memref<128x128xf32, #tpu.memory_space<vmem>>, vector<16xf32>,
        %get3A_1581 = arith.index_cast %add3A_1570 : i32 to index
        %get3A_1582 = arith.constant 16 : index
        %get3A_1583 = tpu.vector_load %arg12[%get3A_1581, %get3A_1582] {strides = array<i32>} : memref<128x128xf32, #tpu.memory_space<vmem>>, vector<16xf32>,
        %mul3A_1584 = vector.broadcast %squeeze3A_1572 : f32 to vector<16xf32>
        %mul3A_1585 = arith.mulf %get3A_1583, %mul3A_1584 : vector<16xf32>
        %swap3A_1586 = arith.index_cast %add3A_1570 : i32 to index
        %swap3A_1587 = arith.constant 16 : index
        %swap3A_1588 = tpu.vector_load %arg12[%swap3A_1586, %swap3A_1587] {strides = array<i32>} : memref<128x128xf32, #tpu.memory_space<vmem>>, vector<16xf32>,
        tpu.vector_store %arg12[%swap3A_1586, %swap3A_1587], %mul3A_1585 {strides = array<i32>} : memref<128x128xf32, #tpu.memory_space<vmem>>, vector<16xf32>,
        %get3A_1589 = arith.index_cast %add3A_1570 : i32 to index
        %get3A_1590 = arith.constant 32 : index
        %get3A_1591 = tpu.vector_load %arg12[%get3A_1589, %get3A_1590] {strides = array<i32>} : memref<128x128xf32, #tpu.memory_space<vmem>>, vector<16xf32>,
        %mul3A_1592 = vector.broadcast %squeeze3A_1572 : f32 to vector<16xf32>
        %mul3A_1593 = arith.mulf %get3A_1591, %mul3A_1592 : vector<16xf32>
        %swap3A_1594 = arith.index_cast %add3A_1570 : i32 to index
        %swap3A_1595 = arith.constant 32 : index
        %swap3A_1596 = tpu.vector_load %arg12[%swap3A_1594, %swap3A_1595] {strides = array<i32>} : memref<128x128xf32, #tpu.memory_space<vmem>>, vector<16xf32>,
        tpu.vector_store %arg12[%swap3A_1594, %swap3A_1595], %mul3A_1593 {strides = array<i32>} : memref<128x128xf32, #tpu.memory_space<vmem>>, vector<16xf32>,
        %get3A_1597 = arith.index_cast %add3A_1570 : i32 to index
        %get3A_1598 = arith.constant 48 : index
        %get3A_1599 = tpu.vector_load %arg12[%get3A_1597, %get3A_1598] {strides = array<i32>} : memref<128x128xf32, #tpu.memory_space<vmem>>, vector<16xf32>,
        %mul3A_1600 = vector.broadcast %squeeze3A_1572 : f32 to vector<16xf32>
        %mul3A_1601 = arith.mulf %get3A_1599, %mul3A_1600 : vector<16xf32>
        %swap3A_1602 = arith.index_cast %add3A_1570 : i32 to index
        %swap3A_1603 = arith.constant 48 : index
        %swap3A_1604 = tpu.vector_load %arg12[%swap3A_1602, %swap3A_1603] {strides = array<i32>} : memref<128x128xf32, #tpu.memory_space<vmem>>, vector<16xf32>,
        tpu.vector_store %arg12[%swap3A_1602, %swap3A_1603], %mul3A_1601 {strides = array<i32>} : memref<128x128xf32, #tpu.memory_space<vmem>>, vector<16xf32>,
        %get3A_1605 = arith.index_cast %add3A_1570 : i32 to index
        %get3A_1606 = arith.constant 64 : index
        %get3A_1607 = tpu.vector_load %arg12[%get3A_1605, %get3A_1606] {strides = array<i32>} : memref<128x128xf32, #tpu.memory_space<vmem>>, vector<16xf32>,
        %mul3A_1608 = vector.broadcast %squeeze3A_1572 : f32 to vector<16xf32>
        %mul3A_1609 = arith.mulf %get3A_1607, %mul3A_1608 : vector<16xf32>
        %swap3A_1610 = arith.index_cast %add3A_1570 : i32 to index
        %swap3A_1611 = arith.constant 64 : index
        %swap3A_1612 = tpu.vector_load %arg12[%swap3A_1610, %swap3A_1611] {strides = array<i32>} : memref<128x128xf32, #tpu.memory_space<vmem>>, vector<16xf32>,
        tpu.vector_store %arg12[%swap3A_1610, %swap3A_1611], %mul3A_1609 {strides = array<i32>} : memref<128x128xf32, #tpu.memory_space<vmem>>, vector<16xf32>,
        %get3A_1613 = arith.index_cast %add3A_1570 : i32 to index
        %get3A_1614 = arith.constant 80 : index
        %get3A_1615 = tpu.vector_load %arg12[%get3A_1613, %get3A_1614] {strides = array<i32>} : memref<128x128xf32, #tpu.memory_space<vmem>>, vector<16xf32>,
        %mul3A_1616 = vector.broadcast %squeeze3A_1572 : f32 to vector<16xf32>
        %mul3A_1617 = arith.mulf %get3A_1615, %mul3A_1616 : vector<16xf32>
        %swap3A_1618 = arith.index_cast %add3A_1570 : i32 to index
        %swap3A_1619 = arith.constant 80 : index
        %swap3A_1620 = tpu.vector_load %arg12[%swap3A_1618, %swap3A_1619] {strides = array<i32>} : memref<128x128xf32, #tpu.memory_space<vmem>>, vector<16xf32>,
        tpu.vector_store %arg12[%swap3A_1618, %swap3A_1619], %mul3A_1617 {strides = array<i32>} : memref<128x128xf32, #tpu.memory_space<vmem>>, vector<16xf32>,
        %get3A_1621 = arith.index_cast %add3A_1570 : i32 to index
        %get3A_1622 = arith.constant 96 : index
        %get3A_1623 = tpu.vector_load %arg12[%get3A_1621, %get3A_1622] {strides = array<i32>} : memref<128x128xf32, #tpu.memory_space<vmem>>, vector<16xf32>,
        %mul3A_1624 = vector.broadcast %squeeze3A_1572 : f32 to vector<16xf32>
        %mul3A_1625 = arith.mulf %get3A_1623, %mul3A_1624 : vector<16xf32>
        %swap3A_1626 = arith.index_cast %add3A_1570 : i32 to index
        %swap3A_1627 = arith.constant 96 : index
        %swap3A_1628 = tpu.vector_load %arg12[%swap3A_1626, %swap3A_1627] {strides = array<i32>} : memref<128x128xf32, #tpu.memory_space<vmem>>, vector<16xf32>,
        tpu.vector_store %arg12[%swap3A_1626, %swap3A_1627], %mul3A_1625 {strides = array<i32>} : memref<128x128xf32, #tpu.memory_space<vmem>>, vector<16xf32>,
        %get3A_1629 = arith.index_cast %add3A_1570 : i32 to index
        %get3A_1630 = arith.constant 112 : index
        %get3A_1631 = tpu.vector_load %arg12[%get3A_1629, %get3A_1630] {strides = array<i32>} : memref<128x128xf32, #tpu.memory_space<vmem>>, vector<16xf32>,
        %mul3A_1632 = vector.broadcast %squeeze3A_1572 : f32 to vector<16xf32>
        %mul3A_1633 = arith.mulf %get3A_1631, %mul3A_1632 : vector<16xf32>
        %swap3A_1634 = arith.index_cast %add3A_1570 : i32 to index
        %swap3A_1635 = arith.constant 112 : index
        %swap3A_1636 = tpu.vector_load %arg12[%swap3A_1634, %swap3A_1635] {strides = array<i32>} : memref<128x128xf32, #tpu.memory_space<vmem>>, vector<16xf32>,
        tpu.vector_store %arg12[%swap3A_1634, %swap3A_1635], %mul3A_1633 {strides = array<i32>} : memref<128x128xf32, #tpu.memory_space<vmem>>, vector<16xf32>,
        %mul3A_1637 = arith.constant 16 : i32
        %mul3A_1638 = arith.muli %scan3A_723, %mul3A_1637 : i32
        %add3A_1639 = arith.constant 13 : i32
        %add3A_1640 = arith.addi %mul3A_1638, %add3A_1639 : i32
        %slice3A_1641 = vector.extract_strided_slice %get3A_728 {offsets = [13], sizes = [1], strides = [1]} : vector<16xf32> to vector<1xf32>
        %squeeze3A_1642 = vector.extract %slice3A_1641[0] : f32 from vector<1xf32>
        %get3A_1643 = arith.index_cast %add3A_1640 : i32 to index
        %get3A_1644 = arith.constant 0 : index
        %get3A_1645 = tpu.vector_load %arg12[%get3A_1643, %get3A_1644] {strides = array<i32>} : memref<128x128xf32, #tpu.memory_space<vmem>>, vector<16xf32>,
        %mul3A_1646 = vector.broadcast %squeeze3A_1642 : f32 to vector<16xf32>
        %mul3A_1647 = arith.mulf %get3A_1645, %mul3A_1646 : vector<16xf32>
        %swap3A_1648 = arith.index_cast %add3A_1640 : i32 to index
        %swap3A_1649 = arith.constant 0 : index
        %swap3A_1650 = tpu.vector_load %arg12[%swap3A_1648, %swap3A_1649] {strides = array<i32>} : memref<128x128xf32, #tpu.memory_space<vmem>>, vector<16xf32>,
        tpu.vector_store %arg12[%swap3A_1648, %swap3A_1649], %mul3A_1647 {strides = array<i32>} : memref<128x128xf32, #tpu.memory_space<vmem>>, vector<16xf32>,
        %get3A_1651 = arith.index_cast %add3A_1640 : i32 to index
        %get3A_1652 = arith.constant 16 : index
        %get3A_1653 = tpu.vector_load %arg12[%get3A_1651, %get3A_1652] {strides = array<i32>} : memref<128x128xf32, #tpu.memory_space<vmem>>, vector<16xf32>,
        %mul3A_1654 = vector.broadcast %squeeze3A_1642 : f32 to vector<16xf32>
        %mul3A_1655 = arith.mulf %get3A_1653, %mul3A_1654 : vector<16xf32>
        %swap3A_1656 = arith.index_cast %add3A_1640 : i32 to index
        %swap3A_1657 = arith.constant 16 : index
        %swap3A_1658 = tpu.vector_load %arg12[%swap3A_1656, %swap3A_1657] {strides = array<i32>} : memref<128x128xf32, #tpu.memory_space<vmem>>, vector<16xf32>,
        tpu.vector_store %arg12[%swap3A_1656, %swap3A_1657], %mul3A_1655 {strides = array<i32>} : memref<128x128xf32, #tpu.memory_space<vmem>>, vector<16xf32>,
        %get3A_1659 = arith.index_cast %add3A_1640 : i32 to index
        %get3A_1660 = arith.constant 32 : index
        %get3A_1661 = tpu.vector_load %arg12[%get3A_1659, %get3A_1660] {strides = array<i32>} : memref<128x128xf32, #tpu.memory_space<vmem>>, vector<16xf32>,
        %mul3A_1662 = vector.broadcast %squeeze3A_1642 : f32 to vector<16xf32>
        %mul3A_1663 = arith.mulf %get3A_1661, %mul3A_1662 : vector<16xf32>
        %swap3A_1664 = arith.index_cast %add3A_1640 : i32 to index
        %swap3A_1665 = arith.constant 32 : index
        %swap3A_1666 = tpu.vector_load %arg12[%swap3A_1664, %swap3A_1665] {strides = array<i32>} : memref<128x128xf32, #tpu.memory_space<vmem>>, vector<16xf32>,
        tpu.vector_store %arg12[%swap3A_1664, %swap3A_1665], %mul3A_1663 {strides = array<i32>} : memref<128x128xf32, #tpu.memory_space<vmem>>, vector<16xf32>,
        %get3A_1667 = arith.index_cast %add3A_1640 : i32 to index
        %get3A_1668 = arith.constant 48 : index
        %get3A_1669 = tpu.vector_load %arg12[%get3A_1667, %get3A_1668] {strides = array<i32>} : memref<128x128xf32, #tpu.memory_space<vmem>>, vector<16xf32>,
        %mul3A_1670 = vector.broadcast %squeeze3A_1642 : f32 to vector<16xf32>
        %mul3A_1671 = arith.mulf %get3A_1669, %mul3A_1670 : vector<16xf32>
        %swap3A_1672 = arith.index_cast %add3A_1640 : i32 to index
        %swap3A_1673 = arith.constant 48 : index
        %swap3A_1674 = tpu.vector_load %arg12[%swap3A_1672, %swap3A_1673] {strides = array<i32>} : memref<128x128xf32, #tpu.memory_space<vmem>>, vector<16xf32>,
        tpu.vector_store %arg12[%swap3A_1672, %swap3A_1673], %mul3A_1671 {strides = array<i32>} : memref<128x128xf32, #tpu.memory_space<vmem>>, vector<16xf32>,
        %get3A_1675 = arith.index_cast %add3A_1640 : i32 to index
        %get3A_1676 = arith.constant 64 : index
        %get3A_1677 = tpu.vector_load %arg12[%get3A_1675, %get3A_1676] {strides = array<i32>} : memref<128x128xf32, #tpu.memory_space<vmem>>, vector<16xf32>,
        %mul3A_1678 = vector.broadcast %squeeze3A_1642 : f32 to vector<16xf32>
        %mul3A_1679 = arith.mulf %get3A_1677, %mul3A_1678 : vector<16xf32>
        %swap3A_1680 = arith.index_cast %add3A_1640 : i32 to index
        %swap3A_1681 = arith.constant 64 : index
        %swap3A_1682 = tpu.vector_load %arg12[%swap3A_1680, %swap3A_1681] {strides = array<i32>} : memref<128x128xf32, #tpu.memory_space<vmem>>, vector<16xf32>,
        tpu.vector_store %arg12[%swap3A_1680, %swap3A_1681], %mul3A_1679 {strides = array<i32>} : memref<128x128xf32, #tpu.memory_space<vmem>>, vector<16xf32>,
        %get3A_1683 = arith.index_cast %add3A_1640 : i32 to index
        %get3A_1684 = arith.constant 80 : index
        %get3A_1685 = tpu.vector_load %arg12[%get3A_1683, %get3A_1684] {strides = array<i32>} : memref<128x128xf32, #tpu.memory_space<vmem>>, vector<16xf32>,
        %mul3A_1686 = vector.broadcast %squeeze3A_1642 : f32 to vector<16xf32>
        %mul3A_1687 = arith.mulf %get3A_1685, %mul3A_1686 : vector<16xf32>
        %swap3A_1688 = arith.index_cast %add3A_1640 : i32 to index
        %swap3A_1689 = arith.constant 80 : index
        %swap3A_1690 = tpu.vector_load %arg12[%swap3A_1688, %swap3A_1689] {strides = array<i32>} : memref<128x128xf32, #tpu.memory_space<vmem>>, vector<16xf32>,
        tpu.vector_store %arg12[%swap3A_1688, %swap3A_1689], %mul3A_1687 {strides = array<i32>} : memref<128x128xf32, #tpu.memory_space<vmem>>, vector<16xf32>,
        %get3A_1691 = arith.index_cast %add3A_1640 : i32 to index
        %get3A_1692 = arith.constant 96 : index
        %get3A_1693 = tpu.vector_load %arg12[%get3A_1691, %get3A_1692] {strides = array<i32>} : memref<128x128xf32, #tpu.memory_space<vmem>>, vector<16xf32>,
        %mul3A_1694 = vector.broadcast %squeeze3A_1642 : f32 to vector<16xf32>
        %mul3A_1695 = arith.mulf %get3A_1693, %mul3A_1694 : vector<16xf32>
        %swap3A_1696 = arith.index_cast %add3A_1640 : i32 to index
        %swap3A_1697 = arith.constant 96 : index
        %swap3A_1698 = tpu.vector_load %arg12[%swap3A_1696, %swap3A_1697] {strides = array<i32>} : memref<128x128xf32, #tpu.memory_space<vmem>>, vector<16xf32>,
        tpu.vector_store %arg12[%swap3A_1696, %swap3A_1697], %mul3A_1695 {strides = array<i32>} : memref<128x128xf32, #tpu.memory_space<vmem>>, vector<16xf32>,
        %get3A_1699 = arith.index_cast %add3A_1640 : i32 to index
        %get3A_1700 = arith.constant 112 : index
        %get3A_1701 = tpu.vector_load %arg12[%get3A_1699, %get3A_1700] {strides = array<i32>} : memref<128x128xf32, #tpu.memory_space<vmem>>, vector<16xf32>,
        %mul3A_1702 = vector.broadcast %squeeze3A_1642 : f32 to vector<16xf32>
        %mul3A_1703 = arith.mulf %get3A_1701, %mul3A_1702 : vector<16xf32>
        %swap3A_1704 = arith.index_cast %add3A_1640 : i32 to index
        %swap3A_1705 = arith.constant 112 : index
        %swap3A_1706 = tpu.vector_load %arg12[%swap3A_1704, %swap3A_1705] {strides = array<i32>} : memref<128x128xf32, #tpu.memory_space<vmem>>, vector<16xf32>,
        tpu.vector_store %arg12[%swap3A_1704, %swap3A_1705], %mul3A_1703 {strides = array<i32>} : memref<128x128xf32, #tpu.memory_space<vmem>>, vector<16xf32>,
        %mul3A_1707 = arith.constant 16 : i32
        %mul3A_1708 = arith.muli %scan3A_723, %mul3A_1707 : i32
        %add3A_1709 = arith.constant 14 : i32
        %add3A_1710 = arith.addi %mul3A_1708, %add3A_1709 : i32
        %slice3A_1711 = vector.extract_strided_slice %get3A_728 {offsets = [14], sizes = [1], strides = [1]} : vector<16xf32> to vector<1xf32>
        %squeeze3A_1712 = vector.extract %slice3A_1711[0] : f32 from vector<1xf32>
        %get3A_1713 = arith.index_cast %add3A_1710 : i32 to index
        %get3A_1714 = arith.constant 0 : index
        %get3A_1715 = tpu.vector_load %arg12[%get3A_1713, %get3A_1714] {strides = array<i32>} : memref<128x128xf32, #tpu.memory_space<vmem>>, vector<16xf32>,
        %mul3A_1716 = vector.broadcast %squeeze3A_1712 : f32 to vector<16xf32>
        %mul3A_1717 = arith.mulf %get3A_1715, %mul3A_1716 : vector<16xf32>
        %swap3A_1718 = arith.index_cast %add3A_1710 : i32 to index
        %swap3A_1719 = arith.constant 0 : index
        %swap3A_1720 = tpu.vector_load %arg12[%swap3A_1718, %swap3A_1719] {strides = array<i32>} : memref<128x128xf32, #tpu.memory_space<vmem>>, vector<16xf32>,
        tpu.vector_store %arg12[%swap3A_1718, %swap3A_1719], %mul3A_1717 {strides = array<i32>} : memref<128x128xf32, #tpu.memory_space<vmem>>, vector<16xf32>,
        %get3A_1721 = arith.index_cast %add3A_1710 : i32 to index
        %get3A_1722 = arith.constant 16 : index
        %get3A_1723 = tpu.vector_load %arg12[%get3A_1721, %get3A_1722] {strides = array<i32>} : memref<128x128xf32, #tpu.memory_space<vmem>>, vector<16xf32>,
        %mul3A_1724 = vector.broadcast %squeeze3A_1712 : f32 to vector<16xf32>
        %mul3A_1725 = arith.mulf %get3A_1723, %mul3A_1724 : vector<16xf32>
        %swap3A_1726 = arith.index_cast %add3A_1710 : i32 to index
        %swap3A_1727 = arith.constant 16 : index
        %swap3A_1728 = tpu.vector_load %arg12[%swap3A_1726, %swap3A_1727] {strides = array<i32>} : memref<128x128xf32, #tpu.memory_space<vmem>>, vector<16xf32>,
        tpu.vector_store %arg12[%swap3A_1726, %swap3A_1727], %mul3A_1725 {strides = array<i32>} : memref<128x128xf32, #tpu.memory_space<vmem>>, vector<16xf32>,
        %get3A_1729 = arith.index_cast %add3A_1710 : i32 to index
        %get3A_1730 = arith.constant 32 : index
        %get3A_1731 = tpu.vector_load %arg12[%get3A_1729, %get3A_1730] {strides = array<i32>} : memref<128x128xf32, #tpu.memory_space<vmem>>, vector<16xf32>,
        %mul3A_1732 = vector.broadcast %squeeze3A_1712 : f32 to vector<16xf32>
        %mul3A_1733 = arith.mulf %get3A_1731, %mul3A_1732 : vector<16xf32>
        %swap3A_1734 = arith.index_cast %add3A_1710 : i32 to index
        %swap3A_1735 = arith.constant 32 : index
        %swap3A_1736 = tpu.vector_load %arg12[%swap3A_1734, %swap3A_1735] {strides = array<i32>} : memref<128x128xf32, #tpu.memory_space<vmem>>, vector<16xf32>,
        tpu.vector_store %arg12[%swap3A_1734, %swap3A_1735], %mul3A_1733 {strides = array<i32>} : memref<128x128xf32, #tpu.memory_space<vmem>>, vector<16xf32>,
        %get3A_1737 = arith.index_cast %add3A_1710 : i32 to index
        %get3A_1738 = arith.constant 48 : index
        %get3A_1739 = tpu.vector_load %arg12[%get3A_1737, %get3A_1738] {strides = array<i32>} : memref<128x128xf32, #tpu.memory_space<vmem>>, vector<16xf32>,
        %mul3A_1740 = vector.broadcast %squeeze3A_1712 : f32 to vector<16xf32>
        %mul3A_1741 = arith.mulf %get3A_1739, %mul3A_1740 : vector<16xf32>
        %swap3A_1742 = arith.index_cast %add3A_1710 : i32 to index
        %swap3A_1743 = arith.constant 48 : index
        %swap3A_1744 = tpu.vector_load %arg12[%swap3A_1742, %swap3A_1743] {strides = array<i32>} : memref<128x128xf32, #tpu.memory_space<vmem>>, vector<16xf32>,
        tpu.vector_store %arg12[%swap3A_1742, %swap3A_1743], %mul3A_1741 {strides = array<i32>} : memref<128x128xf32, #tpu.memory_space<vmem>>, vector<16xf32>,
        %get3A_1745 = arith.index_cast %add3A_1710 : i32 to index
        %get3A_1746 = arith.constant 64 : index
        %get3A_1747 = tpu.vector_load %arg12[%get3A_1745, %get3A_1746] {strides = array<i32>} : memref<128x128xf32, #tpu.memory_space<vmem>>, vector<16xf32>,
        %mul3A_1748 = vector.broadcast %squeeze3A_1712 : f32 to vector<16xf32>
        %mul3A_1749 = arith.mulf %get3A_1747, %mul3A_1748 : vector<16xf32>
        %swap3A_1750 = arith.index_cast %add3A_1710 : i32 to index
        %swap3A_1751 = arith.constant 64 : index
        %swap3A_1752 = tpu.vector_load %arg12[%swap3A_1750, %swap3A_1751] {strides = array<i32>} : memref<128x128xf32, #tpu.memory_space<vmem>>, vector<16xf32>,
        tpu.vector_store %arg12[%swap3A_1750, %swap3A_1751], %mul3A_1749 {strides = array<i32>} : memref<128x128xf32, #tpu.memory_space<vmem>>, vector<16xf32>,
        %get3A_1753 = arith.index_cast %add3A_1710 : i32 to index
        %get3A_1754 = arith.constant 80 : index
        %get3A_1755 = tpu.vector_load %arg12[%get3A_1753, %get3A_1754] {strides = array<i32>} : memref<128x128xf32, #tpu.memory_space<vmem>>, vector<16xf32>,
        %mul3A_1756 = vector.broadcast %squeeze3A_1712 : f32 to vector<16xf32>
        %mul3A_1757 = arith.mulf %get3A_1755, %mul3A_1756 : vector<16xf32>
        %swap3A_1758 = arith.index_cast %add3A_1710 : i32 to index
        %swap3A_1759 = arith.constant 80 : index
        %swap3A_1760 = tpu.vector_load %arg12[%swap3A_1758, %swap3A_1759] {strides = array<i32>} : memref<128x128xf32, #tpu.memory_space<vmem>>, vector<16xf32>,
        tpu.vector_store %arg12[%swap3A_1758, %swap3A_1759], %mul3A_1757 {strides = array<i32>} : memref<128x128xf32, #tpu.memory_space<vmem>>, vector<16xf32>,
        %get3A_1761 = arith.index_cast %add3A_1710 : i32 to index
        %get3A_1762 = arith.constant 96 : index
        %get3A_1763 = tpu.vector_load %arg12[%get3A_1761, %get3A_1762] {strides = array<i32>} : memref<128x128xf32, #tpu.memory_space<vmem>>, vector<16xf32>,
        %mul3A_1764 = vector.broadcast %squeeze3A_1712 : f32 to vector<16xf32>
        %mul3A_1765 = arith.mulf %get3A_1763, %mul3A_1764 : vector<16xf32>
        %swap3A_1766 = arith.index_cast %add3A_1710 : i32 to index
        %swap3A_1767 = arith.constant 96 : index
        %swap3A_1768 = tpu.vector_load %arg12[%swap3A_1766, %swap3A_1767] {strides = array<i32>} : memref<128x128xf32, #tpu.memory_space<vmem>>, vector<16xf32>,
        tpu.vector_store %arg12[%swap3A_1766, %swap3A_1767], %mul3A_1765 {strides = array<i32>} : memref<128x128xf32, #tpu.memory_space<vmem>>, vector<16xf32>,
        %get3A_1769 = arith.index_cast %add3A_1710 : i32 to index
        %get3A_1770 = arith.constant 112 : index
        %get3A_1771 = tpu.vector_load %arg12[%get3A_1769, %get3A_1770] {strides = array<i32>} : memref<128x128xf32, #tpu.memory_space<vmem>>, vector<16xf32>,
        %mul3A_1772 = vector.broadcast %squeeze3A_1712 : f32 to vector<16xf32>
        %mul3A_1773 = arith.mulf %get3A_1771, %mul3A_1772 : vector<16xf32>
        %swap3A_1774 = arith.index_cast %add3A_1710 : i32 to index
        %swap3A_1775 = arith.constant 112 : index
        %swap3A_1776 = tpu.vector_load %arg12[%swap3A_1774, %swap3A_1775] {strides = array<i32>} : memref<128x128xf32, #tpu.memory_space<vmem>>, vector<16xf32>,
        tpu.vector_store %arg12[%swap3A_1774, %swap3A_1775], %mul3A_1773 {strides = array<i32>} : memref<128x128xf32, #tpu.memory_space<vmem>>, vector<16xf32>,
        %mul3A_1777 = arith.constant 16 : i32
        %mul3A_1778 = arith.muli %scan3A_723, %mul3A_1777 : i32
        %add3A_1779 = arith.constant 15 : i32
        %add3A_1780 = arith.addi %mul3A_1778, %add3A_1779 : i32
        %slice3A_1781 = vector.extract_strided_slice %get3A_728 {offsets = [15], sizes = [1], strides = [1]} : vector<16xf32> to vector<1xf32>
        %squeeze3A_1782 = vector.extract %slice3A_1781[0] : f32 from vector<1xf32>
        %get3A_1783 = arith.index_cast %add3A_1780 : i32 to index
        %get3A_1784 = arith.constant 0 : index
        %get3A_1785 = tpu.vector_load %arg12[%get3A_1783, %get3A_1784] {strides = array<i32>} : memref<128x128xf32, #tpu.memory_space<vmem>>, vector<16xf32>,
        %mul3A_1786 = vector.broadcast %squeeze3A_1782 : f32 to vector<16xf32>
        %mul3A_1787 = arith.mulf %get3A_1785, %mul3A_1786 : vector<16xf32>
        %swap3A_1788 = arith.index_cast %add3A_1780 : i32 to index
        %swap3A_1789 = arith.constant 0 : index
        %swap3A_1790 = tpu.vector_load %arg12[%swap3A_1788, %swap3A_1789] {strides = array<i32>} : memref<128x128xf32, #tpu.memory_space<vmem>>, vector<16xf32>,
        tpu.vector_store %arg12[%swap3A_1788, %swap3A_1789], %mul3A_1787 {strides = array<i32>} : memref<128x128xf32, #tpu.memory_space<vmem>>, vector<16xf32>,
        %get3A_1791 = arith.index_cast %add3A_1780 : i32 to index
        %get3A_1792 = arith.constant 16 : index
        %get3A_1793 = tpu.vector_load %arg12[%get3A_1791, %get3A_1792] {strides = array<i32>} : memref<128x128xf32, #tpu.memory_space<vmem>>, vector<16xf32>,
        %mul3A_1794 = vector.broadcast %squeeze3A_1782 : f32 to vector<16xf32>
        %mul3A_1795 = arith.mulf %get3A_1793, %mul3A_1794 : vector<16xf32>
        %swap3A_1796 = arith.index_cast %add3A_1780 : i32 to index
        %swap3A_1797 = arith.constant 16 : index
        %swap3A_1798 = tpu.vector_load %arg12[%swap3A_1796, %swap3A_1797] {strides = array<i32>} : memref<128x128xf32, #tpu.memory_space<vmem>>, vector<16xf32>,
        tpu.vector_store %arg12[%swap3A_1796, %swap3A_1797], %mul3A_1795 {strides = array<i32>} : memref<128x128xf32, #tpu.memory_space<vmem>>, vector<16xf32>,
        %get3A_1799 = arith.index_cast %add3A_1780 : i32 to index
        %get3A_1800 = arith.constant 32 : index
        %get3A_1801 = tpu.vector_load %arg12[%get3A_1799, %get3A_1800] {strides = array<i32>} : memref<128x128xf32, #tpu.memory_space<vmem>>, vector<16xf32>,
        %mul3A_1802 = vector.broadcast %squeeze3A_1782 : f32 to vector<16xf32>
        %mul3A_1803 = arith.mulf %get3A_1801, %mul3A_1802 : vector<16xf32>
        %swap3A_1804 = arith.index_cast %add3A_1780 : i32 to index
        %swap3A_1805 = arith.constant 32 : index
        %swap3A_1806 = tpu.vector_load %arg12[%swap3A_1804, %swap3A_1805] {strides = array<i32>} : memref<128x128xf32, #tpu.memory_space<vmem>>, vector<16xf32>,
        tpu.vector_store %arg12[%swap3A_1804, %swap3A_1805], %mul3A_1803 {strides = array<i32>} : memref<128x128xf32, #tpu.memory_space<vmem>>, vector<16xf32>,
        %get3A_1807 = arith.index_cast %add3A_1780 : i32 to index
        %get3A_1808 = arith.constant 48 : index
        %get3A_1809 = tpu.vector_load %arg12[%get3A_1807, %get3A_1808] {strides = array<i32>} : memref<128x128xf32, #tpu.memory_space<vmem>>, vector<16xf32>,
        %mul3A_1810 = vector.broadcast %squeeze3A_1782 : f32 to vector<16xf32>
        %mul3A_1811 = arith.mulf %get3A_1809, %mul3A_1810 : vector<16xf32>
        %swap3A_1812 = arith.index_cast %add3A_1780 : i32 to index
        %swap3A_1813 = arith.constant 48 : index
        %swap3A_1814 = tpu.vector_load %arg12[%swap3A_1812, %swap3A_1813] {strides = array<i32>} : memref<128x128xf32, #tpu.memory_space<vmem>>, vector<16xf32>,
        tpu.vector_store %arg12[%swap3A_1812, %swap3A_1813], %mul3A_1811 {strides = array<i32>} : memref<128x128xf32, #tpu.memory_space<vmem>>, vector<16xf32>,
        %get3A_1815 = arith.index_cast %add3A_1780 : i32 to index
        %get3A_1816 = arith.constant 64 : index
        %get3A_1817 = tpu.vector_load %arg12[%get3A_1815, %get3A_1816] {strides = array<i32>} : memref<128x128xf32, #tpu.memory_space<vmem>>, vector<16xf32>,
        %mul3A_1818 = vector.broadcast %squeeze3A_1782 : f32 to vector<16xf32>
        %mul3A_1819 = arith.mulf %get3A_1817, %mul3A_1818 : vector<16xf32>
        %swap3A_1820 = arith.index_cast %add3A_1780 : i32 to index
        %swap3A_1821 = arith.constant 64 : index
        %swap3A_1822 = tpu.vector_load %arg12[%swap3A_1820, %swap3A_1821] {strides = array<i32>} : memref<128x128xf32, #tpu.memory_space<vmem>>, vector<16xf32>,
        tpu.vector_store %arg12[%swap3A_1820, %swap3A_1821], %mul3A_1819 {strides = array<i32>} : memref<128x128xf32, #tpu.memory_space<vmem>>, vector<16xf32>,
        %get3A_1823 = arith.index_cast %add3A_1780 : i32 to index
        %get3A_1824 = arith.constant 80 : index
        %get3A_1825 = tpu.vector_load %arg12[%get3A_1823, %get3A_1824] {strides = array<i32>} : memref<128x128xf32, #tpu.memory_space<vmem>>, vector<16xf32>,
        %mul3A_1826 = vector.broadcast %squeeze3A_1782 : f32 to vector<16xf32>
        %mul3A_1827 = arith.mulf %get3A_1825, %mul3A_1826 : vector<16xf32>
        %swap3A_1828 = arith.index_cast %add3A_1780 : i32 to index
        %swap3A_1829 = arith.constant 80 : index
        %swap3A_1830 = tpu.vector_load %arg12[%swap3A_1828, %swap3A_1829] {strides = array<i32>} : memref<128x128xf32, #tpu.memory_space<vmem>>, vector<16xf32>,
        tpu.vector_store %arg12[%swap3A_1828, %swap3A_1829], %mul3A_1827 {strides = array<i32>} : memref<128x128xf32, #tpu.memory_space<vmem>>, vector<16xf32>,
        %get3A_1831 = arith.index_cast %add3A_1780 : i32 to index
        %get3A_1832 = arith.constant 96 : index
        %get3A_1833 = tpu.vector_load %arg12[%get3A_1831, %get3A_1832] {strides = array<i32>} : memref<128x128xf32, #tpu.memory_space<vmem>>, vector<16xf32>,
        %mul3A_1834 = vector.broadcast %squeeze3A_1782 : f32 to vector<16xf32>
        %mul3A_1835 = arith.mulf %get3A_1833, %mul3A_1834 : vector<16xf32>
        %swap3A_1836 = arith.index_cast %add3A_1780 : i32 to index
        %swap3A_1837 = arith.constant 96 : index
        %swap3A_1838 = tpu.vector_load %arg12[%swap3A_1836, %swap3A_1837] {strides = array<i32>} : memref<128x128xf32, #tpu.memory_space<vmem>>, vector<16xf32>,
        tpu.vector_store %arg12[%swap3A_1836, %swap3A_1837], %mul3A_1835 {strides = array<i32>} : memref<128x128xf32, #tpu.memory_space<vmem>>, vector<16xf32>,
        %get3A_1839 = arith.index_cast %add3A_1780 : i32 to index
        %get3A_1840 = arith.constant 112 : index
        %get3A_1841 = tpu.vector_load %arg12[%get3A_1839, %get3A_1840] {strides = array<i32>} : memref<128x128xf32, #tpu.memory_space<vmem>>, vector<16xf32>,
        %mul3A_1842 = vector.broadcast %squeeze3A_1782 : f32 to vector<16xf32>
        %mul3A_1843 = arith.mulf %get3A_1841, %mul3A_1842 : vector<16xf32>
        %swap3A_1844 = arith.index_cast %add3A_1780 : i32 to index
        %swap3A_1845 = arith.constant 112 : index
        %swap3A_1846 = tpu.vector_load %arg12[%swap3A_1844, %swap3A_1845] {strides = array<i32>} : memref<128x128xf32, #tpu.memory_space<vmem>>, vector<16xf32>,
        tpu.vector_store %arg12[%swap3A_1844, %swap3A_1845], %mul3A_1843 {strides = array<i32>} : memref<128x128xf32, #tpu.memory_space<vmem>>, vector<16xf32>,
        %scan3A_1847 = arith.constant 0 : i32
        scf.yield %scan3A_1847 : i32
      }
      %scan3A_699 = arith.constant 8 : i32
      %dma_start3A_700 = arith.constant 0 : i32
      %dma_start3A_701 = tpu.memref_slice %arg11[%scan3A_537, %dma_start3A_700] : memref<79x128xi32, #tpu.memory_space<vmem>> -> memref<1x128xi32, #tpu.memory_space<vmem>>
      %dma_start3A_702 = tpu.memref_squeeze %dma_start3A_701 : memref<1x128xi32, #tpu.memory_space<vmem>> -> memref<128xi32, #tpu.memory_space<vmem>>
      %dma_start3A_703 = arith.constant 0 : i32
      %dma_start3A_704 = arith.constant 0 : i32
      %dma_start3A_705 = tpu.memref_slice %arg18[%dma_start3A_703, %dma_start3A_704] : memref<10240x128xf32, #tpu.memory_space<vmem_shared>> -> memref<10240x128xf32, #tpu.memory_space<vmem_shared>>
      tpu.enqueue_indirect_dma source(%arg12 : memref<128x128xf32, #tpu.memory_space<vmem>>) target(%dma_start3A_705 : memref<10240x128xf32, #tpu.memory_space<vmem_shared>>) offsets(%dma_start3A_702 : memref<128xi32, #tpu.memory_space<vmem>>) semaphore(%arg25 : memref<!tpu.dma_semaphore, #tpu.memory_space<semaphore_mem>>) {add = true}
      %dma_start3A_706 = arith.constant 0 : i32
      %dma_start3A_707 = tpu.memref_slice %arg11[%scan3A_537, %dma_start3A_706] : memref<79x128xi32, #tpu.memory_space<vmem>> -> memref<1x128xi32, #tpu.memory_space<vmem>>
      %dma_start3A_708 = tpu.memref_squeeze %dma_start3A_707 : memref<1x128xi32, #tpu.memory_space<vmem>> -> memref<128xi32, #tpu.memory_space<vmem>>
      %dma_start3A_709 = arith.constant 0 : i32
      %dma_start3A_710 = tpu.memref_slice %arg21[%dma_start3A_709] : memref<10240xf32, #tpu.memory_space<vmem_shared>> -> memref<10240xf32, #tpu.memory_space<vmem_shared>>
      tpu.enqueue_indirect_dma source(%arg15 : memref<128xf32, #tpu.memory_space<vmem>>) target(%dma_start3A_710 : memref<10240xf32, #tpu.memory_space<vmem_shared>>) offsets(%dma_start3A_708 : memref<128xi32, #tpu.memory_space<vmem>>) semaphore(%arg26 : memref<!tpu.dma_semaphore, #tpu.memory_space<semaphore_mem>>) {add = true}
      %dma_wait3A_711 = arith.constant 0 : i32
      %dma_wait3A_712 = tpu.memref_slice %arg11[%scan3A_537, %dma_wait3A_711] : memref<79x128xi32, #tpu.memory_space<vmem>> -> memref<1x128xi32, #tpu.memory_space<vmem>>
      %dma_wait3A_713 = tpu.memref_squeeze %dma_wait3A_712 : memref<1x128xi32, #tpu.memory_space<vmem>> -> memref<128xi32, #tpu.memory_space<vmem>>
      %dma_wait3A_714 = arith.constant 0 : i32
      %dma_wait3A_715 = tpu.memref_slice %arg21[%dma_wait3A_714] : memref<10240xf32, #tpu.memory_space<vmem_shared>> -> memref<10240xf32, #tpu.memory_space<vmem_shared>>
      tpu.wait_indirect_dma semaphore(%arg26 : memref<!tpu.dma_semaphore, #tpu.memory_space<semaphore_mem>>) src(%arg15 : memref<128xf32, #tpu.memory_space<vmem>>) dst(%dma_wait3A_715 : memref<10240xf32, #tpu.memory_space<vmem_shared>>)
      %dma_wait3A_716 = arith.constant 0 : i32
      %dma_wait3A_717 = tpu.memref_slice %arg11[%scan3A_537, %dma_wait3A_716] : memref<79x128xi32, #tpu.memory_space<vmem>> -> memref<1x128xi32, #tpu.memory_space<vmem>>
      %dma_wait3A_718 = tpu.memref_squeeze %dma_wait3A_717 : memref<1x128xi32, #tpu.memory_space<vmem>> -> memref<128xi32, #tpu.memory_space<vmem>>
      %dma_wait3A_719 = arith.constant 0 : i32
      %dma_wait3A_720 = arith.constant 0 : i32
      %dma_wait3A_721 = tpu.memref_slice %arg18[%dma_wait3A_719, %dma_wait3A_720] : memref<10240x128xf32, #tpu.memory_space<vmem_shared>> -> memref<10240x128xf32, #tpu.memory_space<vmem_shared>>
      tpu.wait_indirect_dma semaphore(%arg25 : memref<!tpu.dma_semaphore, #tpu.memory_space<semaphore_mem>>) src(%arg12 : memref<128x128xf32, #tpu.memory_space<vmem>>) dst(%dma_wait3A_721 : memref<10240x128xf32, #tpu.memory_space<vmem_shared>>)
      %scan3A_722 = arith.constant 0 : i32
      scf.yield %scan3A_722 : i32
    }
    %scan3A_535 = arith.constant 79 : i32
    %barrier3A_536 = arith.constant 0 : index
    tpu.barrier barrier_id(%barrier3A_536)
    "tpu.region"() ({
      %run_scoped3A = tpu.sem_alloc : memref<!tpu.dma_semaphore, #tpu.memory_space<semaphore_mem>>
      %dma_start3A = tpu.memref_slice %arg9[%arg0, %mul3A_3] : memref<2x10240xf32, #tpu.memory_space<hbm>> -> memref<1x640xf32, #tpu.memory_space<hbm>>
      %dma_start3A_537 = tpu.memref_squeeze %dma_start3A : memref<1x640xf32, #tpu.memory_space<hbm>> -> memref<640xf32, #tpu.memory_space<hbm>>
      %dma_start3A_538 = tpu.memref_slice %arg21[%mul3A_3] : memref<10240xf32, #tpu.memory_space<vmem_shared>> -> memref<640xf32, #tpu.memory_space<vmem_shared>>
      tpu.enqueue_dma source(%dma_start3A_538 : memref<640xf32, #tpu.memory_space<vmem_shared>>) target(%dma_start3A_537 : memref<640xf32, #tpu.memory_space<hbm>>) target_semaphore(%run_scoped3A : memref<!tpu.dma_semaphore, #tpu.memory_space<semaphore_mem>>)
      %dma_wait3A = tpu.memref_slice %arg9[%arg0, %mul3A_3] : memref<2x10240xf32, #tpu.memory_space<hbm>> -> memref<1x640xf32, #tpu.memory_space<hbm>>
      %dma_wait3A_539 = tpu.memref_squeeze %dma_wait3A : memref<1x640xf32, #tpu.memory_space<hbm>> -> memref<640xf32, #tpu.memory_space<hbm>>
      %dma_wait3A_540 = tpu.memref_slice %arg21[%mul3A_3] : memref<10240xf32, #tpu.memory_space<vmem_shared>> -> memref<640xf32, #tpu.memory_space<vmem_shared>>
      tpu.wait_dma2 semaphore(%run_scoped3A : memref<!tpu.dma_semaphore, #tpu.memory_space<semaphore_mem>>) src(%dma_wait3A_540 : memref<640xf32, #tpu.memory_space<vmem_shared>>) dst(%dma_wait3A_539 : memref<640xf32, #tpu.memory_space<hbm>>)
      tpu.yield
    }) : () -> ()
    "tpu.region"() ({
      %run_scoped3A = tpu.sem_alloc : memref<!tpu.dma_semaphore, #tpu.memory_space<semaphore_mem>>
      %dma_start3A = arith.constant 0 : i32
      %dma_start3A_537 = tpu.memref_slice %arg8[%arg0, %mul3A_3, %dma_start3A] : memref<2x10240x128xf32, #tpu.memory_space<hbm>> -> memref<1x640x128xf32, #tpu.memory_space<hbm>>
      %dma_start3A_538 = tpu.memref_squeeze %dma_start3A_537 : memref<1x640x128xf32, #tpu.memory_space<hbm>> -> memref<640x128xf32, #tpu.memory_space<hbm>>
      %dma_start3A_539 = arith.constant 0 : i32
      %dma_start3A_540 = tpu.memref_slice %arg18[%mul3A_3, %dma_start3A_539] : memref<10240x128xf32, #tpu.memory_space<vmem_shared>> -> memref<640x128xf32, #tpu.memory_space<vmem_shared>>
      tpu.enqueue_dma source(%dma_start3A_540 : memref<640x128xf32, #tpu.memory_space<vmem_shared>>) target(%dma_start3A_538 : memref<640x128xf32, #tpu.memory_space<hbm>>) target_semaphore(%run_scoped3A : memref<!tpu.dma_semaphore, #tpu.memory_space<semaphore_mem>>)
      %dma_wait3A = arith.constant 0 : i32
      %dma_wait3A_541 = tpu.memref_slice %arg8[%arg0, %mul3A_3, %dma_wait3A] : memref<2x10240x128xf32, #tpu.memory_space<hbm>> -> memref<1x640x128xf32, #tpu.memory_space<hbm>>
      %dma_wait3A_542 = tpu.memref_squeeze %dma_wait3A_541 : memref<1x640x128xf32, #tpu.memory_space<hbm>> -> memref<640x128xf32, #tpu.memory_space<hbm>>
      %dma_wait3A_543 = arith.constant 0 : i32
      %dma_wait3A_544 = tpu.memref_slice %arg18[%mul3A_3, %dma_wait3A_543] : memref<10240x128xf32, #tpu.memory_space<vmem_shared>> -> memref<640x128xf32, #tpu.memory_space<vmem_shared>>
      tpu.wait_dma2 semaphore(%run_scoped3A : memref<!tpu.dma_semaphore, #tpu.memory_space<semaphore_mem>>) src(%dma_wait3A_544 : memref<640x128xf32, #tpu.memory_space<vmem_shared>>) dst(%dma_wait3A_542 : memref<640x128xf32, #tpu.memory_space<hbm>>)
      tpu.yield
    }) : () -> ()
    return
  }
}

</mosaic_0001>

<sc_bundles>
// kernel: _edge_stage.3.cloned.1.call-start
scs
__scs_entry_jumppad:
0x0: {  	(pc) =	sbr.rel $0x88, $3  }
0x1: {  	(tag) =	ssettag $0x0;
	lr =	simm.s32 $0x1  }
0x2: {  	[smem:$0x3F9B] =	sst lr;
	_ =	strace $0xD0000000  }
0x3: {  	_ = 	snop  }
0x4: {  	_ = 	snop  }
0x5: {  	_ = 	snop  }
0x6: {  	_ = 	snop  }
0x7: {  	_ = 	snop  }
__scs_overlays_trampoline_lowered:
0x8: {  	[smem:$0x3FAA] =	sst s0  }
0x9: {  	[smem:$0x3FAB] =	sst s1  }
0xa: {  	[smem:$0x3FAC] =	sst s2  }
0xb: {  	[smem:$0x3FAD] =	sst s3  }
0xc: {  	[smem:$0x3FAE] =	sst s4  }
0xd: {  	[smem:$0x3FAF] =	sst s5  }
0xe: {  	[smem:$0x3FB0] =	sst s6  }
0xf: {  	[smem:$0x3FB1] =	sst s7  }
0x10: {  	[smem:$0x3FB2] =	sst s8  }
0x11: {  	[smem:$0x3FB3] =	sst s9;
	s0 =	simm.s32 @!p0 $0x0  }
0x12: {  	s1 =	sld [smem:$0x3F99];
	s0 =	simm.s32 @p0 $0x1  }
0x13: {  	[smem:$0x3FB4] =	sst s0;
	s0 =	simm.s32 @!p1 $0x0  }
0x14: {  	s2 =	sld [smem:$0x3F98];
	s0 =	simm.s32 @p1 $0x1  }
0x15: {  	[smem:$0x3FB5] =	sst s0;
	s0 =	simm.s32 @!p2 $0x0  }
0x16: {  	s3 =	sld [smem:$0x3FDB];
	s0 =	simm.s32 @p2 $0x1  }
0x17: {  	s4 =	simm.s32 $0x1BF5;
	[smem:$0x3FB7] =	sst s0  }
0x18: {  	s0 =	sld [smem:$0x3F9A];
	_ =	swait.ge [sflag:s4], $0x0  }
0x19: {  	s7 =	sld [smem:$0x3F9B]  }
0x1a: {  	s8 =	sadd.s32 $0xFFFFE003, lr  }
0x1b: {  	s9 =	sadd.s32 $0xFFFFFEF7, lr;
	s5 =	simm.s32 $0xFFFFFFFF;
	p2 =	slt.u32 s8, $0xFFFFF086  }
0x1c: {  	p1 =	slt.u32 s9, $0xF7A;
	s5 =	simm.s32 @!p2 $0x0  }
0x1d: {  	s5 =	simm.s32 @p1 $0x1;
	p0 =	seq.s32 s7, s2  }
0x1e: {  	s7 =	smul.u32 @!p0 $0xF7A, s2;
	p2 =	seq.s32 @!p0 s5, $0x0  }
0x1f: {  	s9 =	smul.u32 $0xF7A, s1;
	s8 =	simm.s32 @!p0 $0x1BF5;
	p2 =	por !p2, p0  }
0x20: {  	[sflag:s8] =	ssyncset.s32 @!p0 $0xFFFFF086;
	s6 =	sadd.s32 @!p0 s3, s7;
	s7 =	simm.s32 @!p0 $0x108  }
0x21: {  	s3 =	sadd.s32 s3, s9;
	s6 =	sadd.s32 @!p0 $0x88, s6;
	s7 =	simm.s32 @p2 $0x1082  }
0x22: {  	[simem:s7], [sflag:s8] =	dma.local @!p0 [hbm:s6], $0xF7A  }
0x23: {  	s9 =	sor.u32 $0xD0000000, s2;
	s6 =	simm.s32 $0x108;
	_ =	swait.ge @!p0 [sflag:s8], $0x0  }
0x24: {  	s3 =	sadd.s32 $0x88, s3;
	s6 =	simm.s32 @!p1 $0x1082;
	[sflag:s4] =	ssyncset.s32 $0xFFFFF086  }
0x25: {  	[simem:s6], [sflag:s4] =	dma.local [hbm:s3], $0xF7A  }
0x26: {  	[smem:$0x3F9B] =	sst s1;
	(tag) =	ssettag s2;
	_ =	strace s9  }
0x27: {  	s1 =	sld [smem:$0x3FAB]  }
0x28: {  	s2 =	sld [smem:$0x3FAC]  }
0x29: {  	s4 =	sld [smem:$0x3FAE]  }
0x2a: {  	p0 =	seq.s32 s5, $0x0;
	s5 =	sld [smem:$0x3FAF]  }
0x2b: {  	s6 =	sld [smem:$0x3FB0]  }
0x2c: {  	s7 =	sld [smem:$0x3FB1]  }
0x2d: {  	s3 =	simm.s32 $0x108;
	s8 =	sld [smem:$0x3FB2]  }
0x2e: {  	s3 =	simm.s32 @!p0 $0x1082;
	s9 =	sld [smem:$0x3FB3]  }
0x2f: {  	lr =	sadd.s32 s0, s3;
	s0 =	sld [smem:$0x3FAA]  }
0x30: {  	s3 =	sld [smem:$0x3FAD]  }
0x31: {  	[smem:$0x3FB6] =	sst s10  }
0x32: {  	s10 =	sld [smem:$0x3FB4];
	_ =	sdelay $0x3  }
0x33: {  	p0 =	seq.s32 s10, $0x1;
	s10 =	sld [smem:$0x3FB6];
	_ =	sdelay $0x3  }
0x34: {  	[smem:$0x3FB6] =	sst s10  }
0x35: {  	s10 =	sld [smem:$0x3FB5];
	_ =	sdelay $0x3  }
0x36: {  	p1 =	seq.s32 s10, $0x1;
	s10 =	sld [smem:$0x3FB6];
	_ =	sdelay $0x3  }
0x37: {  	[smem:$0x3FB6] =	sst s10  }
0x38: {  	s10 =	sld [smem:$0x3FB7]  }
0x39: {  	_ = 	snop;
	(pc) =	sbr.ind lr, $3  }
0x3a: {  	_ = 	snop  }
0x3b: {  	_ = 	snop  }
0x3c: {  	p2 =	seq.s32 s10, $0x1;
	s10 =	sld [smem:$0x3FB6]  }
0x3d: {  	_ =	shalt  }
0x3e: {  	_ =	shalt  }
0x3f: {  	_ =	shalt  }
0x40: {  	_ =	shalt  }
0x41: {  	_ =	shalt  }
0x42: {  	_ =	shalt  }
0x43: {  	_ =	shalt  }
0x44: {  	_ =	shalt  }
0x45: {  	_ =	shalt  }
0x46: {  	_ =	shalt  }
0x47: {  	_ =	shalt  }
0x48: {  	_ =	shalt  }
0x49: {  	_ =	shalt  }
0x4a: {  	_ =	shalt  }
0x4b: {  	_ =	shalt  }
0x4c: {  	_ =	shalt  }
0x4d: {  	_ =	shalt  }
0x4e: {  	_ =	shalt  }
0x4f: {  	_ =	shalt  }
0x50: {  	_ =	shalt  }
0x51: {  	_ =	shalt  }
0x52: {  	_ =	shalt  }
0x53: {  	_ =	shalt  }
0x54: {  	_ =	shalt  }
0x55: {  	_ =	shalt  }
0x56: {  	_ =	shalt  }
0x57: {  	_ =	shalt  }
0x58: {  	_ =	shalt  }
0x59: {  	_ =	shalt  }
0x5a: {  	_ =	shalt  }
0x5b: {  	_ =	shalt  }
0x5c: {  	_ =	shalt  }
0x5d: {  	_ =	shalt  }
0x5e: {  	_ =	shalt  }
0x5f: {  	_ =	shalt  }
0x60: {  	_ =	shalt  }
0x61: {  	_ =	shalt  }
0x62: {  	_ =	shalt  }
0x63: {  	_ =	shalt  }
0x64: {  	_ =	shalt  }
0x65: {  	_ =	shalt  }
0x66: {  	_ =	shalt  }
0x67: {  	_ =	shalt  }
0x68: {  	_ =	shalt  }
0x69: {  	_ =	shalt  }
0x6a: {  	_ =	shalt  }
0x6b: {  	_ =	shalt  }
0x6c: {  	_ =	shalt  }
0x6d: {  	_ =	shalt  }
0x6e: {  	_ =	shalt  }
0x6f: {  	_ =	shalt  }
0x70: {  	_ =	shalt  }
0x71: {  	_ =	shalt  }
0x72: {  	_ =	shalt  }
0x73: {  	_ =	shalt  }
0x74: {  	_ =	shalt  }
0x75: {  	_ =	shalt  }
0x76: {  	_ =	shalt  }
0x77: {  	_ =	shalt  }
0x78: {  	_ =	shalt  }
0x79: {  	_ =	shalt  }
0x7a: {  	_ =	shalt  }
0x7b: {  	_ =	shalt  }
0x7c: {  	_ =	shalt  }
0x7d: {  	_ =	shalt  }
0x7e: {  	_ =	shalt  }
0x7f: {  	_ =	shalt  }
0x80: {  	_ =	shalt  }
0x81: {  	_ =	shalt  }
0x82: {  	_ =	shalt  }
0x83: {  	_ =	shalt  }
0x84: {  	_ =	shalt  }
0x85: {  	_ =	shalt  }
0x86: {  	_ =	shalt  }
0x87: {  	_ =	shalt  }
.Lfunc_end0:
.L_simem_size_0:
called_computation_lowered:
.L_overlay_start_0:
0x88: {  	s2 =	sld [smem:$0x3FD9]  }
0x89: {  	s3 =	sld [smem:$0x3FFE];
	_ =	sdelay $0x1  }
0x8a: {  	s1 =	srdreg.scid  }
0x8b: {  	s0 =	sand.u32 $0x1, s1  }
0x8c: {  	s14 =	sshll.u32 s0, $0xA;
	s2 =	sadd.s32 s3, s2  }
0x8d: {  	s2 =	sadd.s32 s2, s14  }
0x8e: {  	[smem:$0x3FC2] =	sst s2  }
0x8f: {  	_ = 	snop  }
0x90: {  	s2 =	sld [smem:$0x3FC7]  }
0x91: {  	s15 =	sld [smem:$0x3FD0]  }
0x92: {  	s4 =	sld [smem:$0x3FC6]  }
0x93: {  	s5 =	sld [smem:$0x3FC5]  }
0x94: {  	s7 =	simm.s32 $0xA;
	s8 =	simm.s32 $0x10;
	s6 =	sld [smem:$0x3FC4]  }
0x95: {  	[smem:s8], [sflag:s7] =	dma.local [hbm:s15], $0x1  }
0x96: {  	_ =	swait.eq [sflag:s7], $0x1  }
0x97: {  	[sflag:s7] =	ssyncset.done $0x0  }
0x98: {  	s16 =	sld [smem:$0x10];
	[sflag:s7] =	ssyncadd.s32 $0xFFFFFFFF  }
0x99: {  	s17 =	sld [smem:$0x11];
	(tm) =	ssettm $0x1  }
0x9a: {  	s18 =	sld [smem:$0x3FFB];
	_ =	sdelay $0x3  }
0x9b: {  	_ =	strace s18  }
0x9c: {  	s8 =	sld [smem:$0x3FFC];
	_ =	sdelay $0x3  }
0x9d: {  	_ =	strace s8  }
0x9e: {  	s8 =	sld [smem:$0x3FFD];
	_ =	sdelay $0x3  }
0x9f: {  	_ =	strace s8  }
0xa0: {  	_ =	strace $0x8FFFFFFF  }
0xa1: {  	s19 =	sld [smem:$0x3FDB];
	_ =	sdelay $0x1  }
0xa2: {  	s9 =	simm.s32 $_scs_section_size  }
0xa3: {  	s10 =	simm.s32 $_size__tile_overlayer_lowered;
	s11 =	simm.s32 $_tile_overlayer_lowered  }
0xa4: {  	s22 =	simm.s32 $0x1BFF;
	s21 =	sshll.u32 s11, $0x1;
	s8 =	sadd.s32 s9, s19  }
0xa5: {  	s12 =	simm.s32 $0x0;
	s20 =	sshll.u32 s10, $0x1;
	s10 =	sadd.s32 s21, s8  }
0xa6: {  	[timem:s12], [sflag:s22] =	dma.local [hbm:s10], s20  }
0xa7: {  	_ =	swait.ge [sflag:s22], s20  }
0xa8: {  	s9 =	ssub.s32 $0x0, s20;
	[sflag:s22] =	ssyncset.done $0x0  }
0xa9: {  	[sflag:s22] =	ssyncadd.s32 s9;
	_ =	sdelay $0x1  }
0xaa: {  	s23 =	simm.s32 $0x1B8B  }
0xab: {  	_ =	swait.ge [sflag:s23], $0x1  }
0xac: {  	[sflag:s23] =	ssyncset.done $0x0  }
0xad: {  	s25 =	simm.s32 $0x1B8E;
	s24 =	sld [smem:$0x3FFE];
	[sflag:s23] =	ssyncadd.s32 $0xFFFFFFFF  }
0xae: {  	s26 =	simm.s32 $execute0_lowered;
	[smem:$0x3FD2] =	sst s25  }
0xaf: {  	s10 =	sshll.u32 s26, $0x1;
	_ =	strace $0x80000046;
	[dreg:$0x1] =	wrdreg $0xFFFFFFFF  }
0xb0: {  	s28 =	simm.s32 $_size_execute0_lowered;
	s8 =	sadd.s32 s8, s10;
	[dreg:$0x0] =	wrdreg $0x0  }
0xb1: {  	s10 =	sshll.u32 s28, $0x1;
	[dreg:$0x2] =	wrdreg s8  }
0xb2: {  	[dreg:$0x3] =	wrdreg s10  }
0xb3: {  	[dreg:$0x4] =	wrdreg $0xC0  }
0xb4: {  	_ =	task [dreg:s12], $0x5FFFF  }
0xb5: {  	[dreg:$0x1] =	wrdreg $0xFFFFFFFF  }
0xb6: {  	[dreg:$0x0] =	wrdreg $0x60  }
0xb7: {  	[dreg:$0x2] =	wrdreg s24  }
0xb8: {  	[dreg:$0x3] =	wrdreg s2  }
0xb9: {  	[dreg:$0x4] =	wrdreg s4  }
0xba: {  	[dreg:$0x5] =	wrdreg s5  }
0xbb: {  	[dreg:$0x6] =	wrdreg s6  }
0xbc: {  	[dreg:$0x7] =	wrdreg s16  }
0xbd: {  	[dreg:$0x8] =	wrdreg s17  }
0xbe: {  	[dreg:$0x9] =	wrdreg $0x94800  }
0xbf: {  	[dreg:$0xa] =	wrdreg $0x1D4800  }
0xc0: {  	[dreg:$0xb] =	wrdreg $0x1D7000  }
0xc1: {  	[dreg:$0xc] =	wrdreg $0x1D9800  }
0xc2: {  	[dreg:$0xd] =	wrdreg $0x9  }
0xc3: {  	_ =	task.clear_ibuf [dreg:s12], $0xEFFFF;
	_ =	strace $0x90000046  }
0xc4: {  	s29 =	simm.s32 $0x9;
	_ =	strace $0x80000048  }
0xc5: {  	_ =	swait.ge [sflag:s29], $0x1  }
0xc6: {  	[sflag:s29] =	ssyncadd.s32 $0xFFFFFFFF  }
0xc7: {  	_ =	strace $0x90000048  }
0xc8: {  	_ =	sfence  }
0xc9: {  	s30 =	sld [smem:$0x0];
	_ =	sdelay $0x2  }
0xca: {  	s31 =	sshll.u32 s1, $0xD;
	s1 =	sshrl.u32 s1, $0x2  }
0xcb: {  	s3 =	sand.u32 $0x4000, s31;
	s1 =	sadd.s32 s1, s30  }
0xcc: {  	s0 =	sor.u32 s3, s0;
	s1 =	sshll.u32 s1, $0x11  }
0xcd: {  	s0 =	sor.u32 s1, s0  }
0xce: {  	s0 =	sadd.s32 $0x8F2B, s0  }
0xcf: {  	[sflag:s0] =	ssyncadd.remote.s32 $0x1  }
0xd0: {  	_ =	sfence.sel $0xFFFF  }
0xd1: {  	[dreg:$0x0] =	wrdreg $0xFFFFFFFF;
	(pc) =	sbr.abs _section_cstart, $3  }
0xd2: {  	[dreg:$0x1] =	wrdreg $0xFFFFFFFF  }
0xd3: {  	_ =	task.clear_ibuf [dreg:s12], $0x2FFFF;
	_ =	strace $0x9FFFFFFF  }
0xd4: {  	(tm) =	ssettm $0x7FFFFFFF  }
0xd5: {  	_ =	shalt  }
tec
execute0_lowered:
.L_overlay_start_1:
0x0: {  	(tag) =	ssettag $0x1  }
0x1: {  	s1 =	rddreg [dreg:$0x0]  }
0x2: {  	s4 =	rddreg [dreg:$0x1]  }
0x3: {  	s5 =	rddreg [dreg:$0x2]  }
0x4: {  	s0 =	rddreg [dreg:$0x3]  }
0x5: {  	s9 =	rddreg [dreg:$0x5]  }
0x6: {  	s10 =	rddreg [dreg:$0x6]  }
0x7: {  	s2 =	rddreg [dreg:$0x7]  }
0x8: {  	s3 =	rddreg [dreg:$0x8];
	s7 =	srdreg.scid  }
0x9: {  	s6 =	rddreg [dreg:$0x9];
	s20 =	stileid.u32;
	s8 =	simm.s32 $0x0  }
0xa: {  	s28 =	simm.s32 $0x9000;
	s29 =	simm.s32 $0x9080;
	s30 =	simm.s32 $0x2  }
0xb: {  	s11 =	sand.u32 $0x1, s7;
	s7 =	rddreg [dreg:$0xa];
	s15 =	smul.u32 $0x280, s20  }
0xc: {  	s31 =	simm.s32 $0x3;
	[smem:$0x7FF] =	sst s8;
	s18 =	smul.u32 $0x500, s20  }
0xd: {  	s16 =	smul.u32 $0x14000, s20;
	s26 =	sshll.u32 s20, $0x6;
	s12 =	sshll.u32 s11, $0x4  }
0xe: {  	s13 =	ssub.s32 $0x2, s11;
	_ =	strace $0x80000047;
	s22 =	smul.u32 $0x140000, s11  }
0xf: {  	s11 =	sshll.u32 s11, $0x7;
	s12 =	sor.u32 s20, s12;
	s14 =	sshrl.u32 s13, $0x1  }
0x10: {  	s19 =	sadd.s32 s15, s3;
	s21 =	sshrl.u32 s15, $0x3;
	s12 =	smul.u32 $0x500, s12  }
0x11: {  	s23 =	sadd.s32 s15, s6;
	s17 =	ssub.s32 s13, s14;
	s14 =	smul.u32 $0x50000, s20  }
0x12: {  	s4 =	sadd.s32 s4, s21;
	s5 =	sadd.s32 s5, s21;
	s25 =	sadd.s32 s16, s22  }
0x13: {  	s21 =	sor.u32 $0x1C06, s26;
	s22 =	sshrl.u32 s19, $0x3;
	s23 =	sshrl.u32 s23, $0x3  }
0x14: {  	s26 =	simm.s32 $0x80;
	s19 =	simm.s32 $0x4;
	[dreg:$0xe] =	wrdreg s4  }
0x15: {  	s20 =	simm.s32 $0x0;
	[dreg:$0xf] =	wrdreg s5;
	s5 =	sshrl.u32 s25, $0x3  }
0x16: {  	s17 =	smax.u32 s17, $0x1;
	s4 =	simm.s32 $0x1;
	s1 =	sadd.s32 s12, s1  }
0x17: {  	s24 =	sshrl.u32 s14, $0x2;
	s14 =	sadd.s32 s15, s7;
	s16 =	sadd.s32 s9, s5  }
0x18: {  	s5 =	simm.s32 $0x9100;
	s12 =	sadd.s32 $0x800, s1;
	s1 =	sadd.s32 $0xA800, s1  }
0x19: {  	s13 =	sadd.s32 s24, s2;
	[dreg:$0xd] =	wrdreg s1;
	s1 =	sor.u32 s11, s18  }
0x1a: {  	s24 =	simm.s32 $0x5000;
	[dreg:$0xc] =	wrdreg s12;
	s1 =	sshrl.u32 s1, $0x3  }
0x1b: {  	v0 =	vimm.f32 $0.0e+00;
	s18 =	simm.s32 $0x6;
	s15 =	sadd.s32 s10, s1;
	s1 =	simm.s32 $0x5  }
.LBB2_1:
0x1c: {  	s9 =	rddreg [dreg:$0xc]  }
0x1d: {  	[tilespmem:s8], [sflag:$0x6] =	stream.linear.gather [hbm4b:s9+s8], $0x2780, $0x38;
	[tilespmem:$0x1DC00] =	vst v63  }
0x1e: {  	_ =	swait.ge [sflag:s18], $0x2780  }
0x1f: {  	[sflag:s18] =	ssyncset.done $0x0  }
0x20: {  	s10 =	simm.s32 $0x2800;
	s11 =	rddreg [dreg:$0xd];
	[sflag:s18] =	ssyncadd.s32 $0xFFFFD880  }
0x21: {  	[tilespmem:s10], [sflag:$0x6] =	stream.linear.gather [hbm4b:s11+s8], $0x2780, $0x38;
	[tilespmem:$0x1DC00] =	vst v63  }
0x22: {  	_ =	swait.ge [sflag:s18], $0x2780  }
0x23: {  	[sflag:s18] =	ssyncset.done $0x0  }
0x24: {  	[sflag:s18] =	ssyncadd.s32 $0xFFFFD880  }
0x25: {  	s25 =	simm.s32 $0x9400;
	s12 =	rddreg [dreg:$0x4]  }
0x26: {  	[tilespmem:s25], [sflag:$0x6] =	stream.linear.gather [hbm4b:s12+s8], $0x80, $0x38;
	[tilespmem:$0x1DC00] =	vst v63  }
0x27: {  	_ =	swait.ge [sflag:s18], $0x80  }
0x28: {  	[sflag:s18] =	ssyncset.done $0x0  }
0x29: {  	s11 =	rddreg [dreg:$0xe];
	[sflag:s18] =	ssyncadd.s32 $0xFFFFFF80  }
0x2a: {  	[spmem:s22], [sflag:s21] =	dma.local [hbm:s11], $0x50  }
0x2b: {  	_ =	swait.ge [sflag:s18], $0x50  }
0x2c: {  	[sflag:s18] =	ssyncset.done $0x0  }
0x2d: {  	s12 =	rddreg [dreg:$0xf];
	[sflag:s18] =	ssyncadd.s32 $0xFFFFFFB0  }
0x2e: {  	[spmem:s23], [sflag:s21] =	dma.local [hbm:s12], $0x50  }
0x2f: {  	_ =	swait.ge [sflag:s18], $0x50  }
0x30: {  	[sflag:s18] =	ssyncset.done $0x0  }
0x31: {  	[sflag:s18] =	ssyncadd.s32 $0xFFFFFFB0  }
0x32: {  	[tilespmem:$0x5000] =	vst v0  }
0x33: {  	[tilespmem:$0x5010] =	vst v0  }
0x34: {  	[tilespmem:$0x5020] =	vst v0  }
0x35: {  	[tilespmem:$0x5030] =	vst v0  }
0x36: {  	[tilespmem:$0x5040] =	vst v0  }
0x37: {  	[tilespmem:$0x5050] =	vst v0  }
0x38: {  	[tilespmem:$0x5060] =	vst v0  }
0x39: {  	[tilespmem:$0x5070] =	vst v0  }
0x3a: {  	[tilespmem:$0x5080] =	vst v0  }
0x3b: {  	[tilespmem:$0x5090] =	vst v0  }
0x3c: {  	[tilespmem:$0x50A0] =	vst v0  }
0x3d: {  	[tilespmem:$0x50B0] =	vst v0  }
0x3e: {  	[tilespmem:$0x50C0] =	vst v0  }
0x3f: {  	[tilespmem:$0x50D0] =	vst v0  }
0x40: {  	[tilespmem:$0x50E0] =	vst v0  }
0x41: {  	[tilespmem:$0x50F0] =	vst v0  }
0x42: {  	[tilespmem:$0x5100] =	vst v0  }
0x43: {  	[tilespmem:$0x5110] =	vst v0  }
0x44: {  	[tilespmem:$0x5120] =	vst v0  }
0x45: {  	[tilespmem:$0x5130] =	vst v0  }
0x46: {  	[tilespmem:$0x5140] =	vst v0  }
0x47: {  	[tilespmem:$0x5150] =	vst v0  }
0x48: {  	[tilespmem:$0x5160] =	vst v0  }
0x49: {  	[tilespmem:$0x5170] =	vst v0  }
0x4a: {  	[tilespmem:$0x5180] =	vst v0  }
0x4b: {  	[tilespmem:$0x5190] =	vst v0  }
0x4c: {  	[tilespmem:$0x51A0] =	vst v0  }
0x4d: {  	[tilespmem:$0x51B0] =	vst v0  }
0x4e: {  	[tilespmem:$0x51C0] =	vst v0  }
0x4f: {  	[tilespmem:$0x51D0] =	vst v0  }
0x50: {  	[tilespmem:$0x51E0] =	vst v0  }
0x51: {  	[tilespmem:$0x51F0] =	vst v0  }
0x52: {  	[tilespmem:$0x5200] =	vst v0  }
0x53: {  	[tilespmem:$0x5210] =	vst v0  }
0x54: {  	[tilespmem:$0x5220] =	vst v0  }
0x55: {  	[tilespmem:$0x5230] =	vst v0  }
0x56: {  	[tilespmem:$0x5240] =	vst v0  }
0x57: {  	[tilespmem:$0x5250] =	vst v0  }
0x58: {  	[tilespmem:$0x5260] =	vst v0  }
0x59: {  	[tilespmem:$0x5270] =	vst v0  }
0x5a: {  	[tilespmem:$0x5280] =	vst v0  }
0x5b: {  	[tilespmem:$0x5290] =	vst v0  }
0x5c: {  	[tilespmem:$0x52A0] =	vst v0  }
0x5d: {  	[tilespmem:$0x52B0] =	vst v0  }
0x5e: {  	[tilespmem:$0x52C0] =	vst v0  }
0x5f: {  	[tilespmem:$0x52D0] =	vst v0  }
0x60: {  	[tilespmem:$0x52E0] =	vst v0  }
0x61: {  	[tilespmem:$0x52F0] =	vst v0  }
0x62: {  	[tilespmem:$0x5300] =	vst v0  }
0x63: {  	[tilespmem:$0x5310] =	vst v0  }
0x64: {  	[tilespmem:$0x5320] =	vst v0  }
0x65: {  	[tilespmem:$0x5330] =	vst v0  }
0x66: {  	[tilespmem:$0x5340] =	vst v0  }
0x67: {  	[tilespmem:$0x5350] =	vst v0  }
0x68: {  	[tilespmem:$0x5360] =	vst v0  }
0x69: {  	[tilespmem:$0x5370] =	vst v0  }
0x6a: {  	[tilespmem:$0x5380] =	vst v0  }
0x6b: {  	[tilespmem:$0x5390] =	vst v0  }
0x6c: {  	[tilespmem:$0x53A0] =	vst v0  }
0x6d: {  	[tilespmem:$0x53B0] =	vst v0  }
0x6e: {  	[tilespmem:$0x53C0] =	vst v0  }
0x6f: {  	[tilespmem:$0x53D0] =	vst v0  }
0x70: {  	[tilespmem:$0x53E0] =	vst v0  }
0x71: {  	[tilespmem:$0x53F0] =	vst v0  }
0x72: {  	[tilespmem:$0x5400] =	vst v0  }
0x73: {  	[tilespmem:$0x5410] =	vst v0  }
0x74: {  	[tilespmem:$0x5420] =	vst v0  }
0x75: {  	[tilespmem:$0x5430] =	vst v0  }
0x76: {  	[tilespmem:$0x5440] =	vst v0  }
0x77: {  	[tilespmem:$0x5450] =	vst v0  }
0x78: {  	[tilespmem:$0x5460] =	vst v0  }
0x79: {  	[tilespmem:$0x5470] =	vst v0  }
0x7a: {  	[tilespmem:$0x5480] =	vst v0  }
0x7b: {  	[tilespmem:$0x5490] =	vst v0  }
0x7c: {  	[tilespmem:$0x54A0] =	vst v0  }
0x7d: {  	[tilespmem:$0x54B0] =	vst v0  }
0x7e: {  	[tilespmem:$0x54C0] =	vst v0  }
0x7f: {  	[tilespmem:$0x54D0] =	vst v0  }
0x80: {  	[tilespmem:$0x54E0] =	vst v0  }
0x81: {  	[tilespmem:$0x54F0] =	vst v0  }
0x82: {  	[tilespmem:$0x5500] =	vst v0  }
0x83: {  	[tilespmem:$0x5510] =	vst v0  }
0x84: {  	[tilespmem:$0x5520] =	vst v0  }
0x85: {  	[tilespmem:$0x5530] =	vst v0  }
0x86: {  	[tilespmem:$0x5540] =	vst v0  }
0x87: {  	[tilespmem:$0x5550] =	vst v0  }
0x88: {  	[tilespmem:$0x5560] =	vst v0  }
0x89: {  	[tilespmem:$0x5570] =	vst v0  }
0x8a: {  	[tilespmem:$0x5580] =	vst v0  }
0x8b: {  	[tilespmem:$0x5590] =	vst v0  }
0x8c: {  	[tilespmem:$0x55A0] =	vst v0  }
0x8d: {  	[tilespmem:$0x55B0] =	vst v0  }
0x8e: {  	[tilespmem:$0x55C0] =	vst v0  }
0x8f: {  	[tilespmem:$0x55D0] =	vst v0  }
0x90: {  	[tilespmem:$0x55E0] =	vst v0  }
0x91: {  	[tilespmem:$0x55F0] =	vst v0  }
0x92: {  	[tilespmem:$0x5600] =	vst v0  }
0x93: {  	[tilespmem:$0x5610] =	vst v0  }
0x94: {  	[tilespmem:$0x5620] =	vst v0  }
0x95: {  	[tilespmem:$0x5630] =	vst v0  }
0x96: {  	[tilespmem:$0x5640] =	vst v0  }
0x97: {  	[tilespmem:$0x5650] =	vst v0  }
0x98: {  	[tilespmem:$0x5660] =	vst v0  }
0x99: {  	[tilespmem:$0x5670] =	vst v0  }
0x9a: {  	[tilespmem:$0x5680] =	vst v0  }
0x9b: {  	[tilespmem:$0x5690] =	vst v0  }
0x9c: {  	[tilespmem:$0x56A0] =	vst v0  }
0x9d: {  	[tilespmem:$0x56B0] =	vst v0  }
0x9e: {  	[tilespmem:$0x56C0] =	vst v0  }
0x9f: {  	[tilespmem:$0x56D0] =	vst v0  }
0xa0: {  	[tilespmem:$0x56E0] =	vst v0  }
0xa1: {  	[tilespmem:$0x56F0] =	vst v0  }
0xa2: {  	[tilespmem:$0x5700] =	vst v0  }
0xa3: {  	[tilespmem:$0x5710] =	vst v0  }
0xa4: {  	[tilespmem:$0x5720] =	vst v0  }
0xa5: {  	[tilespmem:$0x5730] =	vst v0  }
0xa6: {  	[tilespmem:$0x5740] =	vst v0  }
0xa7: {  	[tilespmem:$0x5750] =	vst v0  }
0xa8: {  	[tilespmem:$0x5760] =	vst v0  }
0xa9: {  	[tilespmem:$0x5770] =	vst v0  }
0xaa: {  	[tilespmem:$0x5780] =	vst v0  }
0xab: {  	[tilespmem:$0x5790] =	vst v0  }
0xac: {  	[tilespmem:$0x57A0] =	vst v0  }
0xad: {  	[tilespmem:$0x57B0] =	vst v0  }
0xae: {  	[tilespmem:$0x57C0] =	vst v0  }
0xaf: {  	[tilespmem:$0x57D0] =	vst v0  }
0xb0: {  	[tilespmem:$0x57E0] =	vst v0  }
0xb1: {  	[tilespmem:$0x57F0] =	vst v0  }
0xb2: {  	[tilespmem:$0x9180] =	vst v0  }
0xb3: {  	[tilespmem:$0x9190] =	vst v0  }
0xb4: {  	[tilespmem:$0x91A0] =	vst v0  }
0xb5: {  	[tilespmem:$0x91B0] =	vst v0  }
0xb6: {  	[tilespmem:$0x91C0] =	vst v0  }
0xb7: {  	[tilespmem:$0x91D0] =	vst v0  }
0xb8: {  	[tilespmem:$0x91E0] =	vst v0  }
0xb9: {  	[tilespmem:$0x91F0] =	vst v0  }
0xba: {  	[tilespmem:$0x9200] =	vst v0  }
0xbb: {  	[tilespmem:$0x9210] =	vst v0  }
0xbc: {  	[tilespmem:$0x9220] =	vst v0  }
0xbd: {  	[tilespmem:$0x9230] =	vst v0  }
0xbe: {  	[tilespmem:$0x9240] =	vst v0  }
0xbf: {  	[tilespmem:$0x9250] =	vst v0  }
0xc0: {  	[tilespmem:$0x9260] =	vst v0  }
0xc1: {  	[tilespmem:$0x9270] =	vst v0  }
0xc2: {  	[tilespmem:$0x9280] =	vst v0  }
0xc3: {  	[tilespmem:$0x9290] =	vst v0  }
0xc4: {  	[tilespmem:$0x92A0] =	vst v0  }
0xc5: {  	[tilespmem:$0x92B0] =	vst v0  }
0xc6: {  	[tilespmem:$0x92C0] =	vst v0  }
0xc7: {  	[tilespmem:$0x92D0] =	vst v0  }
0xc8: {  	[tilespmem:$0x92E0] =	vst v0  }
0xc9: {  	[tilespmem:$0x92F0] =	vst v0  }
0xca: {  	[tilespmem:$0x9300] =	vst v0  }
0xcb: {  	[tilespmem:$0x9310] =	vst v0  }
0xcc: {  	[tilespmem:$0x9320] =	vst v0  }
0xcd: {  	[tilespmem:$0x9330] =	vst v0  }
0xce: {  	[tilespmem:$0x9340] =	vst v0  }
0xcf: {  	[tilespmem:$0x9350] =	vst v0  }
0xd0: {  	[tilespmem:$0x9360] =	vst v0  }
0xd1: {  	[tilespmem:$0x9370] =	vst v0  }
0xd2: {  	[tilespmem:$0x9380] =	vst v0  }
0xd3: {  	[tilespmem:$0x9390] =	vst v0  }
0xd4: {  	[tilespmem:$0x93A0] =	vst v0  }
0xd5: {  	[tilespmem:$0x93B0] =	vst v0  }
0xd6: {  	[tilespmem:$0x93C0] =	vst v0  }
0xd7: {  	[tilespmem:$0x93D0] =	vst v0  }
0xd8: {  	[tilespmem:$0x93E0] =	vst v0  }
0xd9: {  	s25 =	sadd.s32 $0x0, s13;
	[tilespmem:$0x93F0] =	vst v0  }
0xda: {  	[spmem:s25] =	stream.linear.scatter [tilespmem:s24], [sflag:$0x6], $0x800, $0x38;
	[tilespmem:$0x1DC00] =	vst v63  }
0xdb: {  	s9 =	simm.s32 $0x2000;
	_ =	swait.ge [sflag:s18], $0x800  }
.LBB2_2:
0xdc: {  	s10 =	sshra.s32 s9, $0x2;
	[sflag:s18] =	ssyncset.done $0x0;
	p0 =	sne.s32 s9, $0x4E000  }
.Ltmp0:
0xdd: {  	s10 =	sadd.s32 s10, s13;
	[sflag:s18] =	ssyncadd.s32 $0xFFFFF800;
	(pc) =	sbr.rel @p0 .LBB2_2-.Ltmp0, $3  }
0xde: {  	[spmem:s10] =	stream.linear.scatter [tilespmem:s24], [sflag:$0x6], $0x800, $0x38;
	[tilespmem:$0x1DC00] =	vst v63  }
0xdf: {  	s9 =	sadd.s32 $0x2000, s9;
	_ =	sdelay $0x1  }
0xe0: {  	_ =	swait.ge [sflag:s18], $0x800  }
0xe1: {  	[sflag:s18] =	ssyncset.done $0x0  }
0xe2: {  	s9 =	simm.s32 $0x9180;
	[sflag:s18] =	ssyncadd.s32 $0xFFFFF800  }
0xe3: {  	[spmem:s14] =	stream.linear.scatter [tilespmem:s9], [sflag:$0x6], $0x280, $0x38;
	[tilespmem:$0x1DC00] =	vst v63  }
0xe4: {  	_ =	swait.ge [sflag:s18], $0x280  }
0xe5: {  	[sflag:s18] =	ssyncset.done $0x0  }
0xe6: {  	[sflag:s18] =	ssyncadd.s32 $0xFFFFFD80  }
0xe7: {  	[bflag:$0x0] =	sbarrier.arrive $0xFFFF  }
0xe8: {  	s25 =	simm.s32 $0x0;
	v1 =	vld [tilespmem:$0x9400]  }
.LBB2_4:
0xe9: {  	s10 =	sshll.u32 s25, $0x7  }
0xea: {  	[tilespmem:s28], [sflag:$0x2] =	stream.indirect.gather [spmem:s3], $0x1, s10, s26, $0xb8;
	[tilespmem:$0x1DC00] =	vst v63  }
0xeb: {  	s9 =	sadd.s32 $0x2800, s10  }
0xec: {  	[tilespmem:s29], [sflag:$0x3] =	stream.indirect.gather [spmem:s6], $0x1, s9, s26, $0xb8;
	[tilespmem:$0x1DC00] =	vst v63  }
0xed: {  	_ = 	snop  }
0xee: {  	[tilespmem:s24], [sflag:$0x1] =	stream.indirect.gather [hbm4b:s0+s26], $0x80, s10, s26, $0xb8;
	[tilespmem:$0x1DC00] =	vst v63  }
0xef: {  	_ =	swait.ge [sflag:s30], $0x80  }
0xf0: {  	[sflag:s30] =	ssyncset.done $0x0  }
0xf1: {  	[sflag:s30] =	ssyncadd.s32 $0xFFFFFF80  }
0xf2: {  	_ =	swait.ge [sflag:s31], $0x80  }
0xf3: {  	[sflag:s31] =	ssyncset.done $0x0  }
0xf4: {  	[sflag:s31] =	ssyncadd.s32 $0xFFFFFF80  }
0xf5: {  	v2 =	vld [tilespmem:$0x9000]  }
0xf6: {  	v3 =	vld [tilespmem:$0x9080]  }
0xf7: {  	v4 =	vld [tilespmem:$0x9010]  }
0xf8: {  	v5 =	vld [tilespmem:$0x9090]  }
0xf9: {  	v6 =	vld [tilespmem:$0x9020]  }
0xfa: {  	v7 =	vld [tilespmem:$0x90A0]  }
0xfb: {  	v8 =	vld [tilespmem:$0x90B0]  }
0xfc: {  	v10 =	vld [tilespmem:$0x9050]  }
0xfd: {  	v12 =	vld [tilespmem:$0x90D0];
	v2 =	vadd.f32 v3, v2  }
0xfe: {  	v3 =	vld [tilespmem:$0x9030]  }
0xff: {  	v53 =	vld [tilespmem:$0x9060];
	v4 =	vadd.f32 v5, v4;
	v9 =	vmul.f32 $2.000000030e-01, v2  }
0x100: {  	v54 =	vld [tilespmem:$0x90E0];
	vm0 =	vge.f32 v2, $0.0e+00  }
0x101: {  	v51 =	vld [tilespmem:$0x90C0];
	v52 =	vmul.f32 $2.000000030e-01, v4;
	v2 =	vsel vm0, v2, v9  }
0x102: {  	v5 =	vld [tilespmem:$0x9040];
	vm9 =	vge.f32 v4, $0.0e+00;
	v2 =	vsub.f32 v2, v1  }
0x103: {  	v6 =	vadd.f32 v7, v6;
	v4 =	vsel vm9, v4, v52;
	v3 =	vadd.f32 v8, v3  }
0x104: {  	v56 =	vadd.f32 v12, v10;
	v4 =	vsub.f32 v4, v1;
	v2 =	vmul.f32 $1.442695020e+00, v2  }
0x105: {  	v13 =	vld [tilespmem:$0x9070];
	v57 =	vadd.f32 v54, v53;
	v11 =	vmul.f32 $2.000000030e-01, v6;
	v55 =	vmul.f32 $2.000000030e-01, v3  }
0x106: {  	vm10 =	vge.f32 v6, $0.0e+00;
	(erf) = vpow2.f32 v2;
	v2 =	vmul.f32 $1.442695020e+00, v4;
	v4 =	vld [tilespmem:$0x90F0]  }
0x107: {  	vm14 =	vge.f32 v57, $0.0e+00;
	v5 =	vadd.f32 v51, v5;
	vm11 =	vge.f32 v3, $0.0e+00  }
0x108: {  	v6 =	vsel vm10, v6, v11;
	v8 =	vmul.f32 $2.000000030e-01, v57;
	v3 =	vsel vm11, v3, v55  }
0x109: {  	(erf) = vpow2.f32 v2;
	v2 =	vsub.f32 v3, v1;
	v3 =	vmul.f32 $2.000000030e-01, v5  }
0x10a: {  	v6 =	vsub.f32 v6, v1;
	vm12 =	vge.f32 v5, $0.0e+00;
	v7 =	vsel vm14, v57, v8  }
0x10b: {  	v3 =	vsel vm12, v5, v3;
	v5 =	vmul.f32 $2.000000030e-01, v56;
	v4 =	vadd.f32 v4, v13  }
0x10c: {  	vm13 =	vge.f32 v56, $0.0e+00;
	v6 =	vmul.f32 $1.442695020e+00, v6;
	v7 =	vsub.f32 v7, v1  }
0x10d: {  	v3 =	vsub.f32 v3, v1;
	v5 =	vsel vm13, v56, v5;
	v58 =	vmul.f32 $2.000000030e-01, v4  }
0x10e: {  	v2 =	vmul.f32 $1.442695020e+00, v2;
	v5 =	vsub.f32 v5, v1;
	vm15 =	vge.f32 v4, $0.0e+00  }
0x10f: {  	(erf) = vpow2.f32 v6;
	v3 =	vmul.f32 $1.442695020e+00, v3;
	v4 =	vsel vm15, v4, v58  }
0x110: {  	(erf) = vpow2.f32 v2;
	v2 =	vmul.f32 $1.442695020e+00, v5;
	v4 =	vsub.f32 v4, v1  }
0x111: {  	(erf) = vpow2.f32 v3;
	v3 =	vmul.f32 $1.442695020e+00, v7  }
0x112: {  	(erf) = vpow2.f32 v2;
	v2 =	vmul.f32 $1.442695020e+00, v4  }
0x113: {  	(erf) = vpow2.f32 v3  }
0x114: {  	(erf) = vpow2.f32 v2;
	_ =	sdelay $0x1  }
0x115: {  	v2 =	vpop (erf)  }
0x116: {  	v3 =	vpop (erf);
	[tilespmem:$0x9100] =	vst v2  }
0x117: {  	v2 =	vpop (erf);
	[tilespmem:$0x9110] =	vst v3  }
0x118: {  	v3 =	vpop (erf);
	[tilespmem:$0x9120] =	vst v2  }
0x119: {  	v2 =	vpop (erf);
	[tilespmem:$0x9130] =	vst v3  }
0x11a: {  	v3 =	vpop (erf);
	[tilespmem:$0x9140] =	vst v2  }
0x11b: {  	v2 =	vpop (erf);
	[tilespmem:$0x9150] =	vst v3  }
0x11c: {  	[tilespmem:$0x9160] =	vst v2;
	v2 =	vpop (erf)  }
0x11d: {  	[tilespmem:$0x9170] =	vst v2  }
0x11e: {  	_ =	swait.ge [sflag:s4], $0x4000  }
0x11f: {  	s12 =	simm.s32 $0x0;
	[sflag:s4] =	ssyncset.done $0x0  }
0x120: {  	s11 =	simm.s32 $0x0;
	s10 =	sand.u32 $0x3FFFFFF0, s12;
	[sflag:s4] =	ssyncadd.s32 $0xFFFFC000  }
0x121: {  	v2 =	vld [tilespmem:s10+$0x9100];
	s10 =	sand.u32 $0x3FFFF800, s11  }
0x122: {  	v59 =	vld [tilespmem:s10+$0x50C0]  }
0x123: {  	v4 =	vld [tilespmem:s10+$0x5020]  }
0x124: {  	v5 =	vld [tilespmem:s10+$0x5030]  }
0x125: {  	v63 =	vld [tilespmem:s10+$0x5060]  }
0x126: {  	v18 =	vld [tilespmem:s10+$0x5070];
	v3 =	vbroadcast v2, $0x0  }
0x127: {  	v19 =	vld [tilespmem:s10+$0x5080]  }
0x128: {  	v14 =	vld [tilespmem:s10+$0x5090];
	v4 =	vmul.f32 v4, v3  }
0x129: {  	v15 =	vld [tilespmem:s10+$0x50A0];
	v5 =	vmul.f32 v5, v3  }
0x12a: {  	v61 =	vld [tilespmem:s10+$0x50B0];
	v21 =	vbroadcast v2, $0x1;
	v20 =	vmul.f32 v63, v3;
	[tilespmem:s10+$0x5020] =	vst v4  }
0x12b: {  	v60 =	vld [tilespmem:s10+$0x50D0];
	v12 =	vmul.f32 v18, v3;
	[tilespmem:s10+$0x5030] =	vst v5  }
0x12c: {  	v62 =	vld [tilespmem:s10+$0x5570];
	v13 =	vmul.f32 v19, v21;
	[tilespmem:s10+$0x5060] =	vst v20  }
0x12d: {  	v23 =	vld [tilespmem:s10+$0x50F0];
	v14 =	vmul.f32 v14, v21;
	[tilespmem:s10+$0x5070] =	vst v12  }
0x12e: {  	v24 =	vld [tilespmem:s10+$0x5100];
	v15 =	vmul.f32 v15, v21;
	[tilespmem:s10+$0x5080] =	vst v13  }
0x12f: {  	v25 =	vld [tilespmem:s10+$0x5110];
	v10 =	vmul.f32 v61, v21;
	[tilespmem:s10+$0x5090] =	vst v14  }
0x130: {  	v7 =	vld [tilespmem:s10+$0x5590];
	v8 =	vmul.f32 v59, v21;
	[tilespmem:s10+$0x50A0] =	vst v15  }
0x131: {  	v22 =	vld [tilespmem:s10+$0x50E0];
	v16 =	vbroadcast v2, $0x2;
	v9 =	vmul.f32 v60, v21;
	[tilespmem:s10+$0x50B0] =	vst v10  }
0x132: {  	v26 =	vld [tilespmem:s10+$0x5120];
	v11 =	vmul.f32 v23, v21;
	[tilespmem:s10+$0x50C0] =	vst v8  }
0x133: {  	v27 =	vld [tilespmem:s10+$0x5130];
	v6 =	vbroadcast v2, $0xA;
	v30 =	vmul.f32 v24, v16;
	[tilespmem:s10+$0x50D0] =	vst v9  }
0x134: {  	v28 =	vld [tilespmem:s10+$0x5140];
	v32 =	vmul.f32 v25, v16;
	[tilespmem:s10+$0x50F0] =	vst v11  }
0x135: {  	v31 =	vld [tilespmem:s10+$0x5160];
	v4 =	vmul.f32 v62, v6;
	[tilespmem:s10+$0x5100] =	vst v30  }
0x136: {  	v33 =	vld [tilespmem:s10+$0x5170];
	v12 =	vmul.f32 v22, v21;
	[tilespmem:s10+$0x5110] =	vst v32  }
0x137: {  	v34 =	vld [tilespmem:s10+$0x5180];
	v10 =	vmul.f32 v26, v16;
	[tilespmem:s10+$0x5570] =	vst v4  }
0x138: {  	v29 =	vld [tilespmem:s10+$0x5150];
	v8 =	vmul.f32 v27, v16;
	[tilespmem:s10+$0x50E0] =	vst v12  }
0x139: {  	v35 =	vld [tilespmem:s10+$0x5190];
	v9 =	vmul.f32 v28, v16;
	[tilespmem:s10+$0x5120] =	vst v10  }
0x13a: {  	v36 =	vld [tilespmem:s10+$0x51A0];
	v39 =	vbroadcast v2, $0x3;
	v11 =	vmul.f32 v31, v16;
	[tilespmem:s10+$0x5130] =	vst v8  }
0x13b: {  	v37 =	vld [tilespmem:s10+$0x51B0];
	v13 =	vmul.f32 v33, v16;
	[tilespmem:s10+$0x5140] =	vst v9  }
0x13c: {  	v40 =	vld [tilespmem:s10+$0x51D0];
	v14 =	vmul.f32 v34, v39;
	[tilespmem:s10+$0x5160] =	vst v11  }
0x13d: {  	v41 =	vld [tilespmem:s10+$0x51E0];
	v12 =	vmul.f32 v29, v16;
	[tilespmem:s10+$0x5170] =	vst v13  }
0x13e: {  	v42 =	vld [tilespmem:s10+$0x51F0];
	v10 =	vmul.f32 v35, v39;
	[tilespmem:s10+$0x5180] =	vst v14  }
0x13f: {  	v38 =	vld [tilespmem:s10+$0x51C0];
	v8 =	vmul.f32 v36, v39;
	[tilespmem:s10+$0x5150] =	vst v12  }
0x140: {  	v43 =	vld [tilespmem:s10+$0x5200];
	v9 =	vmul.f32 v37, v39;
	[tilespmem:s10+$0x5190] =	vst v10  }
0x141: {  	v44 =	vld [tilespmem:s10+$0x5210];
	v11 =	vmul.f32 v40, v39;
	[tilespmem:s10+$0x51A0] =	vst v8  }
0x142: {  	v45 =	vld [tilespmem:s10+$0x5220];
	v13 =	vmul.f32 v41, v39;
	[tilespmem:s10+$0x51B0] =	vst v9  }
0x143: {  	v47 =	vld [tilespmem:s10+$0x5240];
	v48 =	vbroadcast v2, $0x4;
	v14 =	vmul.f32 v42, v39;
	[tilespmem:s10+$0x51D0] =	vst v11  }
0x144: {  	v49 =	vld [tilespmem:s10+$0x5250];
	v12 =	vmul.f32 v38, v39;
	[tilespmem:s10+$0x51E0] =	vst v13  }
0x145: {  	v50 =	vld [tilespmem:s10+$0x5260];
	v10 =	vmul.f32 v43, v48;
	[tilespmem:s10+$0x51F0] =	vst v14  }
0x146: {  	v46 =	vld [tilespmem:s10+$0x5230];
	v8 =	vmul.f32 v44, v48;
	[tilespmem:s10+$0x51C0] =	vst v12  }
0x147: {  	v51 =	vld [tilespmem:s10+$0x5270];
	v9 =	vmul.f32 v45, v48;
	[tilespmem:s10+$0x5200] =	vst v10  }
0x148: {  	v52 =	vld [tilespmem:s10+$0x5280];
	v11 =	vmul.f32 v47, v48;
	[tilespmem:s10+$0x5210] =	vst v8  }
0x149: {  	v53 =	vld [tilespmem:s10+$0x5290];
	v13 =	vmul.f32 v49, v48;
	[tilespmem:s10+$0x5220] =	vst v9  }
0x14a: {  	v55 =	vld [tilespmem:s10+$0x52B0];
	v14 =	vmul.f32 v50, v48;
	[tilespmem:s10+$0x5240] =	vst v11  }
0x14b: {  	v56 =	vld [tilespmem:s10+$0x52C0];
	v57 =	vbroadcast v2, $0x5;
	v12 =	vmul.f32 v46, v48;
	[tilespmem:s10+$0x5250] =	vst v13  }
0x14c: {  	v58 =	vld [tilespmem:s10+$0x52D0];
	v10 =	vmul.f32 v51, v48;
	[tilespmem:s10+$0x5260] =	vst v14  }
0x14d: {  	v54 =	vld [tilespmem:s10+$0x52A0];
	v8 =	vmul.f32 v52, v57;
	[tilespmem:s10+$0x5230] =	vst v12  }
0x14e: {  	v59 =	vld [tilespmem:s10+$0x52E0];
	v9 =	vmul.f32 v53, v57;
	[tilespmem:s10+$0x5270] =	vst v10  }
0x14f: {  	v60 =	vld [tilespmem:s10+$0x52F0];
	v11 =	vmul.f32 v55, v57;
	[tilespmem:s10+$0x5280] =	vst v8  }
0x150: {  	v61 =	vld [tilespmem:s10+$0x5300];
	v13 =	vmul.f32 v56, v57;
	[tilespmem:s10+$0x5290] =	vst v9  }
0x151: {  	v63 =	vld [tilespmem:s10+$0x5320];
	v14 =	vmul.f32 v58, v57;
	[tilespmem:s10+$0x52B0] =	vst v11  }
0x152: {  	v20 =	vld [tilespmem:s10+$0x5330];
	v12 =	vmul.f32 v54, v57;
	[tilespmem:s10+$0x52C0] =	vst v13  }
0x153: {  	v21 =	vld [tilespmem:s10+$0x5340];
	v22 =	vbroadcast v2, $0x6;
	v10 =	vmul.f32 v59, v57;
	[tilespmem:s10+$0x52D0] =	vst v14  }
0x154: {  	v62 =	vld [tilespmem:s10+$0x5310];
	v8 =	vmul.f32 v60, v57;
	[tilespmem:s10+$0x52A0] =	vst v12  }
0x155: {  	v23 =	vld [tilespmem:s10+$0x5350];
	v9 =	vmul.f32 v61, v22;
	[tilespmem:s10+$0x52E0] =	vst v10  }
0x156: {  	v24 =	vld [tilespmem:s10+$0x5360];
	v11 =	vmul.f32 v63, v22;
	[tilespmem:s10+$0x52F0] =	vst v8  }
0x157: {  	v25 =	vld [tilespmem:s10+$0x5370];
	v13 =	vmul.f32 v20, v22;
	[tilespmem:s10+$0x5300] =	vst v9  }
0x158: {  	v27 =	vld [tilespmem:s10+$0x5390];
	v14 =	vmul.f32 v21, v22;
	[tilespmem:s10+$0x5320] =	vst v11  }
0x159: {  	v28 =	vld [tilespmem:s10+$0x53A0];
	v12 =	vmul.f32 v62, v22;
	[tilespmem:s10+$0x5330] =	vst v13  }
0x15a: {  	v29 =	vld [tilespmem:s10+$0x53B0];
	v10 =	vmul.f32 v23, v22;
	[tilespmem:s10+$0x5340] =	vst v14  }
0x15b: {  	v31 =	vbroadcast v2, $0x7;
	v53 =	vld [tilespmem:s10+$0x5500];
	v8 =	vmul.f32 v24, v22;
	[tilespmem:s10+$0x5310] =	vst v12  }
0x15c: {  	v58 =	vld [tilespmem:s10+$0x5550];
	v9 =	vmul.f32 v25, v22;
	[tilespmem:s10+$0x5350] =	vst v10  }
0x15d: {  	v26 =	vld [tilespmem:s10+$0x5380];
	v11 =	vmul.f32 v27, v31;
	[tilespmem:s10+$0x5360] =	vst v8  }
0x15e: {  	v30 =	vld [tilespmem:s10+$0x53C0];
	v13 =	vmul.f32 v28, v31;
	[tilespmem:s10+$0x5370] =	vst v9  }
0x15f: {  	v32 =	vld [tilespmem:s10+$0x53D0];
	v14 =	vmul.f32 v29, v31;
	[tilespmem:s10+$0x5390] =	vst v11  }
0x160: {  	v33 =	vld [tilespmem:s10+$0x53E0];
	v59 =	vmul.f32 v53, v6;
	[tilespmem:s10+$0x53A0] =	vst v13  }
0x161: {  	v35 =	vld [tilespmem:s10+$0x5400];
	v21 =	vmul.f32 v58, v6;
	[tilespmem:s10+$0x53B0] =	vst v14  }
0x162: {  	v36 =	vld [tilespmem:s10+$0x5410];
	v12 =	vmul.f32 v26, v31;
	[tilespmem:s10+$0x5500] =	vst v59  }
0x163: {  	v37 =	vld [tilespmem:s10+$0x5420];
	v10 =	vmul.f32 v30, v31;
	[tilespmem:s10+$0x5550] =	vst v21  }
0x164: {  	v5 =	vld [tilespmem:s10+$0x5580];
	v40 =	vbroadcast v2, $0x8;
	v8 =	vmul.f32 v32, v31;
	[tilespmem:s10+$0x5380] =	vst v12  }
0x165: {  	v34 =	vld [tilespmem:s10+$0x53F0];
	v9 =	vmul.f32 v33, v31;
	[tilespmem:s10+$0x53C0] =	vst v10  }
0x166: {  	v57 =	vld [tilespmem:s10+$0x5540];
	v11 =	vmul.f32 v35, v40;
	[tilespmem:s10+$0x53D0] =	vst v8  }
0x167: {  	v61 =	vld [tilespmem:s10+$0x5000];
	v24 =	vbroadcast v2, $0xB;
	v13 =	vmul.f32 v36, v40;
	[tilespmem:s10+$0x53E0] =	vst v9  }
0x168: {  	v4 =	vld [tilespmem:s10+$0x57D0];
	v14 =	vmul.f32 v37, v40;
	[tilespmem:s10+$0x5400] =	vst v11  }
0x169: {  	v38 =	vld [tilespmem:s10+$0x5430];
	v5 =	vmul.f32 v5, v24;
	[tilespmem:s10+$0x5410] =	vst v13  }
0x16a: {  	v39 =	vld [tilespmem:s10+$0x5440];
	v7 =	vmul.f32 v7, v24;
	[tilespmem:s10+$0x5420] =	vst v14  }
0x16b: {  	v41 =	vld [tilespmem:s10+$0x5450];
	v19 =	vmul.f32 v57, v6;
	[tilespmem:s10+$0x5580] =	vst v5  }
0x16c: {  	v43 =	vld [tilespmem:s10+$0x5470];
	v25 =	vmul.f32 v3, v61;
	[tilespmem:s10+$0x5590] =	vst v7  }
0x16d: {  	v44 =	vld [tilespmem:s10+$0x5480];
	v12 =	vmul.f32 v34, v31;
	[tilespmem:s10+$0x5540] =	vst v19  }
0x16e: {  	v45 =	vld [tilespmem:s10+$0x5490];
	v10 =	vmul.f32 v38, v40;
	[tilespmem:s10+$0x5000] =	vst v25  }
0x16f: {  	v27 =	vld [tilespmem:s10+$0x55D0];
	v8 =	vmul.f32 v39, v40;
	[tilespmem:s10+$0x53F0] =	vst v12  }
0x170: {  	v49 =	vbroadcast v2, $0x9;
	v29 =	vld [tilespmem:s10+$0x55F0];
	v9 =	vmul.f32 v41, v40;
	[tilespmem:s10+$0x5430] =	vst v10  }
0x171: {  	v42 =	vld [tilespmem:s10+$0x5460];
	v11 =	vmul.f32 v43, v40;
	[tilespmem:s10+$0x5440] =	vst v8  }
0x172: {  	v46 =	vld [tilespmem:s10+$0x54A0];
	v13 =	vmul.f32 v44, v49;
	[tilespmem:s10+$0x5450] =	vst v9  }
0x173: {  	v47 =	vld [tilespmem:s10+$0x54B0];
	v14 =	vmul.f32 v45, v49;
	[tilespmem:s10+$0x5470] =	vst v11  }
0x174: {  	v48 =	vld [tilespmem:s10+$0x54C0];
	v32 =	vmul.f32 v27, v24;
	[tilespmem:s10+$0x5480] =	vst v13  }
0x175: {  	v51 =	vld [tilespmem:s10+$0x54E0];
	v7 =	vmul.f32 v29, v24;
	[tilespmem:s10+$0x5490] =	vst v14  }
0x176: {  	v52 =	vld [tilespmem:s10+$0x54F0];
	v12 =	vmul.f32 v42, v40;
	[tilespmem:s10+$0x55D0] =	vst v32  }
0x177: {  	v10 =	vmul.f32 v46, v49;
	[tilespmem:s10+$0x55F0] =	vst v7  }
0x178: {  	v28 =	vld [tilespmem:s10+$0x55E0];
	v8 =	vmul.f32 v47, v49;
	[tilespmem:s10+$0x5460] =	vst v12  }
0x179: {  	v30 =	vld [tilespmem:s10+$0x5600];
	v9 =	vmul.f32 v48, v49;
	[tilespmem:s10+$0x54A0] =	vst v10  }
0x17a: {  	v50 =	vld [tilespmem:s10+$0x54D0];
	v5 =	vbroadcast v2, $0xF;
	v11 =	vmul.f32 v51, v49;
	[tilespmem:s10+$0x54B0] =	vst v8  }
0x17b: {  	v54 =	vld [tilespmem:s10+$0x5510];
	v13 =	vmul.f32 v52, v49;
	[tilespmem:s10+$0x54C0] =	vst v9  }
0x17c: {  	v55 =	vld [tilespmem:s10+$0x5520];
	v35 =	vbroadcast v2, $0xC;
	v4 =	vmul.f32 v4, v5;
	[tilespmem:s10+$0x54E0] =	vst v11  }
0x17d: {  	v56 =	vld [tilespmem:s10+$0x5530];
	v40 =	vmul.f32 v28, v24;
	[tilespmem:s10+$0x54F0] =	vst v13  }
0x17e: {  	v60 =	vld [tilespmem:s10+$0x5560];
	v16 =	vmul.f32 v30, v35;
	[tilespmem:s10+$0x57D0] =	vst v4  }
0x17f: {  	v62 =	vld [tilespmem:s10+$0x5010];
	v12 =	vmul.f32 v50, v49;
	[tilespmem:s10+$0x55E0] =	vst v40  }
0x180: {  	v63 =	vld [tilespmem:s10+$0x5040];
	v10 =	vmul.f32 v54, v6;
	[tilespmem:s10+$0x5600] =	vst v16  }
0x181: {  	v20 =	vld [tilespmem:s10+$0x5050];
	v8 =	vmul.f32 v55, v6;
	[tilespmem:s10+$0x54D0] =	vst v12  }
0x182: {  	v33 =	vld [tilespmem:s10+$0x5630];
	v9 =	vmul.f32 v56, v6;
	[tilespmem:s10+$0x5510] =	vst v10  }
0x183: {  	v61 =	vld [tilespmem:s10+$0x57F0];
	v6 =	vmul.f32 v60, v6;
	[tilespmem:s10+$0x5520] =	vst v8  }
0x184: {  	v38 =	vld [tilespmem:s10+$0x5670];
	v13 =	vmul.f32 v62, v3;
	[tilespmem:s10+$0x5530] =	vst v9  }
0x185: {  	v22 =	vld [tilespmem:s10+$0x55A0];
	v4 =	vmul.f32 v63, v3;
	[tilespmem:s10+$0x5560] =	vst v6  }
0x186: {  	v23 =	vld [tilespmem:s10+$0x55B0];
	v3 =	vmul.f32 v20, v3;
	[tilespmem:s10+$0x5010] =	vst v13  }
0x187: {  	v26 =	vld [tilespmem:s10+$0x55C0];
	v62 =	vmul.f32 v33, v35;
	[tilespmem:s10+$0x5040] =	vst v4  }
0x188: {  	v31 =	vld [tilespmem:s10+$0x5610];
	v63 =	vmul.f32 v61, v5;
	[tilespmem:s10+$0x5050] =	vst v3  }
0x189: {  	v34 =	vld [tilespmem:s10+$0x5640];
	v16 =	vmul.f32 v38, v35;
	[tilespmem:s10+$0x5630] =	vst v62  }
0x18a: {  	v41 =	vld [tilespmem:s10+$0x56A0];
	v8 =	vmul.f32 v22, v24;
	[tilespmem:s10+$0x57F0] =	vst v63  }
0x18b: {  	v46 =	vld [tilespmem:s10+$0x56E0];
	v9 =	vmul.f32 v23, v24;
	[tilespmem:s10+$0x5670] =	vst v16  }
0x18c: {  	v6 =	vmul.f32 v26, v24;
	v3 =	vld [tilespmem:s10+$0x5690];
	[tilespmem:s10+$0x55A0] =	vst v8  }
0x18d: {  	v36 =	vld [tilespmem:s10+$0x5650];
	v44 =	vbroadcast v2, $0xD;
	v10 =	vmul.f32 v31, v35;
	[tilespmem:s10+$0x55B0] =	vst v9  }
0x18e: {  	v37 =	vld [tilespmem:s10+$0x5660];
	v13 =	vmul.f32 v34, v35;
	[tilespmem:s10+$0x55C0] =	vst v6  }
0x18f: {  	v39 =	vld [tilespmem:s10+$0x5680];
	v12 =	vmul.f32 v41, v44;
	[tilespmem:s10+$0x5610] =	vst v10  }
0x190: {  	v42 =	vld [tilespmem:s10+$0x56B0];
	v51 =	vmul.f32 v46, v44;
	[tilespmem:s10+$0x5640] =	vst v13  }
0x191: {  	v48 =	vld [tilespmem:s10+$0x5710];
	[tilespmem:s10+$0x56A0] =	vst v12;
	v3 =	vmul.f32 v3, v44  }
0x192: {  	v49 =	vld [tilespmem:s10+$0x5720];
	v9 =	vmul.f32 v36, v35;
	[tilespmem:s10+$0x56E0] =	vst v51  }
0x193: {  	v6 =	vmul.f32 v37, v35;
	[tilespmem:s10+$0x5690] =	vst v3;
	v3 =	vld [tilespmem:s10+$0x5700]  }
0x194: {  	v2 =	vbroadcast v2, $0xE;
	v50 =	vld [tilespmem:s10+$0x5730];
	v10 =	vmul.f32 v39, v44;
	[tilespmem:s10+$0x5650] =	vst v9  }
0x195: {  	v45 =	vld [tilespmem:s10+$0x56D0];
	v13 =	vmul.f32 v42, v44;
	[tilespmem:s10+$0x5660] =	vst v6  }
0x196: {  	v47 =	vld [tilespmem:s10+$0x56F0];
	v12 =	vmul.f32 v48, v2;
	[tilespmem:s10+$0x5680] =	vst v10  }
0x197: {  	v43 =	vld [tilespmem:s10+$0x56C0];
	v11 =	vmul.f32 v49, v2;
	[tilespmem:s10+$0x56B0] =	vst v13  }
0x198: {  	v55 =	vld [tilespmem:s10+$0x5780];
	[tilespmem:s10+$0x5710] =	vst v12;
	v3 =	vmul.f32 v3, v2  }
0x199: {  	v57 =	vld [tilespmem:s10+$0x57A0];
	v7 =	vmul.f32 v50, v2;
	[tilespmem:s10+$0x5720] =	vst v11  }
0x19a: {  	v6 =	vmul.f32 v45, v44;
	[tilespmem:s10+$0x5700] =	vst v3;
	v3 =	vld [tilespmem:s10+$0x5770]  }
0x19b: {  	v52 =	vld [tilespmem:s10+$0x5740];
	v10 =	vmul.f32 v47, v44;
	[tilespmem:s10+$0x5730] =	vst v7  }
0x19c: {  	v56 =	vld [tilespmem:s10+$0x5790];
	v9 =	vmul.f32 v43, v44;
	[tilespmem:s10+$0x56D0] =	vst v6  }
0x19d: {  	v54 =	vld [tilespmem:s10+$0x5760];
	v12 =	vmul.f32 v55, v5;
	[tilespmem:s10+$0x56F0] =	vst v10  }
0x19e: {  	v58 =	vld [tilespmem:s10+$0x57B0];
	v7 =	vmul.f32 v57, v5;
	[tilespmem:s10+$0x56C0] =	vst v9  }
0x19f: {  	v53 =	vld [tilespmem:s10+$0x5750];
	[tilespmem:s10+$0x5780] =	vst v12;
	v3 =	vmul.f32 v3, v2  }
0x1a0: {  	v59 =	vld [tilespmem:s10+$0x57C0];
	v6 =	vmul.f32 v52, v2;
	[tilespmem:s10+$0x57A0] =	vst v7  }
0x1a1: {  	v60 =	vld [tilespmem:s10+$0x57E0];
	[tilespmem:s10+$0x5770] =	vst v3;
	v3 =	vmul.f32 v56, v5  }
0x1a2: {  	v10 =	vmul.f32 v54, v2;
	[tilespmem:s10+$0x5740] =	vst v6  }
0x1a3: {  	v4 =	vld [tilespmem:s10+$0x5620];
	[tilespmem:s10+$0x5790] =	vst v3;
	v3 =	vmul.f32 v58, v5  }
0x1a4: {  	[tilespmem:s10+$0x5760] =	vst v10;
	v2 =	vmul.f32 v53, v2  }
0x1a5: {  	[tilespmem:s10+$0x57B0] =	vst v3;
	v3 =	vmul.f32 v59, v5  }
0x1a6: {  	[tilespmem:s10+$0x5750] =	vst v2;
	v5 =	vmul.f32 v60, v5  }
0x1a7: {  	[tilespmem:s10+$0x57C0] =	vst v3  }
0x1a8: {  	s11 =	simm.s32 $0x1;
	v3 =	vmul.f32 v4, v35;
	[tilespmem:s10+$0x57E0] =	vst v5  }
.LBB2_5:
0x1a9: {  	s12 =	sshll.u32 s11, $0x4  }
0x1aa: {  	p0 =	sne.s32 s11, $0x7;
	[tilespmem:s10+$0x5620] =	vst v3;
	s10 =	smov.u32 s11;
	s11 =	sadd.s32 $0x1, s11  }
0x1ab: {  	s12 =	sand.u32 $0x3FFFFFF0, s12  }
0x1ac: {  	s10 =	sshll.u32 s10, $0xB;
	v2 =	vld [tilespmem:s12+$0x9100]  }
0x1ad: {  	s10 =	sand.u32 $0x3FFFF800, s10  }
0x1ae: {  	v9 =	vld [tilespmem:s10+$0x50C0]  }
0x1af: {  	v10 =	vld [tilespmem:s10+$0x50D0]  }
0x1b0: {  	v11 =	vld [tilespmem:s10+$0x50B0]  }
0x1b1: {  	v3 =	vbroadcast v2, $0x0;
	v4 =	vld [tilespmem:s10+$0x5020];
	v8 =	vbroadcast v2, $0x4  }
0x1b2: {  	v6 =	vld [tilespmem:s10+$0x5030]  }
0x1b3: {  	v7 =	vld [tilespmem:s10+$0x5570]  }
0x1b4: {  	v12 =	vld [tilespmem:s10+$0x5060]  }
0x1b5: {  	v13 =	vld [tilespmem:s10+$0x5070]  }
0x1b6: {  	v5 =	vbroadcast v2, $0xA;
	v4 =	vmul.f32 v4, v3;
	v14 =	vld [tilespmem:s10+$0x5080]  }
0x1b7: {  	v6 =	vmul.f32 v6, v3;
	v15 =	vld [tilespmem:s10+$0x5090]  }
0x1b8: {  	[tilespmem:s10+$0x5020] =	vst v4;
	v16 =	vld [tilespmem:s10+$0x50A0];
	v4 =	vmul.f32 v7, v5  }
0x1b9: {  	[tilespmem:s10+$0x5030] =	vst v6;
	v7 =	vmul.f32 v12, v3;
	v12 =	vbroadcast v2, $0x1;
	v6 =	vld [tilespmem:s10+$0x5580]  }
0x1ba: {  	v13 =	vmul.f32 v13, v3;
	[tilespmem:s10+$0x5570] =	vst v4;
	v4 =	vld [tilespmem:s10+$0x57D0]  }
0x1bb: {  	[tilespmem:s10+$0x5060] =	vst v7;
	v14 =	vmul.f32 v14, v12;
	v7 =	vld [tilespmem:s10+$0x5590]  }
0x1bc: {  	[tilespmem:s10+$0x5070] =	vst v13;
	v13 =	vmul.f32 v15, v12;
	v15 =	vld [tilespmem:s10+$0x50E0]  }
0x1bd: {  	[tilespmem:s10+$0x5080] =	vst v14;
	v14 =	vmul.f32 v16, v12;
	v16 =	vld [tilespmem:s10+$0x50F0]  }
0x1be: {  	v11 =	vmul.f32 v11, v12;
	[tilespmem:s10+$0x5090] =	vst v13;
	v13 =	vld [tilespmem:s10+$0x5100]  }
0x1bf: {  	v9 =	vmul.f32 v9, v12;
	[tilespmem:s10+$0x50A0] =	vst v14;
	v14 =	vld [tilespmem:s10+$0x5110]  }
0x1c0: {  	v10 =	vmul.f32 v10, v12;
	[tilespmem:s10+$0x50B0] =	vst v11;
	v11 =	vld [tilespmem:s10+$0x5120]  }
0x1c1: {  	[tilespmem:s10+$0x50C0] =	vst v9;
	v9 =	vmul.f32 v15, v12;
	v15 =	vbroadcast v2, $0x2;
	v17 =	vld [tilespmem:s10+$0x5130]  }
0x1c2: {  	[tilespmem:s10+$0x50D0] =	vst v10;
	v10 =	vmul.f32 v16, v12;
	v12 =	vld [tilespmem:s10+$0x5140]  }
0x1c3: {  	[tilespmem:s10+$0x50E0] =	vst v9;
	v9 =	vmul.f32 v13, v15;
	v13 =	vld [tilespmem:s10+$0x5150]  }
0x1c4: {  	[tilespmem:s10+$0x50F0] =	vst v10;
	v10 =	vmul.f32 v14, v15;
	v14 =	vld [tilespmem:s10+$0x5160]  }
0x1c5: {  	[tilespmem:s10+$0x5100] =	vst v9;
	v9 =	vmul.f32 v11, v15;
	v11 =	vld [tilespmem:s10+$0x5170]  }
0x1c6: {  	[tilespmem:s10+$0x5110] =	vst v10;
	v10 =	vmul.f32 v17, v15;
	v16 =	vld [tilespmem:s10+$0x5180]  }
0x1c7: {  	[tilespmem:s10+$0x5120] =	vst v9;
	v9 =	vmul.f32 v12, v15;
	v12 =	vld [tilespmem:s10+$0x5190]  }
0x1c8: {  	[tilespmem:s10+$0x5130] =	vst v10;
	v10 =	vmul.f32 v13, v15;
	v13 =	vld [tilespmem:s10+$0x51A0]  }
0x1c9: {  	[tilespmem:s10+$0x5140] =	vst v9;
	v9 =	vmul.f32 v14, v15;
	v14 =	vbroadcast v2, $0x3;
	v17 =	vld [tilespmem:s10+$0x51B0]  }
0x1ca: {  	[tilespmem:s10+$0x5150] =	vst v10;
	v10 =	vmul.f32 v11, v15;
	v11 =	vld [tilespmem:s10+$0x51C0]  }
0x1cb: {  	[tilespmem:s10+$0x5160] =	vst v9;
	v9 =	vmul.f32 v16, v14;
	v15 =	vld [tilespmem:s10+$0x51D0]  }
0x1cc: {  	[tilespmem:s10+$0x5170] =	vst v10;
	v10 =	vmul.f32 v12, v14;
	v12 =	vld [tilespmem:s10+$0x51E0]  }
0x1cd: {  	[tilespmem:s10+$0x5180] =	vst v9;
	v9 =	vmul.f32 v13, v14;
	v13 =	vld [tilespmem:s10+$0x51F0]  }
0x1ce: {  	[tilespmem:s10+$0x5190] =	vst v10;
	v10 =	vmul.f32 v17, v14;
	v16 =	vld [tilespmem:s10+$0x5200]  }
0x1cf: {  	[tilespmem:s10+$0x51A0] =	vst v9;
	v9 =	vmul.f32 v11, v14;
	v11 =	vld [tilespmem:s10+$0x5210]  }
0x1d0: {  	[tilespmem:s10+$0x51B0] =	vst v10;
	v10 =	vmul.f32 v15, v14;
	v15 =	vld [tilespmem:s10+$0x5220]  }
0x1d1: {  	[tilespmem:s10+$0x51C0] =	vst v9;
	v9 =	vmul.f32 v12, v14;
	v12 =	vld [tilespmem:s10+$0x5230]  }
0x1d2: {  	[tilespmem:s10+$0x51D0] =	vst v10;
	v10 =	vmul.f32 v13, v14;
	v13 =	vld [tilespmem:s10+$0x5240]  }
0x1d3: {  	[tilespmem:s10+$0x51E0] =	vst v9;
	v9 =	vmul.f32 v16, v8;
	v14 =	vld [tilespmem:s10+$0x5250]  }
0x1d4: {  	[tilespmem:s10+$0x51F0] =	vst v10;
	v10 =	vmul.f32 v11, v8;
	v11 =	vld [tilespmem:s10+$0x5260]  }
0x1d5: {  	[tilespmem:s10+$0x5200] =	vst v9;
	v9 =	vmul.f32 v15, v8;
	v15 =	vld [tilespmem:s10+$0x5270]  }
0x1d6: {  	[tilespmem:s10+$0x5210] =	vst v10;
	v10 =	vmul.f32 v12, v8;
	v12 =	vld [tilespmem:s10+$0x5280]  }
0x1d7: {  	[tilespmem:s10+$0x5220] =	vst v9;
	v9 =	vmul.f32 v13, v8;
	v13 =	vld [tilespmem:s10+$0x5290]  }
0x1d8: {  	[tilespmem:s10+$0x5230] =	vst v10;
	v10 =	vmul.f32 v14, v8;
	v14 =	vld [tilespmem:s10+$0x52A0]  }
0x1d9: {  	[tilespmem:s10+$0x5240] =	vst v9;
	v9 =	vmul.f32 v11, v8;
	v11 =	vbroadcast v2, $0x5;
	v16 =	vld [tilespmem:s10+$0x52B0]  }
0x1da: {  	[tilespmem:s10+$0x5250] =	vst v10;
	v8 =	vmul.f32 v15, v8;
	v10 =	vld [tilespmem:s10+$0x52C0]  }
0x1db: {  	[tilespmem:s10+$0x5260] =	vst v9;
	v9 =	vmul.f32 v12, v11;
	v12 =	vld [tilespmem:s10+$0x52D0]  }
0x1dc: {  	[tilespmem:s10+$0x5270] =	vst v8;
	v8 =	vmul.f32 v13, v11;
	v13 =	vld [tilespmem:s10+$0x52E0]  }
0x1dd: {  	[tilespmem:s10+$0x5280] =	vst v9;
	v9 =	vmul.f32 v14, v11;
	v14 =	vld [tilespmem:s10+$0x52F0]  }
0x1de: {  	[tilespmem:s10+$0x5290] =	vst v8;
	v8 =	vmul.f32 v16, v11;
	v15 =	vld [tilespmem:s10+$0x5300]  }
0x1df: {  	[tilespmem:s10+$0x52A0] =	vst v9;
	v9 =	vmul.f32 v10, v11;
	v10 =	vld [tilespmem:s10+$0x5310]  }
0x1e0: {  	[tilespmem:s10+$0x52B0] =	vst v8;
	v8 =	vmul.f32 v12, v11;
	v12 =	vld [tilespmem:s10+$0x5320]  }
0x1e1: {  	[tilespmem:s10+$0x52C0] =	vst v9;
	v9 =	vmul.f32 v13, v11;
	v13 =	vbroadcast v2, $0x6;
	v16 =	vld [tilespmem:s10+$0x5330]  }
0x1e2: {  	[tilespmem:s10+$0x52D0] =	vst v8;
	v8 =	vmul.f32 v14, v11;
	v11 =	vld [tilespmem:s10+$0x5340]  }
0x1e3: {  	[tilespmem:s10+$0x52E0] =	vst v9;
	v9 =	vmul.f32 v15, v13;
	v14 =	vld [tilespmem:s10+$0x5350]  }
0x1e4: {  	[tilespmem:s10+$0x52F0] =	vst v8;
	v8 =	vmul.f32 v10, v13;
	v10 =	vld [tilespmem:s10+$0x5360]  }
0x1e5: {  	[tilespmem:s10+$0x5300] =	vst v9;
	v9 =	vmul.f32 v12, v13;
	v12 =	vld [tilespmem:s10+$0x5370]  }
0x1e6: {  	[tilespmem:s10+$0x5310] =	vst v8;
	v8 =	vmul.f32 v16, v13;
	v15 =	vld [tilespmem:s10+$0x5380]  }
0x1e7: {  	[tilespmem:s10+$0x5320] =	vst v9;
	v9 =	vmul.f32 v11, v13;
	v11 =	vld [tilespmem:s10+$0x5390]  }
0x1e8: {  	[tilespmem:s10+$0x5330] =	vst v8;
	v8 =	vmul.f32 v14, v13;
	v14 =	vld [tilespmem:s10+$0x53A0]  }
0x1e9: {  	[tilespmem:s10+$0x5340] =	vst v9;
	v9 =	vmul.f32 v10, v13;
	v10 =	vbroadcast v2, $0x7;
	v16 =	vld [tilespmem:s10+$0x53B0]  }
0x1ea: {  	[tilespmem:s10+$0x5350] =	vst v8;
	v8 =	vmul.f32 v12, v13;
	v12 =	vld [tilespmem:s10+$0x53C0]  }
0x1eb: {  	[tilespmem:s10+$0x5360] =	vst v9;
	v9 =	vmul.f32 v15, v10;
	v13 =	vld [tilespmem:s10+$0x53D0]  }
0x1ec: {  	[tilespmem:s10+$0x5370] =	vst v8;
	v8 =	vmul.f32 v11, v10;
	v11 =	vld [tilespmem:s10+$0x53E0]  }
0x1ed: {  	[tilespmem:s10+$0x5380] =	vst v9;
	v9 =	vmul.f32 v14, v10;
	v14 =	vld [tilespmem:s10+$0x53F0]  }
0x1ee: {  	[tilespmem:s10+$0x5390] =	vst v8;
	v8 =	vmul.f32 v16, v10;
	v15 =	vld [tilespmem:s10+$0x5400]  }
0x1ef: {  	[tilespmem:s10+$0x53A0] =	vst v9;
	v9 =	vmul.f32 v12, v10;
	v12 =	vld [tilespmem:s10+$0x5410]  }
0x1f0: {  	[tilespmem:s10+$0x53B0] =	vst v8;
	v8 =	vmul.f32 v13, v10;
	v13 =	vld [tilespmem:s10+$0x5420]  }
0x1f1: {  	[tilespmem:s10+$0x53C0] =	vst v9;
	v9 =	vmul.f32 v11, v10;
	v11 =	vbroadcast v2, $0x8;
	v16 =	vld [tilespmem:s10+$0x5430]  }
0x1f2: {  	[tilespmem:s10+$0x53D0] =	vst v8;
	v8 =	vmul.f32 v14, v10;
	v10 =	vld [tilespmem:s10+$0x5440]  }
0x1f3: {  	[tilespmem:s10+$0x53E0] =	vst v9;
	v9 =	vmul.f32 v15, v11;
	v14 =	vld [tilespmem:s10+$0x5450]  }
0x1f4: {  	[tilespmem:s10+$0x53F0] =	vst v8;
	v8 =	vmul.f32 v12, v11;
	v12 =	vld [tilespmem:s10+$0x5460]  }
0x1f5: {  	[tilespmem:s10+$0x5400] =	vst v9;
	v9 =	vmul.f32 v13, v11;
	v13 =	vld [tilespmem:s10+$0x5470]  }
0x1f6: {  	[tilespmem:s10+$0x5410] =	vst v8;
	v8 =	vmul.f32 v16, v11;
	v15 =	vld [tilespmem:s10+$0x5480]  }
0x1f7: {  	[tilespmem:s10+$0x5420] =	vst v9;
	v9 =	vmul.f32 v10, v11;
	v10 =	vld [tilespmem:s10+$0x5490]  }
0x1f8: {  	[tilespmem:s10+$0x5430] =	vst v8;
	v8 =	vmul.f32 v14, v11;
	v14 =	vld [tilespmem:s10+$0x54A0]  }
0x1f9: {  	[tilespmem:s10+$0x5440] =	vst v9;
	v9 =	vmul.f32 v12, v11;
	v12 =	vbroadcast v2, $0x9;
	v16 =	vld [tilespmem:s10+$0x54B0]  }
0x1fa: {  	[tilespmem:s10+$0x5450] =	vst v8;
	v8 =	vmul.f32 v13, v11;
	v11 =	vld [tilespmem:s10+$0x54C0]  }
0x1fb: {  	[tilespmem:s10+$0x5460] =	vst v9;
	v9 =	vmul.f32 v15, v12;
	v13 =	vld [tilespmem:s10+$0x54D0]  }
0x1fc: {  	[tilespmem:s10+$0x5470] =	vst v8;
	v8 =	vmul.f32 v10, v12;
	v10 =	vld [tilespmem:s10+$0x54E0]  }
0x1fd: {  	[tilespmem:s10+$0x5480] =	vst v9;
	v9 =	vmul.f32 v14, v12;
	v14 =	vld [tilespmem:s10+$0x54F0]  }
0x1fe: {  	[tilespmem:s10+$0x5490] =	vst v8;
	v8 =	vmul.f32 v16, v12;
	v15 =	vld [tilespmem:s10+$0x5500]  }
0x1ff: {  	[tilespmem:s10+$0x54A0] =	vst v9;
	v9 =	vmul.f32 v11, v12;
	v11 =	vld [tilespmem:s10+$0x5510]  }
0x200: {  	[tilespmem:s10+$0x54B0] =	vst v8;
	v8 =	vmul.f32 v13, v12;
	v13 =	vld [tilespmem:s10+$0x5520]  }
0x201: {  	[tilespmem:s10+$0x54C0] =	vst v9;
	v9 =	vmul.f32 v10, v12;
	v10 =	vld [tilespmem:s10+$0x5530]  }
0x202: {  	[tilespmem:s10+$0x54D0] =	vst v8;
	v8 =	vmul.f32 v14, v12;
	v12 =	vld [tilespmem:s10+$0x5540]  }
0x203: {  	[tilespmem:s10+$0x54E0] =	vst v9;
	v9 =	vmul.f32 v15, v5;
	v14 =	vld [tilespmem:s10+$0x5550]  }
0x204: {  	[tilespmem:s10+$0x54F0] =	vst v8;
	v8 =	vmul.f32 v11, v5;
	v11 =	vld [tilespmem:s10+$0x5560]  }
0x205: {  	v15 =	vld [tilespmem:s10+$0x5000];
	[tilespmem:s10+$0x5500] =	vst v9;
	v9 =	vmul.f32 v13, v5  }
0x206: {  	v13 =	vld [tilespmem:s10+$0x5010];
	[tilespmem:s10+$0x5510] =	vst v8;
	v8 =	vmul.f32 v10, v5  }
0x207: {  	v10 =	vld [tilespmem:s10+$0x5040];
	[tilespmem:s10+$0x5520] =	vst v9;
	v9 =	vmul.f32 v12, v5  }
0x208: {  	v12 =	vld [tilespmem:s10+$0x5050];
	[tilespmem:s10+$0x5530] =	vst v8;
	v8 =	vmul.f32 v14, v5  }
0x209: {  	[tilespmem:s10+$0x5540] =	vst v9;
	v9 =	vmul.f32 v11, v5;
	v11 =	vbroadcast v2, $0xB;
	v14 =	vld [tilespmem:s10+$0x55A0]  }
0x20a: {  	v5 =	vbroadcast v2, $0xF;
	v15 =	vmul.f32 v3, v15;
	[tilespmem:s10+$0x5550] =	vst v8;
	v8 =	vld [tilespmem:s10+$0x55B0]  }
0x20b: {  	v13 =	vmul.f32 v13, v3;
	[tilespmem:s10+$0x5560] =	vst v9;
	v6 =	vmul.f32 v6, v11;
	v9 =	vld [tilespmem:s10+$0x55C0]  }
0x20c: {  	v7 =	vmul.f32 v7, v11;
	[tilespmem:s10+$0x5000] =	vst v15;
	v10 =	vmul.f32 v10, v3;
	v15 =	vld [tilespmem:s10+$0x55D0]  }
0x20d: {  	v4 =	vmul.f32 v4, v5;
	v12 =	vmul.f32 v12, v3;
	[tilespmem:s10+$0x5580] =	vst v6;
	v3 =	vld [tilespmem:s10+$0x55E0]  }
0x20e: {  	[tilespmem:s10+$0x5590] =	vst v7;
	v6 =	vmul.f32 v14, v11;
	v7 =	vld [tilespmem:s10+$0x55F0]  }
0x20f: {  	v8 =	vmul.f32 v8, v11;
	v14 =	vld [tilespmem:s10+$0x5600];
	[tilespmem:s10+$0x57D0] =	vst v4  }
0x210: {  	[tilespmem:s10+$0x5010] =	vst v13;
	v4 =	vmul.f32 v9, v11;
	v9 =	vld [tilespmem:s10+$0x5610]  }
0x211: {  	[tilespmem:s10+$0x5040] =	vst v10;
	v10 =	vmul.f32 v15, v11;
	v13 =	vld [tilespmem:s10+$0x5620]  }
0x212: {  	v15 =	vbroadcast v2, $0xC;
	[tilespmem:s10+$0x55A0] =	vst v6;
	v6 =	vmul.f32 v3, v11;
	v16 =	vld [tilespmem:s10+$0x5630]  }
0x213: {  	[tilespmem:s10+$0x55D0] =	vst v10;
	v7 =	vmul.f32 v7, v11;
	v10 =	vld [tilespmem:s10+$0x5640]  }
0x214: {  	[tilespmem:s10+$0x55B0] =	vst v8;
	v3 =	vmul.f32 v14, v15;
	v8 =	vld [tilespmem:s10+$0x5650]  }
0x215: {  	[tilespmem:s10+$0x55C0] =	vst v4;
	v4 =	vmul.f32 v9, v15;
	v9 =	vld [tilespmem:s10+$0x5660]  }
0x216: {  	[tilespmem:s10+$0x5600] =	vst v3;
	v3 =	vmul.f32 v13, v15;
	v11 =	vld [tilespmem:s10+$0x5670]  }
0x217: {  	[tilespmem:s10+$0x5610] =	vst v4;
	v4 =	vld [tilespmem:s10+$0x5680]  }
0x218: {  	[tilespmem:s10+$0x5050] =	vst v12;
	v10 =	vmul.f32 v10, v15;
	v12 =	vld [tilespmem:s10+$0x5690]  }
0x219: {  	[tilespmem:s10+$0x55E0] =	vst v6;
	v6 =	vmul.f32 v8, v15;
	v8 =	vld [tilespmem:s10+$0x56A0]  }
0x21a: {  	[tilespmem:s10+$0x5640] =	vst v10;
	v9 =	vmul.f32 v9, v15;
	v10 =	vbroadcast v2, $0xD;
	v13 =	vld [tilespmem:s10+$0x56B0]  }
0x21b: {  	[tilespmem:s10+$0x5650] =	vst v6;
	v6 =	vmul.f32 v11, v15;
	v11 =	vld [tilespmem:s10+$0x56C0]  }
0x21c: {  	[tilespmem:s10+$0x5660] =	vst v9;
	v4 =	vmul.f32 v4, v10;
	v9 =	vld [tilespmem:s10+$0x56D0]  }
0x21d: {  	[tilespmem:s10+$0x5670] =	vst v6;
	v6 =	vmul.f32 v12, v10;
	v12 =	vld [tilespmem:s10+$0x56E0]  }
0x21e: {  	[tilespmem:s10+$0x5680] =	vst v4;
	v4 =	vmul.f32 v8, v10;
	v8 =	vld [tilespmem:s10+$0x56F0]  }
0x21f: {  	[tilespmem:s10+$0x5690] =	vst v6;
	v6 =	vmul.f32 v13, v10;
	v13 =	vld [tilespmem:s10+$0x5700]  }
0x220: {  	[tilespmem:s10+$0x56A0] =	vst v4;
	v4 =	vmul.f32 v11, v10;
	v11 =	vld [tilespmem:s10+$0x5710]  }
0x221: {  	[tilespmem:s10+$0x56B0] =	vst v6;
	v6 =	vmul.f32 v9, v10;
	v9 =	vld [tilespmem:s10+$0x5720]  }
0x222: {  	v2 =	vbroadcast v2, $0xE;
	[tilespmem:s10+$0x55F0] =	vst v7;
	v7 =	vmul.f32 v12, v10;
	v12 =	vld [tilespmem:s10+$0x5730]  }
0x223: {  	[tilespmem:s10+$0x56D0] =	vst v6;
	v6 =	vmul.f32 v8, v10;
	v8 =	vld [tilespmem:s10+$0x5740]  }
0x224: {  	[tilespmem:s10+$0x56E0] =	vst v7;
	v7 =	vmul.f32 v13, v2;
	v10 =	vld [tilespmem:s10+$0x5750]  }
0x225: {  	[tilespmem:s10+$0x56F0] =	vst v6;
	v6 =	vmul.f32 v11, v2;
	v11 =	vld [tilespmem:s10+$0x5760]  }
0x226: {  	[tilespmem:s10+$0x5700] =	vst v7;
	v7 =	vmul.f32 v9, v2;
	v9 =	vld [tilespmem:s10+$0x5770]  }
0x227: {  	[tilespmem:s10+$0x5710] =	vst v6;
	v6 =	vmul.f32 v12, v2;
	v12 =	vld [tilespmem:s10+$0x5780]  }
0x228: {  	[tilespmem:s10+$0x5720] =	vst v7;
	v7 =	vmul.f32 v8, v2;
	v8 =	vld [tilespmem:s10+$0x5790]  }
0x229: {  	[tilespmem:s10+$0x5730] =	vst v6;
	v6 =	vmul.f32 v10, v2;
	v10 =	vld [tilespmem:s10+$0x57A0]  }
0x22a: {  	[tilespmem:s10+$0x5740] =	vst v7;
	v7 =	vmul.f32 v11, v2;
	v11 =	vld [tilespmem:s10+$0x57B0]  }
0x22b: {  	[tilespmem:s10+$0x56C0] =	vst v4;
	v2 =	vmul.f32 v9, v2;
	v4 =	vld [tilespmem:s10+$0x57C0]  }
0x22c: {  	[tilespmem:s10+$0x5760] =	vst v7;
	v7 =	vmul.f32 v12, v5;
	v9 =	vld [tilespmem:s10+$0x57E0]  }
0x22d: {  	[tilespmem:s10+$0x5770] =	vst v2;
	v2 =	vmul.f32 v8, v5;
	v8 =	vld [tilespmem:s10+$0x57F0]  }
0x22e: {  	[tilespmem:s10+$0x5780] =	vst v7;
	v7 =	vmul.f32 v10, v5  }
0x22f: {  	[tilespmem:s10+$0x5790] =	vst v2;
	v2 =	vmul.f32 v11, v5  }
0x230: {  	v10 =	vmul.f32 v16, v15;
	[tilespmem:s10+$0x57A0] =	vst v7  }
0x231: {  	[tilespmem:s10+$0x57B0] =	vst v2;
	v2 =	vmul.f32 v4, v5  }
.Ltmp1:
0x232: {  	[tilespmem:s10+$0x5630] =	vst v10;
	v4 =	vmul.f32 v8, v5;
	(pc) =	sbr.rel @p0 .LBB2_5-.Ltmp1, $4  }
0x233: {  	[tilespmem:s10+$0x57C0] =	vst v2  }
0x234: {  	v2 =	vmul.f32 v9, v5;
	[tilespmem:s10+$0x57F0] =	vst v4  }
0x235: {  	[tilespmem:s10+$0x5750] =	vst v6  }
0x236: {  	[tilespmem:s10+$0x57E0] =	vst v2  }
0x237: {  	[tilespmem:s10+$0x5620] =	vst v3  }
0x238: {  	[spmem:s2] =	stream.indirect.scatter.add.f32 [tilespmem:s24], [sflag:$0x4], $0x80, s9, s26, $0xb8;
	[tilespmem:$0x1DC00] =	vst v63  }
0x239: {  	s25 =	sadd.s32 $0x1, s25  }
0x23a: {  	[spmem:s7] =	stream.indirect.scatter.add.f32 [tilespmem:s5], [sflag:$0x5], $0x1, s9, s26, $0xb8;
	[tilespmem:$0x1DC00] =	vst v63  }
0x23b: {  	p0 =	sne.s32 s25, $0x4F;
	_ =	swait.ge [sflag:s1], $0x80  }
.Ltmp2:
0x23c: {  	[sflag:s1] =	ssyncset.done $0x0;
	(pc) =	sbr.rel @p0 .LBB2_4-.Ltmp2, $4  }
0x23d: {  	[sflag:s1] =	ssyncadd.s32 $0xFFFFFF80  }
0x23e: {  	_ =	swait.ge [sflag:s19], $0x4000  }
0x23f: {  	[sflag:s19] =	ssyncset.done $0x0  }
0x240: {  	[sflag:s19] =	ssyncadd.s32 $0xFFFFC000  }
0x241: {  	[bflag:$0x0] =	sbarrier.arrive $0xFFFF  }
0x242: {  	s9 =	sshrl.u32 s14, $0x3;
	s10 =	simm.s32 $0x20;
	s11 =	simm.s32 $0x10  }
0x243: {  	[hbm:s15@s10], [sflag:s21] =	dma.strided [spmem:s9@s11], $0x50, s4, $0x10   }
0x244: {  	s20 =	sadd.s32 $0x1, s20;
	_ =	swait.ge [sflag:s18], $0x50  }
0x245: {  	p0 =	sne.s32 s20, s17;
	[sflag:s18] =	ssyncset.done $0x0  }
.Ltmp3:
0x246: {  	s25 =	sshrl.u32 s13, $0x3;
	[sflag:s18] =	ssyncadd.s32 $0xFFFFFFB0;
	(pc) =	sbr.rel @p0 .LBB2_1-.Ltmp3, $4  }
0x247: {  	[hbm:s16], [sflag:s21] =	dma.local [spmem:s25], $0x2800  }
0x248: {  	_ =	swait.ge [sflag:s18], $0x2800  }
0x249: {  	[sflag:s18] =	ssyncset.done $0x0  }
0x24a: {  	[sflag:s18] =	ssyncadd.s32 $0xFFFFD800  }
0x24b: {  	_ =	sfence.sel $0x180000  }
0x24c: {  	[bflag:$0x0] =	sbarrier.arrive $0xFFFF  }
0x24d: {  	_ =	strace $0x90000047  }
0x24e: {  	s0 =	stileid.u32;
	[bflag:$0x2] =	sbarrier.arrive $0xFFFF  }
0x24f: {  	p0 =	sne.s32 s0, $0x0;
	s0 =	rddreg [dreg:$0xb]  }
0x250: {  	s0 =	sadd.s32 @!p0 $0x100000, s0  }
0x251: {  	[sflag:s0] =	ssyncadd.tile.s32 @!p0 $0x1;
	_ =	shalt  }
.Lfunc_end2:
_tile_overlayer_lowered:
.L_overlay_start_2:
0x252: {  	(tag) =	ssettag $0x2  }
0x253: {  	s0 =	rddreg [dreg:$0x0];
	s2 =	stileid.u32  }
0x254: {  	s1 =	rddreg [dreg:$0x1];
	p0 =	sne.s32 s2, $0x0  }
0x255: {  	s3 =	rddreg [dreg:$0x2];
	[bflag:$0x3] =	sbarrier.arrive $0xFFFF;
	s2 =	simm.s32 @!p0 $0x1C06  }
0x256: {  	[timem:s3], [sflag:s2] =	dma.local @!p0 [hbm:s0], s1  }
0x257: {  	s0 =	simm.s32 @!p0 $0x6  }
0x258: {  	_ =	swait.ge @!p0 [sflag:s0], s1  }
0x259: {  	s1 =	ssub.s32 @!p0 $0x0, s1;
	[sflag:s0] =	ssyncset.done @!p0 $0x0  }
0x25a: {  	[sflag:s0] =	ssyncadd.s32 @!p0 s1  }
0x25b: {  	[bflag:$0x3] =	sbarrier.arrive $0xFFFF  }
0x25c: {  	_ =	shalt  }

</sc_bundles>
